<compile_context>
chip_gen: v7x
topology: tpu7x:2x2x1
jax: 0.10.2.dev20260603
libtpu: 0.0.44.dev20260713+nightly
codegen_flags: <defaults>
</compile_context>

<pallas_src>
import functools

import jax
import jax.numpy as jnp
from jax import lax
from jax.experimental import pallas as pl
from jax.experimental.pallas import tpu as pltpu
from jax.experimental.pallas import tpu_sc as plsc

N = 10000
E = 320000
D = 128
H = 128
EXTRA = 16

NC = 2
NS = 16
CH = 128
EPAD = NC * NS * 80 * CH
NROW = EPAD // CH
NPAD = 10240
RPT = NPAD // NS
DEG_ROWS = NROW // (NC * NS)
AGG_ROWS = NROW // (NC * NS)

_SELU_ALPHA = 1.6732632423543772
_SELU_SCALE = 1.0507009873554805

_MESH = dict(core_axis_name="c", subcore_axis_name="s", num_cores=NC,
             num_subcores=NS)


def _selu(x):
    return _SELU_SCALE * jnp.where(x > 0, x, _SELU_ALPHA * (jnp.exp(x) - 1.0))


@functools.partial(
    pl.kernel,
    out_type=[jax.ShapeDtypeStruct((2 * NPAD,), jnp.float32),
              jax.ShapeDtypeStruct((2 * NPAD,), jnp.float32)],
    mesh=plsc.VectorSubcoreMesh(**_MESH),
    scratch_types=[
        pltpu.VMEM((DEG_ROWS, CH), jnp.int32),
        pltpu.VMEM((DEG_ROWS, CH), jnp.int32),
        pltpu.VMEM((CH,), jnp.float32),
        pltpu.VMEM((RPT,), jnp.float32),
        pltpu.VMEM_SHARED((NPAD,), jnp.float32),
        pltpu.VMEM_SHARED((NPAD,), jnp.float32),
        pltpu.SemaphoreType.DMA,
        pltpu.SemaphoreType.DMA,
    ],
)
def _deg_kernel(src_h, dst_h, dg0_h, dg1_h,
                idxs_v, idxd_v, ones_v, zbuf_v, dego_sh, degi_sh,
                sso, ssi):
    cid = lax.axis_index("c")
    sid = lax.axis_index("s")
    base = (cid * NS + sid) * DEG_ROWS

    for i in range(CH // 16):
        ones_v[pl.ds(i * 16, 16)] = jnp.ones((16,), jnp.float32)
    for i in range(RPT // 16):
        zbuf_v[pl.ds(i * 16, 16)] = jnp.zeros((16,), jnp.float32)
    pltpu.sync_copy(zbuf_v, dego_sh.at[pl.ds(sid * RPT, RPT)])
    pltpu.sync_copy(zbuf_v, degi_sh.at[pl.ds(sid * RPT, RPT)])
    pltpu.sync_copy(src_h.at[pl.ds(base, DEG_ROWS)], idxs_v)
    pltpu.sync_copy(dst_h.at[pl.ds(base, DEG_ROWS)], idxd_v)
    plsc.subcore_barrier()

    def body(j, carry):
        pltpu.async_copy(ones_v, dego_sh.at[idxs_v.at[j]], sso, add=True)
        pltpu.async_copy(ones_v, degi_sh.at[idxd_v.at[j]], ssi, add=True)
        pltpu.make_async_copy(ones_v, dego_sh.at[idxs_v.at[0]], sso).wait()
        pltpu.make_async_copy(ones_v, degi_sh.at[idxd_v.at[0]], ssi).wait()
        return carry

    lax.fori_loop(0, DEG_ROWS, body, 0)
    plsc.subcore_barrier()

    @pl.when(cid == 0)
    def _():
        pltpu.sync_copy(dego_sh.at[pl.ds(sid * RPT, RPT)],
                        dg0_h.at[pl.ds(sid * RPT, RPT)])
        pltpu.sync_copy(degi_sh.at[pl.ds(sid * RPT, RPT)],
                        dg0_h.at[pl.ds(NPAD + sid * RPT, RPT)])

    @pl.when(cid == 1)
    def _():
        pltpu.sync_copy(dego_sh.at[pl.ds(sid * RPT, RPT)],
                        dg1_h.at[pl.ds(sid * RPT, RPT)])
        pltpu.sync_copy(degi_sh.at[pl.ds(sid * RPT, RPT)],
                        dg1_h.at[pl.ds(NPAD + sid * RPT, RPT)])


@functools.partial(
    pl.kernel,
    out_type=[jax.ShapeDtypeStruct((NPAD, D), jnp.float32),
              jax.ShapeDtypeStruct((NPAD, D), jnp.float32)],
    mesh=plsc.VectorSubcoreMesh(**_MESH),
    scratch_types=[
        pltpu.VMEM((AGG_ROWS // 2, CH), jnp.int32),
        pltpu.VMEM((AGG_ROWS // 2, CH), jnp.int32),
        pltpu.VMEM((CH, D), jnp.float32),
        pltpu.VMEM((CH, D), jnp.float32),
        pltpu.VMEM_SHARED((NPAD, D), jnp.float32),
        pltpu.SemaphoreType.DMA,
        pltpu.SemaphoreType.DMA,
    ],
)
def _agg_kernel(src_h, dst_h, xs_h, zeros_h, p0_h, p1_h, idxs_v, idxd_v,
                rows0_v, rows1_v, agg_sh, gsem0, gsem1):
    cid = lax.axis_index("c")
    sid = lax.axis_index("s")
    base = (cid * NS + sid) * AGG_ROWS
    PH = AGG_ROWS // 2

    for phase in range(2):
        pltpu.sync_copy(src_h.at[pl.ds(base + phase * PH, PH)], idxs_v)
        pltpu.sync_copy(dst_h.at[pl.ds(base + phase * PH, PH)], idxd_v)
        pltpu.async_copy(xs_h.at[idxs_v.at[0]], rows0_v, gsem0)
        if phase == 0:
            pltpu.sync_copy(zeros_h.at[pl.ds(sid * RPT, RPT)],
                            agg_sh.at[pl.ds(sid * RPT, RPT)])
            plsc.subcore_barrier()

        def body(i, carry):
            j = i * 2
            pltpu.async_copy(xs_h.at[idxs_v.at[j + 1]], rows1_v, gsem1)
            pltpu.make_async_copy(xs_h.at[idxs_v.at[j]], rows0_v,
                                  gsem0).wait()
            pltpu.sync_copy(rows0_v, agg_sh.at[idxd_v.at[j]], add=True)

            @pl.when(j + 2 < PH)
            def _():
                pltpu.async_copy(xs_h.at[idxs_v.at[j + 2]], rows0_v, gsem0)

            pltpu.make_async_copy(xs_h.at[idxs_v.at[j + 1]], rows1_v,
                                  gsem1).wait()
            pltpu.sync_copy(rows1_v, agg_sh.at[idxd_v.at[j + 1]], add=True)
            return carry

        lax.fori_loop(0, PH // 2, body, 0)

    plsc.subcore_barrier()

    @pl.when(cid == 0)
    def _():
        pltpu.sync_copy(agg_sh.at[pl.ds(sid * RPT, RPT)],
                        p0_h.at[pl.ds(sid * RPT, RPT)])

    @pl.when(cid == 1)
    def _():
        pltpu.sync_copy(agg_sh.at[pl.ds(sid * RPT, RPT)],
                        p1_h.at[pl.ds(sid * RPT, RPT)])


GB = 8
RB = NPAD // GB


def _prep_body(x_ref, dgo0_ref, dgo1_ref, dgi0_ref, dgi1_ref,
               xs_ref, sc_ref):
    dgo = dgo0_ref[...] + dgo1_ref[...]
    dgi = dgi0_ref[...] + dgi1_ref[...]
    so = lax.rsqrt(jnp.maximum(dgo, 1.0))
    si = lax.rsqrt(jnp.maximum(dgi, 1.0))
    sc_ref[:, 0:1] = si
    sc_ref[:, 1:2] = so
    xs_ref[...] = x_ref[...] * so


def _layer_body(p0_ref, p1_ref, sc_ref, w_ref, b_ref, out_ref):
    agg = (p0_ref[...] + p1_ref[...]) * sc_ref[:, 0:1]
    z = jnp.dot(agg, w_ref[...], preferred_element_type=jnp.float32)
    out_ref[...] = _selu(z + b_ref[...]) * sc_ref[:, 1:2]


def _final_body(p0_ref, p1_ref, sc_ref, w3_ref, b3_ref, fg_ref, wl1_ref,
                bl1_ref, wl2_ref, bl2_ref, wl3_ref, bl3_ref, out_ref):
    agg = (p0_ref[pl.ds(0, N), :] + p1_ref[pl.ds(0, N), :]) \
        * sc_ref[pl.ds(0, N), 0:1]
    h = jnp.dot(agg, w3_ref[...], preferred_element_type=jnp.float32)
    h = h + b3_ref[...]
    emb = jnp.mean(h, axis=0, keepdims=True)
    t = (jnp.dot(emb, wl1_ref[pl.ds(0, H), :],
                 preferred_element_type=jnp.float32)
         + jnp.dot(fg_ref[...], wl1_ref[pl.ds(H, EXTRA), :],
                   preferred_element_type=jnp.float32)
         + bl1_ref[...])
    t = _selu(t)
    t = _selu(jnp.dot(t, wl2_ref[...], preferred_element_type=jnp.float32)
              + bl2_ref[...])
    out_ref[...] = (jnp.dot(t, wl3_ref[...],
                            preferred_element_type=jnp.float32)
                    + bl3_ref[...])


def kernel(edge_index, feats_node, feats_graph, W1, b1, W2, b2, W3, b3,
           Wl1, bl1, Wl2, bl2, Wl3, bl3):
    f32 = jnp.float32
    pad_idx = N + jnp.arange(EPAD - E, dtype=jnp.int32) % (NPAD - N)
    src = jnp.concatenate([edge_index[0], pad_idx]).reshape(NROW, CH)
    dst = jnp.concatenate([edge_index[1], pad_idx]).reshape(NROW, CH)
    x_pad = jnp.concatenate(
        [feats_node, jnp.zeros((NPAD - N, D), f32)], axis=0)
    zeros2d = jnp.zeros((NPAD, D), f32)

    dg0, dg1 = _deg_kernel(src, dst)
    dg0 = dg0.reshape(2 * NPAD, 1)
    dg1 = dg1.reshape(2 * NPAD, 1)

    colv = lambda off: pl.BlockSpec((RB, 1), lambda i, off=off: (i + off, 0))
    col2 = pl.BlockSpec((RB, 2), lambda i: (i, 0))
    rowsD = pl.BlockSpec((RB, D), lambda i: (i, 0))
    whole = lambda s: pl.BlockSpec(s, lambda i: (0, 0))

    xs0, sc = pl.pallas_call(
        _prep_body,
        grid=(GB,),
        in_specs=[rowsD, colv(0), colv(0), colv(GB), colv(GB)],
        out_specs=[rowsD, col2],
        out_shape=[jax.ShapeDtypeStruct((NPAD, D), f32),
                   jax.ShapeDtypeStruct((NPAD, 2), f32)],
    )(x_pad, dg0, dg1, dg0, dg1)

    layer = pl.pallas_call(
        _layer_body,
        grid=(GB,),
        in_specs=[rowsD, rowsD, col2,
                  whole((D, H)), whole((1, H))],
        out_specs=rowsD,
        out_shape=jax.ShapeDtypeStruct((NPAD, D), f32),
    )

    x = xs0
    for W, b in ((W1, b1), (W2, b2)):
        pa, pb = _agg_kernel(src, dst, x, zeros2d)
        x = layer(pa, pb, sc, W, b.reshape(1, H))

    pa, pb = _agg_kernel(src, dst, x, zeros2d)
    out = pl.pallas_call(
        _final_body,
        out_shape=jax.ShapeDtypeStruct((1, 1), f32),
    )(pa, pb, sc, W3, b3.reshape(1, H), feats_graph, Wl1,
      bl1.reshape(1, 2 * H), Wl2, bl2.reshape(1, H), Wl3, bl3.reshape(1, 1))
    return out.reshape(-1)

# --- scband reference (transcript-rebuilt; emitter-appended) ---
"""Pipeline reference for scband-gcnmodel-26018911879219 (READ-ONLY COPY).

The authoritative reference and input builder live on the scoring server;
editing this copy changes nothing except your own understanding.
"""

import jax, jax.numpy as jnp
import numpy as np

N = 10000
E = 320000
D = 128
H = 128
EXTRA = 16


def setup_inputs(seed: int = 0) -> dict:
    key = jax.random.key(seed)
    ks = jax.random.split(key, 16)
    edge_index = jax.random.randint(ks[0], (2, E), 0, N, dtype=jnp.int32)
    feats_node = jax.random.normal(ks[1], (N, D), dtype=jnp.float32)
    feats_graph = jax.random.normal(ks[2], (1, EXTRA), dtype=jnp.float32)
    # GraphConv weights (in, out) layout; init normal(std=0.5), zero bias (as in torch init)
    W1 = 0.5 * jax.random.normal(ks[3], (D, H), dtype=jnp.float32)
    b1 = jnp.zeros((H,), dtype=jnp.float32)
    W2 = 0.5 * jax.random.normal(ks[4], (H, H), dtype=jnp.float32)
    b2 = jnp.zeros((H,), dtype=jnp.float32)
    W3 = 0.5 * jax.random.normal(ks[5], (H, H), dtype=jnp.float32)
    b3 = jnp.zeros((H,), dtype=jnp.float32)
    Wl1 = 0.5 * jax.random.normal(ks[6], (H + EXTRA, 2 * H), dtype=jnp.float32)
    bl1 = jnp.zeros((2 * H,), dtype=jnp.float32)
    Wl2 = 0.5 * jax.random.normal(ks[7], (2 * H, H), dtype=jnp.float32)
    bl2 = jnp.zeros((H,), dtype=jnp.float32)
    Wl3 = 0.5 * jax.random.normal(ks[8], (H, 1), dtype=jnp.float32)
    bl3 = jnp.zeros((1,), dtype=jnp.float32)
    return {"edge_index": edge_index, "feats_node": feats_node, "feats_graph": feats_graph,
            "W1": W1, "b1": b1, "W2": W2, "b2": b2, "W3": W3, "b3": b3,
            "Wl1": Wl1, "bl1": bl1, "Wl2": Wl2, "bl2": bl2, "Wl3": Wl3, "bl3": bl3}


def _gcn_layer(x, W, b, src, dst):
    # DGL GraphConv, norm='both': x' = D_in^{-1/2} A (D_out^{-1/2} x) W + b
    ones = jnp.ones((src.shape[0],), dtype=x.dtype)
    deg_out = jax.ops.segment_sum(ones, src, num_segments=N)
    deg_out = jnp.maximum(deg_out, 1.0)
    xs = x * (deg_out ** -0.5)[:, None]
    agg = jax.ops.segment_sum(xs[src], dst, num_segments=N)
    deg_in = jax.ops.segment_sum(ones, dst, num_segments=N)
    deg_in = jnp.maximum(deg_in, 1.0)
    agg = agg * (deg_in ** -0.5)[:, None]
    return agg @ W + b


def reference(edge_index, feats_node, feats_graph, W1, b1, W2, b2, W3, b3, Wl1, bl1, Wl2, bl2, Wl3, bl3):
    src = edge_index[0]
    dst = edge_index[1]
    x = jax.nn.selu(_gcn_layer(feats_node, W1, b1, src, dst))
    x = jax.nn.selu(_gcn_layer(x, W2, b2, src, dst))
    x = _gcn_layer(x, W3, b3, src, dst)
    # Readout: mean over nodes of the single graph -> [1, H]
    embedding = jnp.mean(x, axis=0, keepdims=True)
    y = jnp.concatenate([embedding, feats_graph], axis=1)
    y = jax.nn.selu(y @ Wl1 + bl1)
    y = jax.nn.selu(y @ Wl2 + bl2)
    return (y @ Wl3 + bl3).reshape(-1)

if __name__ == "__main__":
    import jax
    _d = setup_inputs()
    print(jax.jit(kernel)(*tuple(_d.values())))

</pallas_src>

<mosaic_0001>
#map = affine_map<(d0, d1) -> (0, 0)>
module attributes {stable_mosaic.version = 14 : i64} {
  func.func @_agg_kernel(%arg0: i32, %arg1: i32, %arg2: memref<2560x128xi32, #tpu.memory_space<hbm>>, %arg3: memref<2560x128xi32, #tpu.memory_space<hbm>>, %arg4: memref<10240x128xf32, #tpu.memory_space<hbm>>, %arg5: memref<10240x128xf32, #tpu.memory_space<hbm>>, %arg6: memref<10240x128xf32, #tpu.memory_space<hbm>>, %arg7: memref<10240x128xf32, #tpu.memory_space<hbm>>, %arg8: memref<40x128xi32, #tpu.memory_space<vmem>>, %arg9: memref<40x128xi32, #tpu.memory_space<vmem>>, %arg10: memref<128x128xf32, #tpu.memory_space<vmem>>, %arg11: memref<128x128xf32, #tpu.memory_space<vmem>>, %arg12: memref<10240x128xf32, #tpu.memory_space<vmem_shared>>, %arg13: memref<!tpu.dma_semaphore, #tpu.memory_space<semaphore_mem>>, %arg14: memref<!tpu.dma_semaphore, #tpu.memory_space<semaphore_mem>>) attributes {dimension_semantics = [#tpu.dimension_semantics<core_parallel>, #tpu.dimension_semantics<subcore_parallel>], iteration_bounds = array<i64: 2, 16>, scalar_prefetch = 0 : i64, scratch_operands = 7 : i64, tpu.core_type = #tpu.core_type<sc_vector_subcore>, window_params = [{transform_indices = #map}, {transform_indices = #map}, {transform_indices = #map}, {transform_indices = #map}, {transform_indices = #map}, {transform_indices = #map}]} {
    %mul3A = arith.constant 16 : i32
    %mul3A_0 = arith.muli %arg0, %mul3A : i32
    %add3A = arith.addi %mul3A_0, %arg1 : i32
    %mul3A_1 = arith.constant 80 : i32
    %mul3A_2 = arith.muli %add3A, %mul3A_1 : i32
    %add3A_3 = arith.constant 0 : i32
    %add3A_4 = arith.addi %mul3A_2, %add3A_3 : i32
    "tpu.region"() ({
      %run_scoped3A = tpu.sem_alloc : memref<!tpu.dma_semaphore, #tpu.memory_space<semaphore_mem>>
      %dma_start3A_47 = arith.constant 0 : i32
      %dma_start3A_48 = tpu.memref_slice %arg2[%add3A_4, %dma_start3A_47] : memref<2560x128xi32, #tpu.memory_space<hbm>> -> memref<40x128xi32, #tpu.memory_space<hbm>>
      %dma_start3A_49 = arith.constant 0 : i32
      %dma_start3A_50 = tpu.memref_slice %arg2[%add3A_4, %dma_start3A_49] : memref<2560x128xi32, #tpu.memory_space<hbm>> -> memref<40x128xi32, #tpu.memory_space<hbm>>
      tpu.enqueue_dma source(%dma_start3A_50 : memref<40x128xi32, #tpu.memory_space<hbm>>) target(%arg8 : memref<40x128xi32, #tpu.memory_space<vmem>>) target_semaphore(%run_scoped3A : memref<!tpu.dma_semaphore, #tpu.memory_space<semaphore_mem>>)
      %dma_wait3A = arith.constant 0 : i32
      %dma_wait3A_51 = tpu.memref_slice %arg2[%add3A_4, %dma_wait3A] : memref<2560x128xi32, #tpu.memory_space<hbm>> -> memref<40x128xi32, #tpu.memory_space<hbm>>
      %dma_wait3A_52 = arith.constant 0 : i32
      %dma_wait3A_53 = tpu.memref_slice %arg2[%add3A_4, %dma_wait3A_52] : memref<2560x128xi32, #tpu.memory_space<hbm>> -> memref<40x128xi32, #tpu.memory_space<hbm>>
      tpu.wait_dma2 semaphore(%run_scoped3A : memref<!tpu.dma_semaphore, #tpu.memory_space<semaphore_mem>>) src(%dma_wait3A_53 : memref<40x128xi32, #tpu.memory_space<hbm>>) dst(%arg8 : memref<40x128xi32, #tpu.memory_space<vmem>>)
      tpu.yield
    }) : () -> ()
    %add3A_5 = arith.constant 0 : i32
    %add3A_6 = arith.addi %mul3A_2, %add3A_5 : i32
    "tpu.region"() ({
      %run_scoped3A = tpu.sem_alloc : memref<!tpu.dma_semaphore, #tpu.memory_space<semaphore_mem>>
      %dma_start3A_47 = arith.constant 0 : i32
      %dma_start3A_48 = tpu.memref_slice %arg3[%add3A_6, %dma_start3A_47] : memref<2560x128xi32, #tpu.memory_space<hbm>> -> memref<40x128xi32, #tpu.memory_space<hbm>>
      %dma_start3A_49 = arith.constant 0 : i32
      %dma_start3A_50 = tpu.memref_slice %arg3[%add3A_6, %dma_start3A_49] : memref<2560x128xi32, #tpu.memory_space<hbm>> -> memref<40x128xi32, #tpu.memory_space<hbm>>
      tpu.enqueue_dma source(%dma_start3A_50 : memref<40x128xi32, #tpu.memory_space<hbm>>) target(%arg9 : memref<40x128xi32, #tpu.memory_space<vmem>>) target_semaphore(%run_scoped3A : memref<!tpu.dma_semaphore, #tpu.memory_space<semaphore_mem>>)
      %dma_wait3A = arith.constant 0 : i32
      %dma_wait3A_51 = tpu.memref_slice %arg3[%add3A_6, %dma_wait3A] : memref<2560x128xi32, #tpu.memory_space<hbm>> -> memref<40x128xi32, #tpu.memory_space<hbm>>
      %dma_wait3A_52 = arith.constant 0 : i32
      %dma_wait3A_53 = tpu.memref_slice %arg3[%add3A_6, %dma_wait3A_52] : memref<2560x128xi32, #tpu.memory_space<hbm>> -> memref<40x128xi32, #tpu.memory_space<hbm>>
      tpu.wait_dma2 semaphore(%run_scoped3A : memref<!tpu.dma_semaphore, #tpu.memory_space<semaphore_mem>>) src(%dma_wait3A_53 : memref<40x128xi32, #tpu.memory_space<hbm>>) dst(%arg9 : memref<40x128xi32, #tpu.memory_space<vmem>>)
      tpu.yield
    }) : () -> ()
    %dma_start3A = arith.constant 0 : i32
    %dma_start3A_7 = arith.constant 0 : i32
    %dma_start3A_8 = tpu.memref_slice %arg8[%dma_start3A, %dma_start3A_7] : memref<40x128xi32, #tpu.memory_space<vmem>> -> memref<1x128xi32, #tpu.memory_space<vmem>>
    %dma_start3A_9 = tpu.memref_squeeze %dma_start3A_8 : memref<1x128xi32, #tpu.memory_space<vmem>> -> memref<128xi32, #tpu.memory_space<vmem>>
    %dma_start3A_10 = arith.constant 0 : i32
    %dma_start3A_11 = arith.constant 0 : i32
    %dma_start3A_12 = tpu.memref_slice %arg4[%dma_start3A_10, %dma_start3A_11] : memref<10240x128xf32, #tpu.memory_space<hbm>> -> memref<10240x128xf32, #tpu.memory_space<hbm>>
    tpu.enqueue_indirect_dma source(%dma_start3A_12 : memref<10240x128xf32, #tpu.memory_space<hbm>>) target(%arg10 : memref<128x128xf32, #tpu.memory_space<vmem>>) offsets(%dma_start3A_9 : memref<128xi32, #tpu.memory_space<vmem>>) semaphore(%arg13 : memref<!tpu.dma_semaphore, #tpu.memory_space<semaphore_mem>>)
    %mul3A_13 = arith.constant 640 : i32
    %mul3A_14 = arith.muli %arg1, %mul3A_13 : i32
    %mul3A_15 = arith.constant 640 : i32
    %mul3A_16 = arith.muli %arg1, %mul3A_15 : i32
    "tpu.region"() ({
      %run_scoped3A = tpu.sem_alloc : memref<!tpu.dma_semaphore, #tpu.memory_space<semaphore_mem>>
      %dma_start3A_47 = arith.constant 0 : i32
      %dma_start3A_48 = tpu.memref_slice %arg12[%mul3A_16, %dma_start3A_47] : memref<10240x128xf32, #tpu.memory_space<vmem_shared>> -> memref<640x128xf32, #tpu.memory_space<vmem_shared>>
      %dma_start3A_49 = arith.constant 0 : i32
      %dma_start3A_50 = tpu.memref_slice %arg5[%mul3A_14, %dma_start3A_49] : memref<10240x128xf32, #tpu.memory_space<hbm>> -> memref<640x128xf32, #tpu.memory_space<hbm>>
      tpu.enqueue_dma source(%dma_start3A_50 : memref<640x128xf32, #tpu.memory_space<hbm>>) target(%dma_start3A_48 : memref<640x128xf32, #tpu.memory_space<vmem_shared>>) target_semaphore(%run_scoped3A : memref<!tpu.dma_semaphore, #tpu.memory_space<semaphore_mem>>)
      %dma_wait3A = arith.constant 0 : i32
      %dma_wait3A_51 = tpu.memref_slice %arg12[%mul3A_16, %dma_wait3A] : memref<10240x128xf32, #tpu.memory_space<vmem_shared>> -> memref<640x128xf32, #tpu.memory_space<vmem_shared>>
      %dma_wait3A_52 = arith.constant 0 : i32
      %dma_wait3A_53 = tpu.memref_slice %arg5[%mul3A_14, %dma_wait3A_52] : memref<10240x128xf32, #tpu.memory_space<hbm>> -> memref<640x128xf32, #tpu.memory_space<hbm>>
      tpu.wait_dma2 semaphore(%run_scoped3A : memref<!tpu.dma_semaphore, #tpu.memory_space<semaphore_mem>>) src(%dma_wait3A_53 : memref<640x128xf32, #tpu.memory_space<hbm>>) dst(%dma_wait3A_51 : memref<640x128xf32, #tpu.memory_space<vmem_shared>>)
      tpu.yield
    }) : () -> ()
    %barrier3A = arith.constant 0 : index
    tpu.barrier barrier_id(%barrier3A)
    %scan3A = arith.constant 0 : i32
    %scan3A_17 = arith.constant 0 : i32
    %scan3A_18 = arith.constant 20 : i32
    %scan3A_19 = arith.addi %scan3A_17, %scan3A_18 : i32
    %scan3A_20 = arith.constant 1 : i32
    scf.for %scan3A_47 = %scan3A_17 to %scan3A_19 step %scan3A_20  : i32 {
      %mul3A_48 = arith.constant 2 : i32
      %mul3A_49 = arith.muli %scan3A_47, %mul3A_48 : i32
      %add3A_50 = arith.constant 1 : i32
      %add3A_51 = arith.addi %mul3A_49, %add3A_50 : i32
      %dma_start3A_52 = arith.constant 0 : i32
      %dma_start3A_53 = tpu.memref_slice %arg8[%add3A_51, %dma_start3A_52] : memref<40x128xi32, #tpu.memory_space<vmem>> -> memref<1x128xi32, #tpu.memory_space<vmem>>
      %dma_start3A_54 = tpu.memref_squeeze %dma_start3A_53 : memref<1x128xi32, #tpu.memory_space<vmem>> -> memref<128xi32, #tpu.memory_space<vmem>>
      %dma_start3A_55 = arith.constant 0 : i32
      %dma_start3A_56 = arith.constant 0 : i32
      %dma_start3A_57 = tpu.memref_slice %arg4[%dma_start3A_55, %dma_start3A_56] : memref<10240x128xf32, #tpu.memory_space<hbm>> -> memref<10240x128xf32, #tpu.memory_space<hbm>>
      tpu.enqueue_indirect_dma source(%dma_start3A_57 : memref<10240x128xf32, #tpu.memory_space<hbm>>) target(%arg11 : memref<128x128xf32, #tpu.memory_space<vmem>>) offsets(%dma_start3A_54 : memref<128xi32, #tpu.memory_space<vmem>>) semaphore(%arg14 : memref<!tpu.dma_semaphore, #tpu.memory_space<semaphore_mem>>)
      %dma_wait3A = arith.constant 0 : i32
      %dma_wait3A_58 = tpu.memref_slice %arg8[%mul3A_49, %dma_wait3A] : memref<40x128xi32, #tpu.memory_space<vmem>> -> memref<1x128xi32, #tpu.memory_space<vmem>>
      %dma_wait3A_59 = tpu.memref_squeeze %dma_wait3A_58 : memref<1x128xi32, #tpu.memory_space<vmem>> -> memref<128xi32, #tpu.memory_space<vmem>>
      %dma_wait3A_60 = arith.constant 0 : i32
      %dma_wait3A_61 = arith.constant 0 : i32
      %dma_wait3A_62 = tpu.memref_slice %arg4[%dma_wait3A_60, %dma_wait3A_61] : memref<10240x128xf32, #tpu.memory_space<hbm>> -> memref<10240x128xf32, #tpu.memory_space<hbm>>
      tpu.wait_indirect_dma semaphore(%arg13 : memref<!tpu.dma_semaphore, #tpu.memory_space<semaphore_mem>>) src(%dma_wait3A_62 : memref<10240x128xf32, #tpu.memory_space<hbm>>) dst(%arg10 : memref<128x128xf32, #tpu.memory_space<vmem>>)
      "tpu.region"() ({
        %run_scoped3A = tpu.sem_alloc : memref<!tpu.dma_semaphore, #tpu.memory_space<semaphore_mem>>
        %dma_start3A_79 = arith.constant 0 : i32
        %dma_start3A_80 = tpu.memref_slice %arg9[%mul3A_49, %dma_start3A_79] : memref<40x128xi32, #tpu.memory_space<vmem>> -> memref<1x128xi32, #tpu.memory_space<vmem>>
        %dma_start3A_81 = tpu.memref_squeeze %dma_start3A_80 : memref<1x128xi32, #tpu.memory_space<vmem>> -> memref<128xi32, #tpu.memory_space<vmem>>
        %dma_start3A_82 = arith.constant 0 : i32
        %dma_start3A_83 = arith.constant 0 : i32
        %dma_start3A_84 = tpu.memref_slice %arg12[%dma_start3A_82, %dma_start3A_83] : memref<10240x128xf32, #tpu.memory_space<vmem_shared>> -> memref<10240x128xf32, #tpu.memory_space<vmem_shared>>
        tpu.enqueue_indirect_dma source(%arg10 : memref<128x128xf32, #tpu.memory_space<vmem>>) target(%dma_start3A_84 : memref<10240x128xf32, #tpu.memory_space<vmem_shared>>) offsets(%dma_start3A_81 : memref<128xi32, #tpu.memory_space<vmem>>) semaphore(%run_scoped3A : memref<!tpu.dma_semaphore, #tpu.memory_space<semaphore_mem>>) {add = true}
        %dma_wait3A_85 = arith.constant 0 : i32
        %dma_wait3A_86 = tpu.memref_slice %arg9[%mul3A_49, %dma_wait3A_85] : memref<40x128xi32, #tpu.memory_space<vmem>> -> memref<1x128xi32, #tpu.memory_space<vmem>>
        %dma_wait3A_87 = tpu.memref_squeeze %dma_wait3A_86 : memref<1x128xi32, #tpu.memory_space<vmem>> -> memref<128xi32, #tpu.memory_space<vmem>>
        %dma_wait3A_88 = arith.constant 0 : i32
        %dma_wait3A_89 = arith.constant 0 : i32
        %dma_wait3A_90 = tpu.memref_slice %arg12[%dma_wait3A_88, %dma_wait3A_89] : memref<10240x128xf32, #tpu.memory_space<vmem_shared>> -> memref<10240x128xf32, #tpu.memory_space<vmem_shared>>
        tpu.wait_indirect_dma semaphore(%run_scoped3A : memref<!tpu.dma_semaphore, #tpu.memory_space<semaphore_mem>>) src(%arg10 : memref<128x128xf32, #tpu.memory_space<vmem>>) dst(%dma_wait3A_90 : memref<10240x128xf32, #tpu.memory_space<vmem_shared>>)
        tpu.yield
      }) : () -> ()
      %add3A_63 = arith.constant 2 : i32
      %add3A_64 = arith.addi %mul3A_49, %add3A_63 : i32
      %lt3A = arith.constant 40 : i32
      %lt3A_65 = arith.cmpi slt, %add3A_64, %lt3A : i32
      %convert_element_type3A_66 = arith.extui %lt3A_65 : i1 to i32
      %cond3A_67 = arith.constant 0 : i32
      %cond3A_68 = arith.cmpi ne, %convert_element_type3A_66, %cond3A_67 : i32
      scf.if %cond3A_68 {
        %add3A_79 = arith.constant 2 : i32
        %add3A_80 = arith.addi %mul3A_49, %add3A_79 : i32
        %dma_start3A_81 = arith.constant 0 : i32
        %dma_start3A_82 = tpu.memref_slice %arg8[%add3A_80, %dma_start3A_81] : memref<40x128xi32, #tpu.memory_space<vmem>> -> memref<1x128xi32, #tpu.memory_space<vmem>>
        %dma_start3A_83 = tpu.memref_squeeze %dma_start3A_82 : memref<1x128xi32, #tpu.memory_space<vmem>> -> memref<128xi32, #tpu.memory_space<vmem>>
        %dma_start3A_84 = arith.constant 0 : i32
        %dma_start3A_85 = arith.constant 0 : i32
        %dma_start3A_86 = tpu.memref_slice %arg4[%dma_start3A_84, %dma_start3A_85] : memref<10240x128xf32, #tpu.memory_space<hbm>> -> memref<10240x128xf32, #tpu.memory_space<hbm>>
        tpu.enqueue_indirect_dma source(%dma_start3A_86 : memref<10240x128xf32, #tpu.memory_space<hbm>>) target(%arg10 : memref<128x128xf32, #tpu.memory_space<vmem>>) offsets(%dma_start3A_83 : memref<128xi32, #tpu.memory_space<vmem>>) semaphore(%arg13 : memref<!tpu.dma_semaphore, #tpu.memory_space<semaphore_mem>>)
      } else {
      }
      %add3A_69 = arith.constant 1 : i32
      %add3A_70 = arith.addi %mul3A_49, %add3A_69 : i32
      %dma_wait3A_71 = arith.constant 0 : i32
      %dma_wait3A_72 = tpu.memref_slice %arg8[%add3A_70, %dma_wait3A_71] : memref<40x128xi32, #tpu.memory_space<vmem>> -> memref<1x128xi32, #tpu.memory_space<vmem>>
      %dma_wait3A_73 = tpu.memref_squeeze %dma_wait3A_72 : memref<1x128xi32, #tpu.memory_space<vmem>> -> memref<128xi32, #tpu.memory_space<vmem>>
      %dma_wait3A_74 = arith.constant 0 : i32
      %dma_wait3A_75 = arith.constant 0 : i32
      %dma_wait3A_76 = tpu.memref_slice %arg4[%dma_wait3A_74, %dma_wait3A_75] : memref<10240x128xf32, #tpu.memory_space<hbm>> -> memref<10240x128xf32, #tpu.memory_space<hbm>>
      tpu.wait_indirect_dma semaphore(%arg14 : memref<!tpu.dma_semaphore, #tpu.memory_space<semaphore_mem>>) src(%dma_wait3A_76 : memref<10240x128xf32, #tpu.memory_space<hbm>>) dst(%arg11 : memref<128x128xf32, #tpu.memory_space<vmem>>)
      %add3A_77 = arith.constant 1 : i32
      %add3A_78 = arith.addi %mul3A_49, %add3A_77 : i32
      "tpu.region"() ({
        %run_scoped3A = tpu.sem_alloc : memref<!tpu.dma_semaphore, #tpu.memory_space<semaphore_mem>>
        %dma_start3A_79 = arith.constant 0 : i32
        %dma_start3A_80 = tpu.memref_slice %arg9[%add3A_78, %dma_start3A_79] : memref<40x128xi32, #tpu.memory_space<vmem>> -> memref<1x128xi32, #tpu.memory_space<vmem>>
        %dma_start3A_81 = tpu.memref_squeeze %dma_start3A_80 : memref<1x128xi32, #tpu.memory_space<vmem>> -> memref<128xi32, #tpu.memory_space<vmem>>
        %dma_start3A_82 = arith.constant 0 : i32
        %dma_start3A_83 = arith.constant 0 : i32
        %dma_start3A_84 = tpu.memref_slice %arg12[%dma_start3A_82, %dma_start3A_83] : memref<10240x128xf32, #tpu.memory_space<vmem_shared>> -> memref<10240x128xf32, #tpu.memory_space<vmem_shared>>
        tpu.enqueue_indirect_dma source(%arg11 : memref<128x128xf32, #tpu.memory_space<vmem>>) target(%dma_start3A_84 : memref<10240x128xf32, #tpu.memory_space<vmem_shared>>) offsets(%dma_start3A_81 : memref<128xi32, #tpu.memory_space<vmem>>) semaphore(%run_scoped3A : memref<!tpu.dma_semaphore, #tpu.memory_space<semaphore_mem>>) {add = true}
        %dma_wait3A_85 = arith.constant 0 : i32
        %dma_wait3A_86 = tpu.memref_slice %arg9[%add3A_78, %dma_wait3A_85] : memref<40x128xi32, #tpu.memory_space<vmem>> -> memref<1x128xi32, #tpu.memory_space<vmem>>
        %dma_wait3A_87 = tpu.memref_squeeze %dma_wait3A_86 : memref<1x128xi32, #tpu.memory_space<vmem>> -> memref<128xi32, #tpu.memory_space<vmem>>
        %dma_wait3A_88 = arith.constant 0 : i32
        %dma_wait3A_89 = arith.constant 0 : i32
        %dma_wait3A_90 = tpu.memref_slice %arg12[%dma_wait3A_88, %dma_wait3A_89] : memref<10240x128xf32, #tpu.memory_space<vmem_shared>> -> memref<10240x128xf32, #tpu.memory_space<vmem_shared>>
        tpu.wait_indirect_dma semaphore(%run_scoped3A : memref<!tpu.dma_semaphore, #tpu.memory_space<semaphore_mem>>) src(%arg11 : memref<128x128xf32, #tpu.memory_space<vmem>>) dst(%dma_wait3A_90 : memref<10240x128xf32, #tpu.memory_space<vmem_shared>>)
        tpu.yield
      }) : () -> ()
    }
    %scan3A_21 = arith.constant 20 : i32
    %add3A_22 = arith.constant 40 : i32
    %add3A_23 = arith.addi %mul3A_2, %add3A_22 : i32
    "tpu.region"() ({
      %run_scoped3A = tpu.sem_alloc : memref<!tpu.dma_semaphore, #tpu.memory_space<semaphore_mem>>
      %dma_start3A_47 = arith.constant 0 : i32
      %dma_start3A_48 = tpu.memref_slice %arg2[%add3A_23, %dma_start3A_47] : memref<2560x128xi32, #tpu.memory_space<hbm>> -> memref<40x128xi32, #tpu.memory_space<hbm>>
      %dma_start3A_49 = arith.constant 0 : i32
      %dma_start3A_50 = tpu.memref_slice %arg2[%add3A_23, %dma_start3A_49] : memref<2560x128xi32, #tpu.memory_space<hbm>> -> memref<40x128xi32, #tpu.memory_space<hbm>>
      tpu.enqueue_dma source(%dma_start3A_50 : memref<40x128xi32, #tpu.memory_space<hbm>>) target(%arg8 : memref<40x128xi32, #tpu.memory_space<vmem>>) target_semaphore(%run_scoped3A : memref<!tpu.dma_semaphore, #tpu.memory_space<semaphore_mem>>)
      %dma_wait3A = arith.constant 0 : i32
      %dma_wait3A_51 = tpu.memref_slice %arg2[%add3A_23, %dma_wait3A] : memref<2560x128xi32, #tpu.memory_space<hbm>> -> memref<40x128xi32, #tpu.memory_space<hbm>>
      %dma_wait3A_52 = arith.constant 0 : i32
      %dma_wait3A_53 = tpu.memref_slice %arg2[%add3A_23, %dma_wait3A_52] : memref<2560x128xi32, #tpu.memory_space<hbm>> -> memref<40x128xi32, #tpu.memory_space<hbm>>
      tpu.wait_dma2 semaphore(%run_scoped3A : memref<!tpu.dma_semaphore, #tpu.memory_space<semaphore_mem>>) src(%dma_wait3A_53 : memref<40x128xi32, #tpu.memory_space<hbm>>) dst(%arg8 : memref<40x128xi32, #tpu.memory_space<vmem>>)
      tpu.yield
    }) : () -> ()
    %add3A_24 = arith.constant 40 : i32
    %add3A_25 = arith.addi %mul3A_2, %add3A_24 : i32
    "tpu.region"() ({
      %run_scoped3A = tpu.sem_alloc : memref<!tpu.dma_semaphore, #tpu.memory_space<semaphore_mem>>
      %dma_start3A_47 = arith.constant 0 : i32
      %dma_start3A_48 = tpu.memref_slice %arg3[%add3A_25, %dma_start3A_47] : memref<2560x128xi32, #tpu.memory_space<hbm>> -> memref<40x128xi32, #tpu.memory_space<hbm>>
      %dma_start3A_49 = arith.constant 0 : i32
      %dma_start3A_50 = tpu.memref_slice %arg3[%add3A_25, %dma_start3A_49] : memref<2560x128xi32, #tpu.memory_space<hbm>> -> memref<40x128xi32, #tpu.memory_space<hbm>>
      tpu.enqueue_dma source(%dma_start3A_50 : memref<40x128xi32, #tpu.memory_space<hbm>>) target(%arg9 : memref<40x128xi32, #tpu.memory_space<vmem>>) target_semaphore(%run_scoped3A : memref<!tpu.dma_semaphore, #tpu.memory_space<semaphore_mem>>)
      %dma_wait3A = arith.constant 0 : i32
      %dma_wait3A_51 = tpu.memref_slice %arg3[%add3A_25, %dma_wait3A] : memref<2560x128xi32, #tpu.memory_space<hbm>> -> memref<40x128xi32, #tpu.memory_space<hbm>>
      %dma_wait3A_52 = arith.constant 0 : i32
      %dma_wait3A_53 = tpu.memref_slice %arg3[%add3A_25, %dma_wait3A_52] : memref<2560x128xi32, #tpu.memory_space<hbm>> -> memref<40x128xi32, #tpu.memory_space<hbm>>
      tpu.wait_dma2 semaphore(%run_scoped3A : memref<!tpu.dma_semaphore, #tpu.memory_space<semaphore_mem>>) src(%dma_wait3A_53 : memref<40x128xi32, #tpu.memory_space<hbm>>) dst(%arg9 : memref<40x128xi32, #tpu.memory_space<vmem>>)
      tpu.yield
    }) : () -> ()
    %dma_start3A_26 = arith.constant 0 : i32
    %dma_start3A_27 = arith.constant 0 : i32
    %dma_start3A_28 = tpu.memref_slice %arg8[%dma_start3A_26, %dma_start3A_27] : memref<40x128xi32, #tpu.memory_space<vmem>> -> memref<1x128xi32, #tpu.memory_space<vmem>>
    %dma_start3A_29 = tpu.memref_squeeze %dma_start3A_28 : memref<1x128xi32, #tpu.memory_space<vmem>> -> memref<128xi32, #tpu.memory_space<vmem>>
    %dma_start3A_30 = arith.constant 0 : i32
    %dma_start3A_31 = arith.constant 0 : i32
    %dma_start3A_32 = tpu.memref_slice %arg4[%dma_start3A_30, %dma_start3A_31] : memref<10240x128xf32, #tpu.memory_space<hbm>> -> memref<10240x128xf32, #tpu.memory_space<hbm>>
    tpu.enqueue_indirect_dma source(%dma_start3A_32 : memref<10240x128xf32, #tpu.memory_space<hbm>>) target(%arg10 : memref<128x128xf32, #tpu.memory_space<vmem>>) offsets(%dma_start3A_29 : memref<128xi32, #tpu.memory_space<vmem>>) semaphore(%arg13 : memref<!tpu.dma_semaphore, #tpu.memory_space<semaphore_mem>>)
    %scan3A_33 = arith.constant 0 : i32
    %scan3A_34 = arith.constant 0 : i32
    %scan3A_35 = arith.constant 20 : i32
    %scan3A_36 = arith.addi %scan3A_34, %scan3A_35 : i32
    %scan3A_37 = arith.constant 1 : i32
    scf.for %scan3A_47 = %scan3A_34 to %scan3A_36 step %scan3A_37  : i32 {
      %mul3A_48 = arith.constant 2 : i32
      %mul3A_49 = arith.muli %scan3A_47, %mul3A_48 : i32
      %add3A_50 = arith.constant 1 : i32
      %add3A_51 = arith.addi %mul3A_49, %add3A_50 : i32
      %dma_start3A_52 = arith.constant 0 : i32
      %dma_start3A_53 = tpu.memref_slice %arg8[%add3A_51, %dma_start3A_52] : memref<40x128xi32, #tpu.memory_space<vmem>> -> memref<1x128xi32, #tpu.memory_space<vmem>>
      %dma_start3A_54 = tpu.memref_squeeze %dma_start3A_53 : memref<1x128xi32, #tpu.memory_space<vmem>> -> memref<128xi32, #tpu.memory_space<vmem>>
      %dma_start3A_55 = arith.constant 0 : i32
      %dma_start3A_56 = arith.constant 0 : i32
      %dma_start3A_57 = tpu.memref_slice %arg4[%dma_start3A_55, %dma_start3A_56] : memref<10240x128xf32, #tpu.memory_space<hbm>> -> memref<10240x128xf32, #tpu.memory_space<hbm>>
      tpu.enqueue_indirect_dma source(%dma_start3A_57 : memref<10240x128xf32, #tpu.memory_space<hbm>>) target(%arg11 : memref<128x128xf32, #tpu.memory_space<vmem>>) offsets(%dma_start3A_54 : memref<128xi32, #tpu.memory_space<vmem>>) semaphore(%arg14 : memref<!tpu.dma_semaphore, #tpu.memory_space<semaphore_mem>>)
      %dma_wait3A = arith.constant 0 : i32
      %dma_wait3A_58 = tpu.memref_slice %arg8[%mul3A_49, %dma_wait3A] : memref<40x128xi32, #tpu.memory_space<vmem>> -> memref<1x128xi32, #tpu.memory_space<vmem>>
      %dma_wait3A_59 = tpu.memref_squeeze %dma_wait3A_58 : memref<1x128xi32, #tpu.memory_space<vmem>> -> memref<128xi32, #tpu.memory_space<vmem>>
      %dma_wait3A_60 = arith.constant 0 : i32
      %dma_wait3A_61 = arith.constant 0 : i32
      %dma_wait3A_62 = tpu.memref_slice %arg4[%dma_wait3A_60, %dma_wait3A_61] : memref<10240x128xf32, #tpu.memory_space<hbm>> -> memref<10240x128xf32, #tpu.memory_space<hbm>>
      tpu.wait_indirect_dma semaphore(%arg13 : memref<!tpu.dma_semaphore, #tpu.memory_space<semaphore_mem>>) src(%dma_wait3A_62 : memref<10240x128xf32, #tpu.memory_space<hbm>>) dst(%arg10 : memref<128x128xf32, #tpu.memory_space<vmem>>)
      "tpu.region"() ({
        %run_scoped3A = tpu.sem_alloc : memref<!tpu.dma_semaphore, #tpu.memory_space<semaphore_mem>>
        %dma_start3A_79 = arith.constant 0 : i32
        %dma_start3A_80 = tpu.memref_slice %arg9[%mul3A_49, %dma_start3A_79] : memref<40x128xi32, #tpu.memory_space<vmem>> -> memref<1x128xi32, #tpu.memory_space<vmem>>
        %dma_start3A_81 = tpu.memref_squeeze %dma_start3A_80 : memref<1x128xi32, #tpu.memory_space<vmem>> -> memref<128xi32, #tpu.memory_space<vmem>>
        %dma_start3A_82 = arith.constant 0 : i32
        %dma_start3A_83 = arith.constant 0 : i32
        %dma_start3A_84 = tpu.memref_slice %arg12[%dma_start3A_82, %dma_start3A_83] : memref<10240x128xf32, #tpu.memory_space<vmem_shared>> -> memref<10240x128xf32, #tpu.memory_space<vmem_shared>>
        tpu.enqueue_indirect_dma source(%arg10 : memref<128x128xf32, #tpu.memory_space<vmem>>) target(%dma_start3A_84 : memref<10240x128xf32, #tpu.memory_space<vmem_shared>>) offsets(%dma_start3A_81 : memref<128xi32, #tpu.memory_space<vmem>>) semaphore(%run_scoped3A : memref<!tpu.dma_semaphore, #tpu.memory_space<semaphore_mem>>) {add = true}
        %dma_wait3A_85 = arith.constant 0 : i32
        %dma_wait3A_86 = tpu.memref_slice %arg9[%mul3A_49, %dma_wait3A_85] : memref<40x128xi32, #tpu.memory_space<vmem>> -> memref<1x128xi32, #tpu.memory_space<vmem>>
        %dma_wait3A_87 = tpu.memref_squeeze %dma_wait3A_86 : memref<1x128xi32, #tpu.memory_space<vmem>> -> memref<128xi32, #tpu.memory_space<vmem>>
        %dma_wait3A_88 = arith.constant 0 : i32
        %dma_wait3A_89 = arith.constant 0 : i32
        %dma_wait3A_90 = tpu.memref_slice %arg12[%dma_wait3A_88, %dma_wait3A_89] : memref<10240x128xf32, #tpu.memory_space<vmem_shared>> -> memref<10240x128xf32, #tpu.memory_space<vmem_shared>>
        tpu.wait_indirect_dma semaphore(%run_scoped3A : memref<!tpu.dma_semaphore, #tpu.memory_space<semaphore_mem>>) src(%arg10 : memref<128x128xf32, #tpu.memory_space<vmem>>) dst(%dma_wait3A_90 : memref<10240x128xf32, #tpu.memory_space<vmem_shared>>)
        tpu.yield
      }) : () -> ()
      %add3A_63 = arith.constant 2 : i32
      %add3A_64 = arith.addi %mul3A_49, %add3A_63 : i32
      %lt3A = arith.constant 40 : i32
      %lt3A_65 = arith.cmpi slt, %add3A_64, %lt3A : i32
      %convert_element_type3A_66 = arith.extui %lt3A_65 : i1 to i32
      %cond3A_67 = arith.constant 0 : i32
      %cond3A_68 = arith.cmpi ne, %convert_element_type3A_66, %cond3A_67 : i32
      scf.if %cond3A_68 {
        %add3A_79 = arith.constant 2 : i32
        %add3A_80 = arith.addi %mul3A_49, %add3A_79 : i32
        %dma_start3A_81 = arith.constant 0 : i32
        %dma_start3A_82 = tpu.memref_slice %arg8[%add3A_80, %dma_start3A_81] : memref<40x128xi32, #tpu.memory_space<vmem>> -> memref<1x128xi32, #tpu.memory_space<vmem>>
        %dma_start3A_83 = tpu.memref_squeeze %dma_start3A_82 : memref<1x128xi32, #tpu.memory_space<vmem>> -> memref<128xi32, #tpu.memory_space<vmem>>
        %dma_start3A_84 = arith.constant 0 : i32
        %dma_start3A_85 = arith.constant 0 : i32
        %dma_start3A_86 = tpu.memref_slice %arg4[%dma_start3A_84, %dma_start3A_85] : memref<10240x128xf32, #tpu.memory_space<hbm>> -> memref<10240x128xf32, #tpu.memory_space<hbm>>
        tpu.enqueue_indirect_dma source(%dma_start3A_86 : memref<10240x128xf32, #tpu.memory_space<hbm>>) target(%arg10 : memref<128x128xf32, #tpu.memory_space<vmem>>) offsets(%dma_start3A_83 : memref<128xi32, #tpu.memory_space<vmem>>) semaphore(%arg13 : memref<!tpu.dma_semaphore, #tpu.memory_space<semaphore_mem>>)
      } else {
      }
      %add3A_69 = arith.constant 1 : i32
      %add3A_70 = arith.addi %mul3A_49, %add3A_69 : i32
      %dma_wait3A_71 = arith.constant 0 : i32
      %dma_wait3A_72 = tpu.memref_slice %arg8[%add3A_70, %dma_wait3A_71] : memref<40x128xi32, #tpu.memory_space<vmem>> -> memref<1x128xi32, #tpu.memory_space<vmem>>
      %dma_wait3A_73 = tpu.memref_squeeze %dma_wait3A_72 : memref<1x128xi32, #tpu.memory_space<vmem>> -> memref<128xi32, #tpu.memory_space<vmem>>
      %dma_wait3A_74 = arith.constant 0 : i32
      %dma_wait3A_75 = arith.constant 0 : i32
      %dma_wait3A_76 = tpu.memref_slice %arg4[%dma_wait3A_74, %dma_wait3A_75] : memref<10240x128xf32, #tpu.memory_space<hbm>> -> memref<10240x128xf32, #tpu.memory_space<hbm>>
      tpu.wait_indirect_dma semaphore(%arg14 : memref<!tpu.dma_semaphore, #tpu.memory_space<semaphore_mem>>) src(%dma_wait3A_76 : memref<10240x128xf32, #tpu.memory_space<hbm>>) dst(%arg11 : memref<128x128xf32, #tpu.memory_space<vmem>>)
      %add3A_77 = arith.constant 1 : i32
      %add3A_78 = arith.addi %mul3A_49, %add3A_77 : i32
      "tpu.region"() ({
        %run_scoped3A = tpu.sem_alloc : memref<!tpu.dma_semaphore, #tpu.memory_space<semaphore_mem>>
        %dma_start3A_79 = arith.constant 0 : i32
        %dma_start3A_80 = tpu.memref_slice %arg9[%add3A_78, %dma_start3A_79] : memref<40x128xi32, #tpu.memory_space<vmem>> -> memref<1x128xi32, #tpu.memory_space<vmem>>
        %dma_start3A_81 = tpu.memref_squeeze %dma_start3A_80 : memref<1x128xi32, #tpu.memory_space<vmem>> -> memref<128xi32, #tpu.memory_space<vmem>>
        %dma_start3A_82 = arith.constant 0 : i32
        %dma_start3A_83 = arith.constant 0 : i32
        %dma_start3A_84 = tpu.memref_slice %arg12[%dma_start3A_82, %dma_start3A_83] : memref<10240x128xf32, #tpu.memory_space<vmem_shared>> -> memref<10240x128xf32, #tpu.memory_space<vmem_shared>>
        tpu.enqueue_indirect_dma source(%arg11 : memref<128x128xf32, #tpu.memory_space<vmem>>) target(%dma_start3A_84 : memref<10240x128xf32, #tpu.memory_space<vmem_shared>>) offsets(%dma_start3A_81 : memref<128xi32, #tpu.memory_space<vmem>>) semaphore(%run_scoped3A : memref<!tpu.dma_semaphore, #tpu.memory_space<semaphore_mem>>) {add = true}
        %dma_wait3A_85 = arith.constant 0 : i32
        %dma_wait3A_86 = tpu.memref_slice %arg9[%add3A_78, %dma_wait3A_85] : memref<40x128xi32, #tpu.memory_space<vmem>> -> memref<1x128xi32, #tpu.memory_space<vmem>>
        %dma_wait3A_87 = tpu.memref_squeeze %dma_wait3A_86 : memref<1x128xi32, #tpu.memory_space<vmem>> -> memref<128xi32, #tpu.memory_space<vmem>>
        %dma_wait3A_88 = arith.constant 0 : i32
        %dma_wait3A_89 = arith.constant 0 : i32
        %dma_wait3A_90 = tpu.memref_slice %arg12[%dma_wait3A_88, %dma_wait3A_89] : memref<10240x128xf32, #tpu.memory_space<vmem_shared>> -> memref<10240x128xf32, #tpu.memory_space<vmem_shared>>
        tpu.wait_indirect_dma semaphore(%run_scoped3A : memref<!tpu.dma_semaphore, #tpu.memory_space<semaphore_mem>>) src(%arg11 : memref<128x128xf32, #tpu.memory_space<vmem>>) dst(%dma_wait3A_90 : memref<10240x128xf32, #tpu.memory_space<vmem_shared>>)
        tpu.yield
      }) : () -> ()
    }
    %scan3A_38 = arith.constant 20 : i32
    %barrier3A_39 = arith.constant 0 : index
    tpu.barrier barrier_id(%barrier3A_39)
    %eq3A = arith.constant 0 : i32
    %eq3A_40 = arith.cmpi eq, %arg0, %eq3A : i32
    %convert_element_type3A = arith.extui %eq3A_40 : i1 to i32
    %cond3A = arith.constant 0 : i32
    %cond3A_41 = arith.cmpi ne, %convert_element_type3A, %cond3A : i32
    scf.if %cond3A_41 {
      %mul3A_47 = arith.constant 640 : i32
      %mul3A_48 = arith.muli %arg1, %mul3A_47 : i32
      %mul3A_49 = arith.constant 640 : i32
      %mul3A_50 = arith.muli %arg1, %mul3A_49 : i32
      "tpu.region"() ({
        %run_scoped3A = tpu.sem_alloc : memref<!tpu.dma_semaphore, #tpu.memory_space<semaphore_mem>>
        %dma_start3A_51 = arith.constant 0 : i32
        %dma_start3A_52 = tpu.memref_slice %arg6[%mul3A_50, %dma_start3A_51] : memref<10240x128xf32, #tpu.memory_space<hbm>> -> memref<640x128xf32, #tpu.memory_space<hbm>>
        %dma_start3A_53 = arith.constant 0 : i32
        %dma_start3A_54 = tpu.memref_slice %arg12[%mul3A_48, %dma_start3A_53] : memref<10240x128xf32, #tpu.memory_space<vmem_shared>> -> memref<640x128xf32, #tpu.memory_space<vmem_shared>>
        tpu.enqueue_dma source(%dma_start3A_54 : memref<640x128xf32, #tpu.memory_space<vmem_shared>>) target(%dma_start3A_52 : memref<640x128xf32, #tpu.memory_space<hbm>>) target_semaphore(%run_scoped3A : memref<!tpu.dma_semaphore, #tpu.memory_space<semaphore_mem>>)
        %dma_wait3A = arith.constant 0 : i32
        %dma_wait3A_55 = tpu.memref_slice %arg6[%mul3A_50, %dma_wait3A] : memref<10240x128xf32, #tpu.memory_space<hbm>> -> memref<640x128xf32, #tpu.memory_space<hbm>>
        %dma_wait3A_56 = arith.constant 0 : i32
        %dma_wait3A_57 = tpu.memref_slice %arg12[%mul3A_48, %dma_wait3A_56] : memref<10240x128xf32, #tpu.memory_space<vmem_shared>> -> memref<640x128xf32, #tpu.memory_space<vmem_shared>>
        tpu.wait_dma2 semaphore(%run_scoped3A : memref<!tpu.dma_semaphore, #tpu.memory_space<semaphore_mem>>) src(%dma_wait3A_57 : memref<640x128xf32, #tpu.memory_space<vmem_shared>>) dst(%dma_wait3A_55 : memref<640x128xf32, #tpu.memory_space<hbm>>)
        tpu.yield
      }) : () -> ()
    } else {
    }
    %eq3A_42 = arith.constant 1 : i32
    %eq3A_43 = arith.cmpi eq, %arg0, %eq3A_42 : i32
    %convert_element_type3A_44 = arith.extui %eq3A_43 : i1 to i32
    %cond3A_45 = arith.constant 0 : i32
    %cond3A_46 = arith.cmpi ne, %convert_element_type3A_44, %cond3A_45 : i32
    scf.if %cond3A_46 {
      %mul3A_47 = arith.constant 640 : i32
      %mul3A_48 = arith.muli %arg1, %mul3A_47 : i32
      %mul3A_49 = arith.constant 640 : i32
      %mul3A_50 = arith.muli %arg1, %mul3A_49 : i32
      "tpu.region"() ({
        %run_scoped3A = tpu.sem_alloc : memref<!tpu.dma_semaphore, #tpu.memory_space<semaphore_mem>>
        %dma_start3A_51 = arith.constant 0 : i32
        %dma_start3A_52 = tpu.memref_slice %arg7[%mul3A_50, %dma_start3A_51] : memref<10240x128xf32, #tpu.memory_space<hbm>> -> memref<640x128xf32, #tpu.memory_space<hbm>>
        %dma_start3A_53 = arith.constant 0 : i32
        %dma_start3A_54 = tpu.memref_slice %arg12[%mul3A_48, %dma_start3A_53] : memref<10240x128xf32, #tpu.memory_space<vmem_shared>> -> memref<640x128xf32, #tpu.memory_space<vmem_shared>>
        tpu.enqueue_dma source(%dma_start3A_54 : memref<640x128xf32, #tpu.memory_space<vmem_shared>>) target(%dma_start3A_52 : memref<640x128xf32, #tpu.memory_space<hbm>>) target_semaphore(%run_scoped3A : memref<!tpu.dma_semaphore, #tpu.memory_space<semaphore_mem>>)
        %dma_wait3A = arith.constant 0 : i32
        %dma_wait3A_55 = tpu.memref_slice %arg7[%mul3A_50, %dma_wait3A] : memref<10240x128xf32, #tpu.memory_space<hbm>> -> memref<640x128xf32, #tpu.memory_space<hbm>>
        %dma_wait3A_56 = arith.constant 0 : i32
        %dma_wait3A_57 = tpu.memref_slice %arg12[%mul3A_48, %dma_wait3A_56] : memref<10240x128xf32, #tpu.memory_space<vmem_shared>> -> memref<640x128xf32, #tpu.memory_space<vmem_shared>>
        tpu.wait_dma2 semaphore(%run_scoped3A : memref<!tpu.dma_semaphore, #tpu.memory_space<semaphore_mem>>) src(%dma_wait3A_57 : memref<640x128xf32, #tpu.memory_space<vmem_shared>>) dst(%dma_wait3A_55 : memref<640x128xf32, #tpu.memory_space<hbm>>)
        tpu.yield
      }) : () -> ()
    } else {
    }
    return
  }
}

#map = affine_map<(d0, d1) -> (0, 0)>
#map1 = affine_map<(d0, d1) -> (0)>
module attributes {stable_mosaic.version = 14 : i64} {
  func.func @_deg_kernel(%arg0: i32, %arg1: i32, %arg2: memref<2560x128xi32, #tpu.memory_space<hbm>>, %arg3: memref<2560x128xi32, #tpu.memory_space<hbm>>, %arg4: memref<20480xf32, #tpu.memory_space<hbm>>, %arg5: memref<20480xf32, #tpu.memory_space<hbm>>, %arg6: memref<80x128xi32, #tpu.memory_space<vmem>>, %arg7: memref<80x128xi32, #tpu.memory_space<vmem>>, %arg8: memref<128xf32, #tpu.memory_space<vmem>>, %arg9: memref<640xf32, #tpu.memory_space<vmem>>, %arg10: memref<10240xf32, #tpu.memory_space<vmem_shared>>, %arg11: memref<10240xf32, #tpu.memory_space<vmem_shared>>, %arg12: memref<!tpu.dma_semaphore, #tpu.memory_space<semaphore_mem>>, %arg13: memref<!tpu.dma_semaphore, #tpu.memory_space<semaphore_mem>>) attributes {dimension_semantics = [#tpu.dimension_semantics<core_parallel>, #tpu.dimension_semantics<subcore_parallel>], iteration_bounds = array<i64: 2, 16>, scalar_prefetch = 0 : i64, scratch_operands = 8 : i64, tpu.core_type = #tpu.core_type<sc_vector_subcore>, window_params = [{transform_indices = #map}, {transform_indices = #map}, {transform_indices = #map1}, {transform_indices = #map1}]} {
    %mul3A = arith.constant 16 : i32
    %mul3A_0 = arith.muli %arg0, %mul3A : i32
    %add3A = arith.addi %mul3A_0, %arg1 : i32
    %mul3A_1 = arith.constant 80 : i32
    %mul3A_2 = arith.muli %add3A, %mul3A_1 : i32
    %broadcast_in_dim3A = arith.constant 1.000000e+00 : f32
    %broadcast_in_dim3A_3 = vector.broadcast %broadcast_in_dim3A : f32 to vector<16xf32>
    %swap3A = arith.constant 0 : index
    %swap3A_4 = tpu.vector_load %arg8[%swap3A] {strides = array<i32>} : memref<128xf32, #tpu.memory_space<vmem>>, vector<16xf32>,
    %swap3A_5 = vector.shape_cast %swap3A_4 : vector<16xf32> to vector<16xf32>
    %swap3A_6 = vector.shape_cast %broadcast_in_dim3A_3 : vector<16xf32> to vector<16xf32>
    tpu.vector_store %arg8[%swap3A], %swap3A_6 {strides = array<i32>} : memref<128xf32, #tpu.memory_space<vmem>>, vector<16xf32>,
    %broadcast_in_dim3A_7 = arith.constant 1.000000e+00 : f32
    %broadcast_in_dim3A_8 = vector.broadcast %broadcast_in_dim3A_7 : f32 to vector<16xf32>
    %swap3A_9 = arith.constant 16 : index
    %swap3A_10 = tpu.vector_load %arg8[%swap3A_9] {strides = array<i32>} : memref<128xf32, #tpu.memory_space<vmem>>, vector<16xf32>,
    %swap3A_11 = vector.shape_cast %swap3A_10 : vector<16xf32> to vector<16xf32>
    %swap3A_12 = vector.shape_cast %broadcast_in_dim3A_8 : vector<16xf32> to vector<16xf32>
    tpu.vector_store %arg8[%swap3A_9], %swap3A_12 {strides = array<i32>} : memref<128xf32, #tpu.memory_space<vmem>>, vector<16xf32>,
    %broadcast_in_dim3A_13 = arith.constant 1.000000e+00 : f32
    %broadcast_in_dim3A_14 = vector.broadcast %broadcast_in_dim3A_13 : f32 to vector<16xf32>
    %swap3A_15 = arith.constant 32 : index
    %swap3A_16 = tpu.vector_load %arg8[%swap3A_15] {strides = array<i32>} : memref<128xf32, #tpu.memory_space<vmem>>, vector<16xf32>,
    %swap3A_17 = vector.shape_cast %swap3A_16 : vector<16xf32> to vector<16xf32>
    %swap3A_18 = vector.shape_cast %broadcast_in_dim3A_14 : vector<16xf32> to vector<16xf32>
    tpu.vector_store %arg8[%swap3A_15], %swap3A_18 {strides = array<i32>} : memref<128xf32, #tpu.memory_space<vmem>>, vector<16xf32>,
    %broadcast_in_dim3A_19 = arith.constant 1.000000e+00 : f32
    %broadcast_in_dim3A_20 = vector.broadcast %broadcast_in_dim3A_19 : f32 to vector<16xf32>
    %swap3A_21 = arith.constant 48 : index
    %swap3A_22 = tpu.vector_load %arg8[%swap3A_21] {strides = array<i32>} : memref<128xf32, #tpu.memory_space<vmem>>, vector<16xf32>,
    %swap3A_23 = vector.shape_cast %swap3A_22 : vector<16xf32> to vector<16xf32>
    %swap3A_24 = vector.shape_cast %broadcast_in_dim3A_20 : vector<16xf32> to vector<16xf32>
    tpu.vector_store %arg8[%swap3A_21], %swap3A_24 {strides = array<i32>} : memref<128xf32, #tpu.memory_space<vmem>>, vector<16xf32>,
    %broadcast_in_dim3A_25 = arith.constant 1.000000e+00 : f32
    %broadcast_in_dim3A_26 = vector.broadcast %broadcast_in_dim3A_25 : f32 to vector<16xf32>
    %swap3A_27 = arith.constant 64 : index
    %swap3A_28 = tpu.vector_load %arg8[%swap3A_27] {strides = array<i32>} : memref<128xf32, #tpu.memory_space<vmem>>, vector<16xf32>,
    %swap3A_29 = vector.shape_cast %swap3A_28 : vector<16xf32> to vector<16xf32>
    %swap3A_30 = vector.shape_cast %broadcast_in_dim3A_26 : vector<16xf32> to vector<16xf32>
    tpu.vector_store %arg8[%swap3A_27], %swap3A_30 {strides = array<i32>} : memref<128xf32, #tpu.memory_space<vmem>>, vector<16xf32>,
    %broadcast_in_dim3A_31 = arith.constant 1.000000e+00 : f32
    %broadcast_in_dim3A_32 = vector.broadcast %broadcast_in_dim3A_31 : f32 to vector<16xf32>
    %swap3A_33 = arith.constant 80 : index
    %swap3A_34 = tpu.vector_load %arg8[%swap3A_33] {strides = array<i32>} : memref<128xf32, #tpu.memory_space<vmem>>, vector<16xf32>,
    %swap3A_35 = vector.shape_cast %swap3A_34 : vector<16xf32> to vector<16xf32>
    %swap3A_36 = vector.shape_cast %broadcast_in_dim3A_32 : vector<16xf32> to vector<16xf32>
    tpu.vector_store %arg8[%swap3A_33], %swap3A_36 {strides = array<i32>} : memref<128xf32, #tpu.memory_space<vmem>>, vector<16xf32>,
    %broadcast_in_dim3A_37 = arith.constant 1.000000e+00 : f32
    %broadcast_in_dim3A_38 = vector.broadcast %broadcast_in_dim3A_37 : f32 to vector<16xf32>
    %swap3A_39 = arith.constant 96 : index
    %swap3A_40 = tpu.vector_load %arg8[%swap3A_39] {strides = array<i32>} : memref<128xf32, #tpu.memory_space<vmem>>, vector<16xf32>,
    %swap3A_41 = vector.shape_cast %swap3A_40 : vector<16xf32> to vector<16xf32>
    %swap3A_42 = vector.shape_cast %broadcast_in_dim3A_38 : vector<16xf32> to vector<16xf32>
    tpu.vector_store %arg8[%swap3A_39], %swap3A_42 {strides = array<i32>} : memref<128xf32, #tpu.memory_space<vmem>>, vector<16xf32>,
    %broadcast_in_dim3A_43 = arith.constant 1.000000e+00 : f32
    %broadcast_in_dim3A_44 = vector.broadcast %broadcast_in_dim3A_43 : f32 to vector<16xf32>
    %swap3A_45 = arith.constant 112 : index
    %swap3A_46 = tpu.vector_load %arg8[%swap3A_45] {strides = array<i32>} : memref<128xf32, #tpu.memory_space<vmem>>, vector<16xf32>,
    %swap3A_47 = vector.shape_cast %swap3A_46 : vector<16xf32> to vector<16xf32>
    %swap3A_48 = vector.shape_cast %broadcast_in_dim3A_44 : vector<16xf32> to vector<16xf32>
    tpu.vector_store %arg8[%swap3A_45], %swap3A_48 {strides = array<i32>} : memref<128xf32, #tpu.memory_space<vmem>>, vector<16xf32>,
    %broadcast_in_dim3A_49 = arith.constant 0.000000e+00 : f32
    %broadcast_in_dim3A_50 = vector.broadcast %broadcast_in_dim3A_49 : f32 to vector<16xf32>
    %swap3A_51 = arith.constant 0 : index
    %swap3A_52 = tpu.vector_load %arg9[%swap3A_51] {strides = array<i32>} : memref<640xf32, #tpu.memory_space<vmem>>, vector<16xf32>,
    %swap3A_53 = vector.shape_cast %swap3A_52 : vector<16xf32> to vector<16xf32>
    %swap3A_54 = vector.shape_cast %broadcast_in_dim3A_50 : vector<16xf32> to vector<16xf32>
    tpu.vector_store %arg9[%swap3A_51], %swap3A_54 {strides = array<i32>} : memref<640xf32, #tpu.memory_space<vmem>>, vector<16xf32>,
    %broadcast_in_dim3A_55 = arith.constant 0.000000e+00 : f32
    %broadcast_in_dim3A_56 = vector.broadcast %broadcast_in_dim3A_55 : f32 to vector<16xf32>
    %swap3A_57 = arith.constant 16 : index
    %swap3A_58 = tpu.vector_load %arg9[%swap3A_57] {strides = array<i32>} : memref<640xf32, #tpu.memory_space<vmem>>, vector<16xf32>,
    %swap3A_59 = vector.shape_cast %swap3A_58 : vector<16xf32> to vector<16xf32>
    %swap3A_60 = vector.shape_cast %broadcast_in_dim3A_56 : vector<16xf32> to vector<16xf32>
    tpu.vector_store %arg9[%swap3A_57], %swap3A_60 {strides = array<i32>} : memref<640xf32, #tpu.memory_space<vmem>>, vector<16xf32>,
    %broadcast_in_dim3A_61 = arith.constant 0.000000e+00 : f32
    %broadcast_in_dim3A_62 = vector.broadcast %broadcast_in_dim3A_61 : f32 to vector<16xf32>
    %swap3A_63 = arith.constant 32 : index
    %swap3A_64 = tpu.vector_load %arg9[%swap3A_63] {strides = array<i32>} : memref<640xf32, #tpu.memory_space<vmem>>, vector<16xf32>,
    %swap3A_65 = vector.shape_cast %swap3A_64 : vector<16xf32> to vector<16xf32>
    %swap3A_66 = vector.shape_cast %broadcast_in_dim3A_62 : vector<16xf32> to vector<16xf32>
    tpu.vector_store %arg9[%swap3A_63], %swap3A_66 {strides = array<i32>} : memref<640xf32, #tpu.memory_space<vmem>>, vector<16xf32>,
    %broadcast_in_dim3A_67 = arith.constant 0.000000e+00 : f32
    %broadcast_in_dim3A_68 = vector.broadcast %broadcast_in_dim3A_67 : f32 to vector<16xf32>
    %swap3A_69 = arith.constant 48 : index
    %swap3A_70 = tpu.vector_load %arg9[%swap3A_69] {strides = array<i32>} : memref<640xf32, #tpu.memory_space<vmem>>, vector<16xf32>,
    %swap3A_71 = vector.shape_cast %swap3A_70 : vector<16xf32> to vector<16xf32>
    %swap3A_72 = vector.shape_cast %broadcast_in_dim3A_68 : vector<16xf32> to vector<16xf32>
    tpu.vector_store %arg9[%swap3A_69], %swap3A_72 {strides = array<i32>} : memref<640xf32, #tpu.memory_space<vmem>>, vector<16xf32>,
    %broadcast_in_dim3A_73 = arith.constant 0.000000e+00 : f32
    %broadcast_in_dim3A_74 = vector.broadcast %broadcast_in_dim3A_73 : f32 to vector<16xf32>
    %swap3A_75 = arith.constant 64 : index
    %swap3A_76 = tpu.vector_load %arg9[%swap3A_75] {strides = array<i32>} : memref<640xf32, #tpu.memory_space<vmem>>, vector<16xf32>,
    %swap3A_77 = vector.shape_cast %swap3A_76 : vector<16xf32> to vector<16xf32>
    %swap3A_78 = vector.shape_cast %broadcast_in_dim3A_74 : vector<16xf32> to vector<16xf32>
    tpu.vector_store %arg9[%swap3A_75], %swap3A_78 {strides = array<i32>} : memref<640xf32, #tpu.memory_space<vmem>>, vector<16xf32>,
    %broadcast_in_dim3A_79 = arith.constant 0.000000e+00 : f32
    %broadcast_in_dim3A_80 = vector.broadcast %broadcast_in_dim3A_79 : f32 to vector<16xf32>
    %swap3A_81 = arith.constant 80 : index
    %swap3A_82 = tpu.vector_load %arg9[%swap3A_81] {strides = array<i32>} : memref<640xf32, #tpu.memory_space<vmem>>, vector<16xf32>,
    %swap3A_83 = vector.shape_cast %swap3A_82 : vector<16xf32> to vector<16xf32>
    %swap3A_84 = vector.shape_cast %broadcast_in_dim3A_80 : vector<16xf32> to vector<16xf32>
    tpu.vector_store %arg9[%swap3A_81], %swap3A_84 {strides = array<i32>} : memref<640xf32, #tpu.memory_space<vmem>>, vector<16xf32>,
    %broadcast_in_dim3A_85 = arith.constant 0.000000e+00 : f32
    %broadcast_in_dim3A_86 = vector.broadcast %broadcast_in_dim3A_85 : f32 to vector<16xf32>
    %swap3A_87 = arith.constant 96 : index
    %swap3A_88 = tpu.vector_load %arg9[%swap3A_87] {strides = array<i32>} : memref<640xf32, #tpu.memory_space<vmem>>, vector<16xf32>,
    %swap3A_89 = vector.shape_cast %swap3A_88 : vector<16xf32> to vector<16xf32>
    %swap3A_90 = vector.shape_cast %broadcast_in_dim3A_86 : vector<16xf32> to vector<16xf32>
    tpu.vector_store %arg9[%swap3A_87], %swap3A_90 {strides = array<i32>} : memref<640xf32, #tpu.memory_space<vmem>>, vector<16xf32>,
    %broadcast_in_dim3A_91 = arith.constant 0.000000e+00 : f32
    %broadcast_in_dim3A_92 = vector.broadcast %broadcast_in_dim3A_91 : f32 to vector<16xf32>
    %swap3A_93 = arith.constant 112 : index
    %swap3A_94 = tpu.vector_load %arg9[%swap3A_93] {strides = array<i32>} : memref<640xf32, #tpu.memory_space<vmem>>, vector<16xf32>,
    %swap3A_95 = vector.shape_cast %swap3A_94 : vector<16xf32> to vector<16xf32>
    %swap3A_96 = vector.shape_cast %broadcast_in_dim3A_92 : vector<16xf32> to vector<16xf32>
    tpu.vector_store %arg9[%swap3A_93], %swap3A_96 {strides = array<i32>} : memref<640xf32, #tpu.memory_space<vmem>>, vector<16xf32>,
    %broadcast_in_dim3A_97 = arith.constant 0.000000e+00 : f32
    %broadcast_in_dim3A_98 = vector.broadcast %broadcast_in_dim3A_97 : f32 to vector<16xf32>
    %swap3A_99 = arith.constant 128 : index
    %swap3A_100 = tpu.vector_load %arg9[%swap3A_99] {strides = array<i32>} : memref<640xf32, #tpu.memory_space<vmem>>, vector<16xf32>,
    %swap3A_101 = vector.shape_cast %swap3A_100 : vector<16xf32> to vector<16xf32>
    %swap3A_102 = vector.shape_cast %broadcast_in_dim3A_98 : vector<16xf32> to vector<16xf32>
    tpu.vector_store %arg9[%swap3A_99], %swap3A_102 {strides = array<i32>} : memref<640xf32, #tpu.memory_space<vmem>>, vector<16xf32>,
    %broadcast_in_dim3A_103 = arith.constant 0.000000e+00 : f32
    %broadcast_in_dim3A_104 = vector.broadcast %broadcast_in_dim3A_103 : f32 to vector<16xf32>
    %swap3A_105 = arith.constant 144 : index
    %swap3A_106 = tpu.vector_load %arg9[%swap3A_105] {strides = array<i32>} : memref<640xf32, #tpu.memory_space<vmem>>, vector<16xf32>,
    %swap3A_107 = vector.shape_cast %swap3A_106 : vector<16xf32> to vector<16xf32>
    %swap3A_108 = vector.shape_cast %broadcast_in_dim3A_104 : vector<16xf32> to vector<16xf32>
    tpu.vector_store %arg9[%swap3A_105], %swap3A_108 {strides = array<i32>} : memref<640xf32, #tpu.memory_space<vmem>>, vector<16xf32>,
    %broadcast_in_dim3A_109 = arith.constant 0.000000e+00 : f32
    %broadcast_in_dim3A_110 = vector.broadcast %broadcast_in_dim3A_109 : f32 to vector<16xf32>
    %swap3A_111 = arith.constant 160 : index
    %swap3A_112 = tpu.vector_load %arg9[%swap3A_111] {strides = array<i32>} : memref<640xf32, #tpu.memory_space<vmem>>, vector<16xf32>,
    %swap3A_113 = vector.shape_cast %swap3A_112 : vector<16xf32> to vector<16xf32>
    %swap3A_114 = vector.shape_cast %broadcast_in_dim3A_110 : vector<16xf32> to vector<16xf32>
    tpu.vector_store %arg9[%swap3A_111], %swap3A_114 {strides = array<i32>} : memref<640xf32, #tpu.memory_space<vmem>>, vector<16xf32>,
    %broadcast_in_dim3A_115 = arith.constant 0.000000e+00 : f32
    %broadcast_in_dim3A_116 = vector.broadcast %broadcast_in_dim3A_115 : f32 to vector<16xf32>
    %swap3A_117 = arith.constant 176 : index
    %swap3A_118 = tpu.vector_load %arg9[%swap3A_117] {strides = array<i32>} : memref<640xf32, #tpu.memory_space<vmem>>, vector<16xf32>,
    %swap3A_119 = vector.shape_cast %swap3A_118 : vector<16xf32> to vector<16xf32>
    %swap3A_120 = vector.shape_cast %broadcast_in_dim3A_116 : vector<16xf32> to vector<16xf32>
    tpu.vector_store %arg9[%swap3A_117], %swap3A_120 {strides = array<i32>} : memref<640xf32, #tpu.memory_space<vmem>>, vector<16xf32>,
    %broadcast_in_dim3A_121 = arith.constant 0.000000e+00 : f32
    %broadcast_in_dim3A_122 = vector.broadcast %broadcast_in_dim3A_121 : f32 to vector<16xf32>
    %swap3A_123 = arith.constant 192 : index
    %swap3A_124 = tpu.vector_load %arg9[%swap3A_123] {strides = array<i32>} : memref<640xf32, #tpu.memory_space<vmem>>, vector<16xf32>,
    %swap3A_125 = vector.shape_cast %swap3A_124 : vector<16xf32> to vector<16xf32>
    %swap3A_126 = vector.shape_cast %broadcast_in_dim3A_122 : vector<16xf32> to vector<16xf32>
    tpu.vector_store %arg9[%swap3A_123], %swap3A_126 {strides = array<i32>} : memref<640xf32, #tpu.memory_space<vmem>>, vector<16xf32>,
    %broadcast_in_dim3A_127 = arith.constant 0.000000e+00 : f32
    %broadcast_in_dim3A_128 = vector.broadcast %broadcast_in_dim3A_127 : f32 to vector<16xf32>
    %swap3A_129 = arith.constant 208 : index
    %swap3A_130 = tpu.vector_load %arg9[%swap3A_129] {strides = array<i32>} : memref<640xf32, #tpu.memory_space<vmem>>, vector<16xf32>,
    %swap3A_131 = vector.shape_cast %swap3A_130 : vector<16xf32> to vector<16xf32>
    %swap3A_132 = vector.shape_cast %broadcast_in_dim3A_128 : vector<16xf32> to vector<16xf32>
    tpu.vector_store %arg9[%swap3A_129], %swap3A_132 {strides = array<i32>} : memref<640xf32, #tpu.memory_space<vmem>>, vector<16xf32>,
    %broadcast_in_dim3A_133 = arith.constant 0.000000e+00 : f32
    %broadcast_in_dim3A_134 = vector.broadcast %broadcast_in_dim3A_133 : f32 to vector<16xf32>
    %swap3A_135 = arith.constant 224 : index
    %swap3A_136 = tpu.vector_load %arg9[%swap3A_135] {strides = array<i32>} : memref<640xf32, #tpu.memory_space<vmem>>, vector<16xf32>,
    %swap3A_137 = vector.shape_cast %swap3A_136 : vector<16xf32> to vector<16xf32>
    %swap3A_138 = vector.shape_cast %broadcast_in_dim3A_134 : vector<16xf32> to vector<16xf32>
    tpu.vector_store %arg9[%swap3A_135], %swap3A_138 {strides = array<i32>} : memref<640xf32, #tpu.memory_space<vmem>>, vector<16xf32>,
    %broadcast_in_dim3A_139 = arith.constant 0.000000e+00 : f32
    %broadcast_in_dim3A_140 = vector.broadcast %broadcast_in_dim3A_139 : f32 to vector<16xf32>
    %swap3A_141 = arith.constant 240 : index
    %swap3A_142 = tpu.vector_load %arg9[%swap3A_141] {strides = array<i32>} : memref<640xf32, #tpu.memory_space<vmem>>, vector<16xf32>,
    %swap3A_143 = vector.shape_cast %swap3A_142 : vector<16xf32> to vector<16xf32>
    %swap3A_144 = vector.shape_cast %broadcast_in_dim3A_140 : vector<16xf32> to vector<16xf32>
    tpu.vector_store %arg9[%swap3A_141], %swap3A_144 {strides = array<i32>} : memref<640xf32, #tpu.memory_space<vmem>>, vector<16xf32>,
    %broadcast_in_dim3A_145 = arith.constant 0.000000e+00 : f32
    %broadcast_in_dim3A_146 = vector.broadcast %broadcast_in_dim3A_145 : f32 to vector<16xf32>
    %swap3A_147 = arith.constant 256 : index
    %swap3A_148 = tpu.vector_load %arg9[%swap3A_147] {strides = array<i32>} : memref<640xf32, #tpu.memory_space<vmem>>, vector<16xf32>,
    %swap3A_149 = vector.shape_cast %swap3A_148 : vector<16xf32> to vector<16xf32>
    %swap3A_150 = vector.shape_cast %broadcast_in_dim3A_146 : vector<16xf32> to vector<16xf32>
    tpu.vector_store %arg9[%swap3A_147], %swap3A_150 {strides = array<i32>} : memref<640xf32, #tpu.memory_space<vmem>>, vector<16xf32>,
    %broadcast_in_dim3A_151 = arith.constant 0.000000e+00 : f32
    %broadcast_in_dim3A_152 = vector.broadcast %broadcast_in_dim3A_151 : f32 to vector<16xf32>
    %swap3A_153 = arith.constant 272 : index
    %swap3A_154 = tpu.vector_load %arg9[%swap3A_153] {strides = array<i32>} : memref<640xf32, #tpu.memory_space<vmem>>, vector<16xf32>,
    %swap3A_155 = vector.shape_cast %swap3A_154 : vector<16xf32> to vector<16xf32>
    %swap3A_156 = vector.shape_cast %broadcast_in_dim3A_152 : vector<16xf32> to vector<16xf32>
    tpu.vector_store %arg9[%swap3A_153], %swap3A_156 {strides = array<i32>} : memref<640xf32, #tpu.memory_space<vmem>>, vector<16xf32>,
    %broadcast_in_dim3A_157 = arith.constant 0.000000e+00 : f32
    %broadcast_in_dim3A_158 = vector.broadcast %broadcast_in_dim3A_157 : f32 to vector<16xf32>
    %swap3A_159 = arith.constant 288 : index
    %swap3A_160 = tpu.vector_load %arg9[%swap3A_159] {strides = array<i32>} : memref<640xf32, #tpu.memory_space<vmem>>, vector<16xf32>,
    %swap3A_161 = vector.shape_cast %swap3A_160 : vector<16xf32> to vector<16xf32>
    %swap3A_162 = vector.shape_cast %broadcast_in_dim3A_158 : vector<16xf32> to vector<16xf32>
    tpu.vector_store %arg9[%swap3A_159], %swap3A_162 {strides = array<i32>} : memref<640xf32, #tpu.memory_space<vmem>>, vector<16xf32>,
    %broadcast_in_dim3A_163 = arith.constant 0.000000e+00 : f32
    %broadcast_in_dim3A_164 = vector.broadcast %broadcast_in_dim3A_163 : f32 to vector<16xf32>
    %swap3A_165 = arith.constant 304 : index
    %swap3A_166 = tpu.vector_load %arg9[%swap3A_165] {strides = array<i32>} : memref<640xf32, #tpu.memory_space<vmem>>, vector<16xf32>,
    %swap3A_167 = vector.shape_cast %swap3A_166 : vector<16xf32> to vector<16xf32>
    %swap3A_168 = vector.shape_cast %broadcast_in_dim3A_164 : vector<16xf32> to vector<16xf32>
    tpu.vector_store %arg9[%swap3A_165], %swap3A_168 {strides = array<i32>} : memref<640xf32, #tpu.memory_space<vmem>>, vector<16xf32>,
    %broadcast_in_dim3A_169 = arith.constant 0.000000e+00 : f32
    %broadcast_in_dim3A_170 = vector.broadcast %broadcast_in_dim3A_169 : f32 to vector<16xf32>
    %swap3A_171 = arith.constant 320 : index
    %swap3A_172 = tpu.vector_load %arg9[%swap3A_171] {strides = array<i32>} : memref<640xf32, #tpu.memory_space<vmem>>, vector<16xf32>,
    %swap3A_173 = vector.shape_cast %swap3A_172 : vector<16xf32> to vector<16xf32>
    %swap3A_174 = vector.shape_cast %broadcast_in_dim3A_170 : vector<16xf32> to vector<16xf32>
    tpu.vector_store %arg9[%swap3A_171], %swap3A_174 {strides = array<i32>} : memref<640xf32, #tpu.memory_space<vmem>>, vector<16xf32>,
    %broadcast_in_dim3A_175 = arith.constant 0.000000e+00 : f32
    %broadcast_in_dim3A_176 = vector.broadcast %broadcast_in_dim3A_175 : f32 to vector<16xf32>
    %swap3A_177 = arith.constant 336 : index
    %swap3A_178 = tpu.vector_load %arg9[%swap3A_177] {strides = array<i32>} : memref<640xf32, #tpu.memory_space<vmem>>, vector<16xf32>,
    %swap3A_179 = vector.shape_cast %swap3A_178 : vector<16xf32> to vector<16xf32>
    %swap3A_180 = vector.shape_cast %broadcast_in_dim3A_176 : vector<16xf32> to vector<16xf32>
    tpu.vector_store %arg9[%swap3A_177], %swap3A_180 {strides = array<i32>} : memref<640xf32, #tpu.memory_space<vmem>>, vector<16xf32>,
    %broadcast_in_dim3A_181 = arith.constant 0.000000e+00 : f32
    %broadcast_in_dim3A_182 = vector.broadcast %broadcast_in_dim3A_181 : f32 to vector<16xf32>
    %swap3A_183 = arith.constant 352 : index
    %swap3A_184 = tpu.vector_load %arg9[%swap3A_183] {strides = array<i32>} : memref<640xf32, #tpu.memory_space<vmem>>, vector<16xf32>,
    %swap3A_185 = vector.shape_cast %swap3A_184 : vector<16xf32> to vector<16xf32>
    %swap3A_186 = vector.shape_cast %broadcast_in_dim3A_182 : vector<16xf32> to vector<16xf32>
    tpu.vector_store %arg9[%swap3A_183], %swap3A_186 {strides = array<i32>} : memref<640xf32, #tpu.memory_space<vmem>>, vector<16xf32>,
    %broadcast_in_dim3A_187 = arith.constant 0.000000e+00 : f32
    %broadcast_in_dim3A_188 = vector.broadcast %broadcast_in_dim3A_187 : f32 to vector<16xf32>
    %swap3A_189 = arith.constant 368 : index
    %swap3A_190 = tpu.vector_load %arg9[%swap3A_189] {strides = array<i32>} : memref<640xf32, #tpu.memory_space<vmem>>, vector<16xf32>,
    %swap3A_191 = vector.shape_cast %swap3A_190 : vector<16xf32> to vector<16xf32>
    %swap3A_192 = vector.shape_cast %broadcast_in_dim3A_188 : vector<16xf32> to vector<16xf32>
    tpu.vector_store %arg9[%swap3A_189], %swap3A_192 {strides = array<i32>} : memref<640xf32, #tpu.memory_space<vmem>>, vector<16xf32>,
    %broadcast_in_dim3A_193 = arith.constant 0.000000e+00 : f32
    %broadcast_in_dim3A_194 = vector.broadcast %broadcast_in_dim3A_193 : f32 to vector<16xf32>
    %swap3A_195 = arith.constant 384 : index
    %swap3A_196 = tpu.vector_load %arg9[%swap3A_195] {strides = array<i32>} : memref<640xf32, #tpu.memory_space<vmem>>, vector<16xf32>,
    %swap3A_197 = vector.shape_cast %swap3A_196 : vector<16xf32> to vector<16xf32>
    %swap3A_198 = vector.shape_cast %broadcast_in_dim3A_194 : vector<16xf32> to vector<16xf32>
    tpu.vector_store %arg9[%swap3A_195], %swap3A_198 {strides = array<i32>} : memref<640xf32, #tpu.memory_space<vmem>>, vector<16xf32>,
    %broadcast_in_dim3A_199 = arith.constant 0.000000e+00 : f32
    %broadcast_in_dim3A_200 = vector.broadcast %broadcast_in_dim3A_199 : f32 to vector<16xf32>
    %swap3A_201 = arith.constant 400 : index
    %swap3A_202 = tpu.vector_load %arg9[%swap3A_201] {strides = array<i32>} : memref<640xf32, #tpu.memory_space<vmem>>, vector<16xf32>,
    %swap3A_203 = vector.shape_cast %swap3A_202 : vector<16xf32> to vector<16xf32>
    %swap3A_204 = vector.shape_cast %broadcast_in_dim3A_200 : vector<16xf32> to vector<16xf32>
    tpu.vector_store %arg9[%swap3A_201], %swap3A_204 {strides = array<i32>} : memref<640xf32, #tpu.memory_space<vmem>>, vector<16xf32>,
    %broadcast_in_dim3A_205 = arith.constant 0.000000e+00 : f32
    %broadcast_in_dim3A_206 = vector.broadcast %broadcast_in_dim3A_205 : f32 to vector<16xf32>
    %swap3A_207 = arith.constant 416 : index
    %swap3A_208 = tpu.vector_load %arg9[%swap3A_207] {strides = array<i32>} : memref<640xf32, #tpu.memory_space<vmem>>, vector<16xf32>,
    %swap3A_209 = vector.shape_cast %swap3A_208 : vector<16xf32> to vector<16xf32>
    %swap3A_210 = vector.shape_cast %broadcast_in_dim3A_206 : vector<16xf32> to vector<16xf32>
    tpu.vector_store %arg9[%swap3A_207], %swap3A_210 {strides = array<i32>} : memref<640xf32, #tpu.memory_space<vmem>>, vector<16xf32>,
    %broadcast_in_dim3A_211 = arith.constant 0.000000e+00 : f32
    %broadcast_in_dim3A_212 = vector.broadcast %broadcast_in_dim3A_211 : f32 to vector<16xf32>
    %swap3A_213 = arith.constant 432 : index
    %swap3A_214 = tpu.vector_load %arg9[%swap3A_213] {strides = array<i32>} : memref<640xf32, #tpu.memory_space<vmem>>, vector<16xf32>,
    %swap3A_215 = vector.shape_cast %swap3A_214 : vector<16xf32> to vector<16xf32>
    %swap3A_216 = vector.shape_cast %broadcast_in_dim3A_212 : vector<16xf32> to vector<16xf32>
    tpu.vector_store %arg9[%swap3A_213], %swap3A_216 {strides = array<i32>} : memref<640xf32, #tpu.memory_space<vmem>>, vector<16xf32>,
    %broadcast_in_dim3A_217 = arith.constant 0.000000e+00 : f32
    %broadcast_in_dim3A_218 = vector.broadcast %broadcast_in_dim3A_217 : f32 to vector<16xf32>
    %swap3A_219 = arith.constant 448 : index
    %swap3A_220 = tpu.vector_load %arg9[%swap3A_219] {strides = array<i32>} : memref<640xf32, #tpu.memory_space<vmem>>, vector<16xf32>,
    %swap3A_221 = vector.shape_cast %swap3A_220 : vector<16xf32> to vector<16xf32>
    %swap3A_222 = vector.shape_cast %broadcast_in_dim3A_218 : vector<16xf32> to vector<16xf32>
    tpu.vector_store %arg9[%swap3A_219], %swap3A_222 {strides = array<i32>} : memref<640xf32, #tpu.memory_space<vmem>>, vector<16xf32>,
    %broadcast_in_dim3A_223 = arith.constant 0.000000e+00 : f32
    %broadcast_in_dim3A_224 = vector.broadcast %broadcast_in_dim3A_223 : f32 to vector<16xf32>
    %swap3A_225 = arith.constant 464 : index
    %swap3A_226 = tpu.vector_load %arg9[%swap3A_225] {strides = array<i32>} : memref<640xf32, #tpu.memory_space<vmem>>, vector<16xf32>,
    %swap3A_227 = vector.shape_cast %swap3A_226 : vector<16xf32> to vector<16xf32>
    %swap3A_228 = vector.shape_cast %broadcast_in_dim3A_224 : vector<16xf32> to vector<16xf32>
    tpu.vector_store %arg9[%swap3A_225], %swap3A_228 {strides = array<i32>} : memref<640xf32, #tpu.memory_space<vmem>>, vector<16xf32>,
    %broadcast_in_dim3A_229 = arith.constant 0.000000e+00 : f32
    %broadcast_in_dim3A_230 = vector.broadcast %broadcast_in_dim3A_229 : f32 to vector<16xf32>
    %swap3A_231 = arith.constant 480 : index
    %swap3A_232 = tpu.vector_load %arg9[%swap3A_231] {strides = array<i32>} : memref<640xf32, #tpu.memory_space<vmem>>, vector<16xf32>,
    %swap3A_233 = vector.shape_cast %swap3A_232 : vector<16xf32> to vector<16xf32>
    %swap3A_234 = vector.shape_cast %broadcast_in_dim3A_230 : vector<16xf32> to vector<16xf32>
    tpu.vector_store %arg9[%swap3A_231], %swap3A_234 {strides = array<i32>} : memref<640xf32, #tpu.memory_space<vmem>>, vector<16xf32>,
    %broadcast_in_dim3A_235 = arith.constant 0.000000e+00 : f32
    %broadcast_in_dim3A_236 = vector.broadcast %broadcast_in_dim3A_235 : f32 to vector<16xf32>
    %swap3A_237 = arith.constant 496 : index
    %swap3A_238 = tpu.vector_load %arg9[%swap3A_237] {strides = array<i32>} : memref<640xf32, #tpu.memory_space<vmem>>, vector<16xf32>,
    %swap3A_239 = vector.shape_cast %swap3A_238 : vector<16xf32> to vector<16xf32>
    %swap3A_240 = vector.shape_cast %broadcast_in_dim3A_236 : vector<16xf32> to vector<16xf32>
    tpu.vector_store %arg9[%swap3A_237], %swap3A_240 {strides = array<i32>} : memref<640xf32, #tpu.memory_space<vmem>>, vector<16xf32>,
    %broadcast_in_dim3A_241 = arith.constant 0.000000e+00 : f32
    %broadcast_in_dim3A_242 = vector.broadcast %broadcast_in_dim3A_241 : f32 to vector<16xf32>
    %swap3A_243 = arith.constant 512 : index
    %swap3A_244 = tpu.vector_load %arg9[%swap3A_243] {strides = array<i32>} : memref<640xf32, #tpu.memory_space<vmem>>, vector<16xf32>,
    %swap3A_245 = vector.shape_cast %swap3A_244 : vector<16xf32> to vector<16xf32>
    %swap3A_246 = vector.shape_cast %broadcast_in_dim3A_242 : vector<16xf32> to vector<16xf32>
    tpu.vector_store %arg9[%swap3A_243], %swap3A_246 {strides = array<i32>} : memref<640xf32, #tpu.memory_space<vmem>>, vector<16xf32>,
    %broadcast_in_dim3A_247 = arith.constant 0.000000e+00 : f32
    %broadcast_in_dim3A_248 = vector.broadcast %broadcast_in_dim3A_247 : f32 to vector<16xf32>
    %swap3A_249 = arith.constant 528 : index
    %swap3A_250 = tpu.vector_load %arg9[%swap3A_249] {strides = array<i32>} : memref<640xf32, #tpu.memory_space<vmem>>, vector<16xf32>,
    %swap3A_251 = vector.shape_cast %swap3A_250 : vector<16xf32> to vector<16xf32>
    %swap3A_252 = vector.shape_cast %broadcast_in_dim3A_248 : vector<16xf32> to vector<16xf32>
    tpu.vector_store %arg9[%swap3A_249], %swap3A_252 {strides = array<i32>} : memref<640xf32, #tpu.memory_space<vmem>>, vector<16xf32>,
    %broadcast_in_dim3A_253 = arith.constant 0.000000e+00 : f32
    %broadcast_in_dim3A_254 = vector.broadcast %broadcast_in_dim3A_253 : f32 to vector<16xf32>
    %swap3A_255 = arith.constant 544 : index
    %swap3A_256 = tpu.vector_load %arg9[%swap3A_255] {strides = array<i32>} : memref<640xf32, #tpu.memory_space<vmem>>, vector<16xf32>,
    %swap3A_257 = vector.shape_cast %swap3A_256 : vector<16xf32> to vector<16xf32>
    %swap3A_258 = vector.shape_cast %broadcast_in_dim3A_254 : vector<16xf32> to vector<16xf32>
    tpu.vector_store %arg9[%swap3A_255], %swap3A_258 {strides = array<i32>} : memref<640xf32, #tpu.memory_space<vmem>>, vector<16xf32>,
    %broadcast_in_dim3A_259 = arith.constant 0.000000e+00 : f32
    %broadcast_in_dim3A_260 = vector.broadcast %broadcast_in_dim3A_259 : f32 to vector<16xf32>
    %swap3A_261 = arith.constant 560 : index
    %swap3A_262 = tpu.vector_load %arg9[%swap3A_261] {strides = array<i32>} : memref<640xf32, #tpu.memory_space<vmem>>, vector<16xf32>,
    %swap3A_263 = vector.shape_cast %swap3A_262 : vector<16xf32> to vector<16xf32>
    %swap3A_264 = vector.shape_cast %broadcast_in_dim3A_260 : vector<16xf32> to vector<16xf32>
    tpu.vector_store %arg9[%swap3A_261], %swap3A_264 {strides = array<i32>} : memref<640xf32, #tpu.memory_space<vmem>>, vector<16xf32>,
    %broadcast_in_dim3A_265 = arith.constant 0.000000e+00 : f32
    %broadcast_in_dim3A_266 = vector.broadcast %broadcast_in_dim3A_265 : f32 to vector<16xf32>
    %swap3A_267 = arith.constant 576 : index
    %swap3A_268 = tpu.vector_load %arg9[%swap3A_267] {strides = array<i32>} : memref<640xf32, #tpu.memory_space<vmem>>, vector<16xf32>,
    %swap3A_269 = vector.shape_cast %swap3A_268 : vector<16xf32> to vector<16xf32>
    %swap3A_270 = vector.shape_cast %broadcast_in_dim3A_266 : vector<16xf32> to vector<16xf32>
    tpu.vector_store %arg9[%swap3A_267], %swap3A_270 {strides = array<i32>} : memref<640xf32, #tpu.memory_space<vmem>>, vector<16xf32>,
    %broadcast_in_dim3A_271 = arith.constant 0.000000e+00 : f32
    %broadcast_in_dim3A_272 = vector.broadcast %broadcast_in_dim3A_271 : f32 to vector<16xf32>
    %swap3A_273 = arith.constant 592 : index
    %swap3A_274 = tpu.vector_load %arg9[%swap3A_273] {strides = array<i32>} : memref<640xf32, #tpu.memory_space<vmem>>, vector<16xf32>,
    %swap3A_275 = vector.shape_cast %swap3A_274 : vector<16xf32> to vector<16xf32>
    %swap3A_276 = vector.shape_cast %broadcast_in_dim3A_272 : vector<16xf32> to vector<16xf32>
    tpu.vector_store %arg9[%swap3A_273], %swap3A_276 {strides = array<i32>} : memref<640xf32, #tpu.memory_space<vmem>>, vector<16xf32>,
    %broadcast_in_dim3A_277 = arith.constant 0.000000e+00 : f32
    %broadcast_in_dim3A_278 = vector.broadcast %broadcast_in_dim3A_277 : f32 to vector<16xf32>
    %swap3A_279 = arith.constant 608 : index
    %swap3A_280 = tpu.vector_load %arg9[%swap3A_279] {strides = array<i32>} : memref<640xf32, #tpu.memory_space<vmem>>, vector<16xf32>,
    %swap3A_281 = vector.shape_cast %swap3A_280 : vector<16xf32> to vector<16xf32>
    %swap3A_282 = vector.shape_cast %broadcast_in_dim3A_278 : vector<16xf32> to vector<16xf32>
    tpu.vector_store %arg9[%swap3A_279], %swap3A_282 {strides = array<i32>} : memref<640xf32, #tpu.memory_space<vmem>>, vector<16xf32>,
    %broadcast_in_dim3A_283 = arith.constant 0.000000e+00 : f32
    %broadcast_in_dim3A_284 = vector.broadcast %broadcast_in_dim3A_283 : f32 to vector<16xf32>
    %swap3A_285 = arith.constant 624 : index
    %swap3A_286 = tpu.vector_load %arg9[%swap3A_285] {strides = array<i32>} : memref<640xf32, #tpu.memory_space<vmem>>, vector<16xf32>,
    %swap3A_287 = vector.shape_cast %swap3A_286 : vector<16xf32> to vector<16xf32>
    %swap3A_288 = vector.shape_cast %broadcast_in_dim3A_284 : vector<16xf32> to vector<16xf32>
    tpu.vector_store %arg9[%swap3A_285], %swap3A_288 {strides = array<i32>} : memref<640xf32, #tpu.memory_space<vmem>>, vector<16xf32>,
    %mul3A_289 = arith.constant 640 : i32
    %mul3A_290 = arith.muli %arg1, %mul3A_289 : i32
    "tpu.region"() ({
      %run_scoped3A = tpu.sem_alloc : memref<!tpu.dma_semaphore, #tpu.memory_space<semaphore_mem>>
      %dma_start3A = tpu.memref_slice %arg10[%mul3A_290] : memref<10240xf32, #tpu.memory_space<vmem_shared>> -> memref<640xf32, #tpu.memory_space<vmem_shared>>
      %dma_start3A_306 = tpu.memref_slice %arg10[%mul3A_290] : memref<10240xf32, #tpu.memory_space<vmem_shared>> -> memref<640xf32, #tpu.memory_space<vmem_shared>>
      tpu.enqueue_dma source(%arg9 : memref<640xf32, #tpu.memory_space<vmem>>) target(%dma_start3A_306 : memref<640xf32, #tpu.memory_space<vmem_shared>>) target_semaphore(%run_scoped3A : memref<!tpu.dma_semaphore, #tpu.memory_space<semaphore_mem>>)
      %dma_wait3A = tpu.memref_slice %arg10[%mul3A_290] : memref<10240xf32, #tpu.memory_space<vmem_shared>> -> memref<640xf32, #tpu.memory_space<vmem_shared>>
      %dma_wait3A_307 = tpu.memref_slice %arg10[%mul3A_290] : memref<10240xf32, #tpu.memory_space<vmem_shared>> -> memref<640xf32, #tpu.memory_space<vmem_shared>>
      tpu.wait_dma2 semaphore(%run_scoped3A : memref<!tpu.dma_semaphore, #tpu.memory_space<semaphore_mem>>) src(%arg9 : memref<640xf32, #tpu.memory_space<vmem>>) dst(%dma_wait3A_307 : memref<640xf32, #tpu.memory_space<vmem_shared>>)
      tpu.yield
    }) : () -> ()
    %mul3A_291 = arith.constant 640 : i32
    %mul3A_292 = arith.muli %arg1, %mul3A_291 : i32
    "tpu.region"() ({
      %run_scoped3A = tpu.sem_alloc : memref<!tpu.dma_semaphore, #tpu.memory_space<semaphore_mem>>
      %dma_start3A = tpu.memref_slice %arg11[%mul3A_292] : memref<10240xf32, #tpu.memory_space<vmem_shared>> -> memref<640xf32, #tpu.memory_space<vmem_shared>>
      %dma_start3A_306 = tpu.memref_slice %arg11[%mul3A_292] : memref<10240xf32, #tpu.memory_space<vmem_shared>> -> memref<640xf32, #tpu.memory_space<vmem_shared>>
      tpu.enqueue_dma source(%arg9 : memref<640xf32, #tpu.memory_space<vmem>>) target(%dma_start3A_306 : memref<640xf32, #tpu.memory_space<vmem_shared>>) target_semaphore(%run_scoped3A : memref<!tpu.dma_semaphore, #tpu.memory_space<semaphore_mem>>)
      %dma_wait3A = tpu.memref_slice %arg11[%mul3A_292] : memref<10240xf32, #tpu.memory_space<vmem_shared>> -> memref<640xf32, #tpu.memory_space<vmem_shared>>
      %dma_wait3A_307 = tpu.memref_slice %arg11[%mul3A_292] : memref<10240xf32, #tpu.memory_space<vmem_shared>> -> memref<640xf32, #tpu.memory_space<vmem_shared>>
      tpu.wait_dma2 semaphore(%run_scoped3A : memref<!tpu.dma_semaphore, #tpu.memory_space<semaphore_mem>>) src(%arg9 : memref<640xf32, #tpu.memory_space<vmem>>) dst(%dma_wait3A_307 : memref<640xf32, #tpu.memory_space<vmem_shared>>)
      tpu.yield
    }) : () -> ()
    "tpu.region"() ({
      %run_scoped3A = tpu.sem_alloc : memref<!tpu.dma_semaphore, #tpu.memory_space<semaphore_mem>>
      %dma_start3A = arith.constant 0 : i32
      %dma_start3A_306 = tpu.memref_slice %arg2[%mul3A_2, %dma_start3A] : memref<2560x128xi32, #tpu.memory_space<hbm>> -> memref<80x128xi32, #tpu.memory_space<hbm>>
      %dma_start3A_307 = arith.constant 0 : i32
      %dma_start3A_308 = tpu.memref_slice %arg2[%mul3A_2, %dma_start3A_307] : memref<2560x128xi32, #tpu.memory_space<hbm>> -> memref<80x128xi32, #tpu.memory_space<hbm>>
      tpu.enqueue_dma source(%dma_start3A_308 : memref<80x128xi32, #tpu.memory_space<hbm>>) target(%arg6 : memref<80x128xi32, #tpu.memory_space<vmem>>) target_semaphore(%run_scoped3A : memref<!tpu.dma_semaphore, #tpu.memory_space<semaphore_mem>>)
      %dma_wait3A = arith.constant 0 : i32
      %dma_wait3A_309 = tpu.memref_slice %arg2[%mul3A_2, %dma_wait3A] : memref<2560x128xi32, #tpu.memory_space<hbm>> -> memref<80x128xi32, #tpu.memory_space<hbm>>
      %dma_wait3A_310 = arith.constant 0 : i32
      %dma_wait3A_311 = tpu.memref_slice %arg2[%mul3A_2, %dma_wait3A_310] : memref<2560x128xi32, #tpu.memory_space<hbm>> -> memref<80x128xi32, #tpu.memory_space<hbm>>
      tpu.wait_dma2 semaphore(%run_scoped3A : memref<!tpu.dma_semaphore, #tpu.memory_space<semaphore_mem>>) src(%dma_wait3A_311 : memref<80x128xi32, #tpu.memory_space<hbm>>) dst(%arg6 : memref<80x128xi32, #tpu.memory_space<vmem>>)
      tpu.yield
    }) : () -> ()
    "tpu.region"() ({
      %run_scoped3A = tpu.sem_alloc : memref<!tpu.dma_semaphore, #tpu.memory_space<semaphore_mem>>
      %dma_start3A = arith.constant 0 : i32
      %dma_start3A_306 = tpu.memref_slice %arg3[%mul3A_2, %dma_start3A] : memref<2560x128xi32, #tpu.memory_space<hbm>> -> memref<80x128xi32, #tpu.memory_space<hbm>>
      %dma_start3A_307 = arith.constant 0 : i32
      %dma_start3A_308 = tpu.memref_slice %arg3[%mul3A_2, %dma_start3A_307] : memref<2560x128xi32, #tpu.memory_space<hbm>> -> memref<80x128xi32, #tpu.memory_space<hbm>>
      tpu.enqueue_dma source(%dma_start3A_308 : memref<80x128xi32, #tpu.memory_space<hbm>>) target(%arg7 : memref<80x128xi32, #tpu.memory_space<vmem>>) target_semaphore(%run_scoped3A : memref<!tpu.dma_semaphore, #tpu.memory_space<semaphore_mem>>)
      %dma_wait3A = arith.constant 0 : i32
      %dma_wait3A_309 = tpu.memref_slice %arg3[%mul3A_2, %dma_wait3A] : memref<2560x128xi32, #tpu.memory_space<hbm>> -> memref<80x128xi32, #tpu.memory_space<hbm>>
      %dma_wait3A_310 = arith.constant 0 : i32
      %dma_wait3A_311 = tpu.memref_slice %arg3[%mul3A_2, %dma_wait3A_310] : memref<2560x128xi32, #tpu.memory_space<hbm>> -> memref<80x128xi32, #tpu.memory_space<hbm>>
      tpu.wait_dma2 semaphore(%run_scoped3A : memref<!tpu.dma_semaphore, #tpu.memory_space<semaphore_mem>>) src(%dma_wait3A_311 : memref<80x128xi32, #tpu.memory_space<hbm>>) dst(%arg7 : memref<80x128xi32, #tpu.memory_space<vmem>>)
      tpu.yield
    }) : () -> ()
    %barrier3A = arith.constant 0 : index
    tpu.barrier barrier_id(%barrier3A)
    %scan3A = arith.constant 0 : i32
    %scan3A_293 = arith.constant 0 : i32
    %scan3A_294 = arith.constant 80 : i32
    %scan3A_295 = arith.addi %scan3A_293, %scan3A_294 : i32
    %scan3A_296 = arith.constant 1 : i32
    scf.for %scan3A_306 = %scan3A_293 to %scan3A_295 step %scan3A_296  : i32 {
      %dma_start3A = arith.constant 0 : i32
      %dma_start3A_307 = tpu.memref_slice %arg6[%scan3A_306, %dma_start3A] : memref<80x128xi32, #tpu.memory_space<vmem>> -> memref<1x128xi32, #tpu.memory_space<vmem>>
      %dma_start3A_308 = tpu.memref_squeeze %dma_start3A_307 : memref<1x128xi32, #tpu.memory_space<vmem>> -> memref<128xi32, #tpu.memory_space<vmem>>
      %dma_start3A_309 = arith.constant 0 : i32
      %dma_start3A_310 = tpu.memref_slice %arg10[%dma_start3A_309] : memref<10240xf32, #tpu.memory_space<vmem_shared>> -> memref<10240xf32, #tpu.memory_space<vmem_shared>>
      tpu.enqueue_indirect_dma source(%arg8 : memref<128xf32, #tpu.memory_space<vmem>>) target(%dma_start3A_310 : memref<10240xf32, #tpu.memory_space<vmem_shared>>) offsets(%dma_start3A_308 : memref<128xi32, #tpu.memory_space<vmem>>) semaphore(%arg12 : memref<!tpu.dma_semaphore, #tpu.memory_space<semaphore_mem>>) {add = true}
      %dma_start3A_311 = arith.constant 0 : i32
      %dma_start3A_312 = tpu.memref_slice %arg7[%scan3A_306, %dma_start3A_311] : memref<80x128xi32, #tpu.memory_space<vmem>> -> memref<1x128xi32, #tpu.memory_space<vmem>>
      %dma_start3A_313 = tpu.memref_squeeze %dma_start3A_312 : memref<1x128xi32, #tpu.memory_space<vmem>> -> memref<128xi32, #tpu.memory_space<vmem>>
      %dma_start3A_314 = arith.constant 0 : i32
      %dma_start3A_315 = tpu.memref_slice %arg11[%dma_start3A_314] : memref<10240xf32, #tpu.memory_space<vmem_shared>> -> memref<10240xf32, #tpu.memory_space<vmem_shared>>
      tpu.enqueue_indirect_dma source(%arg8 : memref<128xf32, #tpu.memory_space<vmem>>) target(%dma_start3A_315 : memref<10240xf32, #tpu.memory_space<vmem_shared>>) offsets(%dma_start3A_313 : memref<128xi32, #tpu.memory_space<vmem>>) semaphore(%arg13 : memref<!tpu.dma_semaphore, #tpu.memory_space<semaphore_mem>>) {add = true}
      %dma_wait3A = arith.constant 0 : i32
      %dma_wait3A_316 = arith.constant 0 : i32
      %dma_wait3A_317 = tpu.memref_slice %arg6[%dma_wait3A, %dma_wait3A_316] : memref<80x128xi32, #tpu.memory_space<vmem>> -> memref<1x128xi32, #tpu.memory_space<vmem>>
      %dma_wait3A_318 = tpu.memref_squeeze %dma_wait3A_317 : memref<1x128xi32, #tpu.memory_space<vmem>> -> memref<128xi32, #tpu.memory_space<vmem>>
      %dma_wait3A_319 = arith.constant 0 : i32
      %dma_wait3A_320 = tpu.memref_slice %arg10[%dma_wait3A_319] : memref<10240xf32, #tpu.memory_space<vmem_shared>> -> memref<10240xf32, #tpu.memory_space<vmem_shared>>
      tpu.wait_indirect_dma semaphore(%arg12 : memref<!tpu.dma_semaphore, #tpu.memory_space<semaphore_mem>>) src(%arg8 : memref<128xf32, #tpu.memory_space<vmem>>) dst(%dma_wait3A_320 : memref<10240xf32, #tpu.memory_space<vmem_shared>>)
      %dma_wait3A_321 = arith.constant 0 : i32
      %dma_wait3A_322 = arith.constant 0 : i32
      %dma_wait3A_323 = tpu.memref_slice %arg7[%dma_wait3A_321, %dma_wait3A_322] : memref<80x128xi32, #tpu.memory_space<vmem>> -> memref<1x128xi32, #tpu.memory_space<vmem>>
      %dma_wait3A_324 = tpu.memref_squeeze %dma_wait3A_323 : memref<1x128xi32, #tpu.memory_space<vmem>> -> memref<128xi32, #tpu.memory_space<vmem>>
      %dma_wait3A_325 = arith.constant 0 : i32
      %dma_wait3A_326 = tpu.memref_slice %arg11[%dma_wait3A_325] : memref<10240xf32, #tpu.memory_space<vmem_shared>> -> memref<10240xf32, #tpu.memory_space<vmem_shared>>
      tpu.wait_indirect_dma semaphore(%arg13 : memref<!tpu.dma_semaphore, #tpu.memory_space<semaphore_mem>>) src(%arg8 : memref<128xf32, #tpu.memory_space<vmem>>) dst(%dma_wait3A_326 : memref<10240xf32, #tpu.memory_space<vmem_shared>>)
    }
    %scan3A_297 = arith.constant 80 : i32
    %barrier3A_298 = arith.constant 0 : index
    tpu.barrier barrier_id(%barrier3A_298)
    %eq3A = arith.constant 0 : i32
    %eq3A_299 = arith.cmpi eq, %arg0, %eq3A : i32
    %convert_element_type3A = arith.extui %eq3A_299 : i1 to i32
    %cond3A = arith.constant 0 : i32
    %cond3A_300 = arith.cmpi ne, %convert_element_type3A, %cond3A : i32
    scf.if %cond3A_300 {
      %mul3A_306 = arith.constant 640 : i32
      %mul3A_307 = arith.muli %arg1, %mul3A_306 : i32
      %mul3A_308 = arith.constant 640 : i32
      %mul3A_309 = arith.muli %arg1, %mul3A_308 : i32
      "tpu.region"() ({
        %run_scoped3A = tpu.sem_alloc : memref<!tpu.dma_semaphore, #tpu.memory_space<semaphore_mem>>
        %dma_start3A = tpu.memref_slice %arg4[%mul3A_309] : memref<20480xf32, #tpu.memory_space<hbm>> -> memref<640xf32, #tpu.memory_space<hbm>>
        %dma_start3A_316 = tpu.memref_slice %arg10[%mul3A_307] : memref<10240xf32, #tpu.memory_space<vmem_shared>> -> memref<640xf32, #tpu.memory_space<vmem_shared>>
        tpu.enqueue_dma source(%dma_start3A_316 : memref<640xf32, #tpu.memory_space<vmem_shared>>) target(%dma_start3A : memref<640xf32, #tpu.memory_space<hbm>>) target_semaphore(%run_scoped3A : memref<!tpu.dma_semaphore, #tpu.memory_space<semaphore_mem>>)
        %dma_wait3A = tpu.memref_slice %arg4[%mul3A_309] : memref<20480xf32, #tpu.memory_space<hbm>> -> memref<640xf32, #tpu.memory_space<hbm>>
        %dma_wait3A_317 = tpu.memref_slice %arg10[%mul3A_307] : memref<10240xf32, #tpu.memory_space<vmem_shared>> -> memref<640xf32, #tpu.memory_space<vmem_shared>>
        tpu.wait_dma2 semaphore(%run_scoped3A : memref<!tpu.dma_semaphore, #tpu.memory_space<semaphore_mem>>) src(%dma_wait3A_317 : memref<640xf32, #tpu.memory_space<vmem_shared>>) dst(%dma_wait3A : memref<640xf32, #tpu.memory_space<hbm>>)
        tpu.yield
      }) : () -> ()
      %mul3A_310 = arith.constant 640 : i32
      %mul3A_311 = arith.muli %arg1, %mul3A_310 : i32
      %mul3A_312 = arith.constant 640 : i32
      %mul3A_313 = arith.muli %arg1, %mul3A_312 : i32
      %add3A_314 = arith.constant 10240 : i32
      %add3A_315 = arith.addi %add3A_314, %mul3A_313 : i32
      "tpu.region"() ({
        %run_scoped3A = tpu.sem_alloc : memref<!tpu.dma_semaphore, #tpu.memory_space<semaphore_mem>>
        %dma_start3A = tpu.memref_slice %arg4[%add3A_315] : memref<20480xf32, #tpu.memory_space<hbm>> -> memref<640xf32, #tpu.memory_space<hbm>>
        %dma_start3A_316 = tpu.memref_slice %arg11[%mul3A_311] : memref<10240xf32, #tpu.memory_space<vmem_shared>> -> memref<640xf32, #tpu.memory_space<vmem_shared>>
        tpu.enqueue_dma source(%dma_start3A_316 : memref<640xf32, #tpu.memory_space<vmem_shared>>) target(%dma_start3A : memref<640xf32, #tpu.memory_space<hbm>>) target_semaphore(%run_scoped3A : memref<!tpu.dma_semaphore, #tpu.memory_space<semaphore_mem>>)
        %dma_wait3A = tpu.memref_slice %arg4[%add3A_315] : memref<20480xf32, #tpu.memory_space<hbm>> -> memref<640xf32, #tpu.memory_space<hbm>>
        %dma_wait3A_317 = tpu.memref_slice %arg11[%mul3A_311] : memref<10240xf32, #tpu.memory_space<vmem_shared>> -> memref<640xf32, #tpu.memory_space<vmem_shared>>
        tpu.wait_dma2 semaphore(%run_scoped3A : memref<!tpu.dma_semaphore, #tpu.memory_space<semaphore_mem>>) src(%dma_wait3A_317 : memref<640xf32, #tpu.memory_space<vmem_shared>>) dst(%dma_wait3A : memref<640xf32, #tpu.memory_space<hbm>>)
        tpu.yield
      }) : () -> ()
    } else {
    }
    %eq3A_301 = arith.constant 1 : i32
    %eq3A_302 = arith.cmpi eq, %arg0, %eq3A_301 : i32
    %convert_element_type3A_303 = arith.extui %eq3A_302 : i1 to i32
    %cond3A_304 = arith.constant 0 : i32
    %cond3A_305 = arith.cmpi ne, %convert_element_type3A_303, %cond3A_304 : i32
    scf.if %cond3A_305 {
      %mul3A_306 = arith.constant 640 : i32
      %mul3A_307 = arith.muli %arg1, %mul3A_306 : i32
      %mul3A_308 = arith.constant 640 : i32
      %mul3A_309 = arith.muli %arg1, %mul3A_308 : i32
      "tpu.region"() ({
        %run_scoped3A = tpu.sem_alloc : memref<!tpu.dma_semaphore, #tpu.memory_space<semaphore_mem>>
        %dma_start3A = tpu.memref_slice %arg5[%mul3A_309] : memref<20480xf32, #tpu.memory_space<hbm>> -> memref<640xf32, #tpu.memory_space<hbm>>
        %dma_start3A_316 = tpu.memref_slice %arg10[%mul3A_307] : memref<10240xf32, #tpu.memory_space<vmem_shared>> -> memref<640xf32, #tpu.memory_space<vmem_shared>>
        tpu.enqueue_dma source(%dma_start3A_316 : memref<640xf32, #tpu.memory_space<vmem_shared>>) target(%dma_start3A : memref<640xf32, #tpu.memory_space<hbm>>) target_semaphore(%run_scoped3A : memref<!tpu.dma_semaphore, #tpu.memory_space<semaphore_mem>>)
        %dma_wait3A = tpu.memref_slice %arg5[%mul3A_309] : memref<20480xf32, #tpu.memory_space<hbm>> -> memref<640xf32, #tpu.memory_space<hbm>>
        %dma_wait3A_317 = tpu.memref_slice %arg10[%mul3A_307] : memref<10240xf32, #tpu.memory_space<vmem_shared>> -> memref<640xf32, #tpu.memory_space<vmem_shared>>
        tpu.wait_dma2 semaphore(%run_scoped3A : memref<!tpu.dma_semaphore, #tpu.memory_space<semaphore_mem>>) src(%dma_wait3A_317 : memref<640xf32, #tpu.memory_space<vmem_shared>>) dst(%dma_wait3A : memref<640xf32, #tpu.memory_space<hbm>>)
        tpu.yield
      }) : () -> ()
      %mul3A_310 = arith.constant 640 : i32
      %mul3A_311 = arith.muli %arg1, %mul3A_310 : i32
      %mul3A_312 = arith.constant 640 : i32
      %mul3A_313 = arith.muli %arg1, %mul3A_312 : i32
      %add3A_314 = arith.constant 10240 : i32
      %add3A_315 = arith.addi %add3A_314, %mul3A_313 : i32
      "tpu.region"() ({
        %run_scoped3A = tpu.sem_alloc : memref<!tpu.dma_semaphore, #tpu.memory_space<semaphore_mem>>
        %dma_start3A = tpu.memref_slice %arg5[%add3A_315] : memref<20480xf32, #tpu.memory_space<hbm>> -> memref<640xf32, #tpu.memory_space<hbm>>
        %dma_start3A_316 = tpu.memref_slice %arg11[%mul3A_311] : memref<10240xf32, #tpu.memory_space<vmem_shared>> -> memref<640xf32, #tpu.memory_space<vmem_shared>>
        tpu.enqueue_dma source(%dma_start3A_316 : memref<640xf32, #tpu.memory_space<vmem_shared>>) target(%dma_start3A : memref<640xf32, #tpu.memory_space<hbm>>) target_semaphore(%run_scoped3A : memref<!tpu.dma_semaphore, #tpu.memory_space<semaphore_mem>>)
        %dma_wait3A = tpu.memref_slice %arg5[%add3A_315] : memref<20480xf32, #tpu.memory_space<hbm>> -> memref<640xf32, #tpu.memory_space<hbm>>
        %dma_wait3A_317 = tpu.memref_slice %arg11[%mul3A_311] : memref<10240xf32, #tpu.memory_space<vmem_shared>> -> memref<640xf32, #tpu.memory_space<vmem_shared>>
        tpu.wait_dma2 semaphore(%run_scoped3A : memref<!tpu.dma_semaphore, #tpu.memory_space<semaphore_mem>>) src(%dma_wait3A_317 : memref<640xf32, #tpu.memory_space<vmem_shared>>) dst(%dma_wait3A : memref<640xf32, #tpu.memory_space<hbm>>)
        tpu.yield
      }) : () -> ()
    } else {
    }
    return
  }
}

#map = affine_map<(d0, d1) -> (0, 0)>
module attributes {stable_mosaic.version = 14 : i64} {
  func.func @_agg_kernel(%arg0: i32, %arg1: i32, %arg2: memref<2560x128xi32, #tpu.memory_space<hbm>>, %arg3: memref<2560x128xi32, #tpu.memory_space<hbm>>, %arg4: memref<10240x128xf32, #tpu.memory_space<hbm>>, %arg5: memref<10240x128xf32, #tpu.memory_space<hbm>>, %arg6: memref<10240x128xf32, #tpu.memory_space<hbm>>, %arg7: memref<10240x128xf32, #tpu.memory_space<hbm>>, %arg8: memref<40x128xi32, #tpu.memory_space<vmem>>, %arg9: memref<40x128xi32, #tpu.memory_space<vmem>>, %arg10: memref<128x128xf32, #tpu.memory_space<vmem>>, %arg11: memref<128x128xf32, #tpu.memory_space<vmem>>, %arg12: memref<10240x128xf32, #tpu.memory_space<vmem_shared>>, %arg13: memref<!tpu.dma_semaphore, #tpu.memory_space<semaphore_mem>>, %arg14: memref<!tpu.dma_semaphore, #tpu.memory_space<semaphore_mem>>) attributes {dimension_semantics = [#tpu.dimension_semantics<core_parallel>, #tpu.dimension_semantics<subcore_parallel>], iteration_bounds = array<i64: 2, 16>, scalar_prefetch = 0 : i64, scratch_operands = 7 : i64, tpu.core_type = #tpu.core_type<sc_vector_subcore>, window_params = [{transform_indices = #map}, {transform_indices = #map}, {transform_indices = #map}, {transform_indices = #map}, {transform_indices = #map}, {transform_indices = #map}]} {
    %mul3A = arith.constant 16 : i32
    %mul3A_0 = arith.muli %arg0, %mul3A : i32
    %add3A = arith.addi %mul3A_0, %arg1 : i32
    %mul3A_1 = arith.constant 80 : i32
    %mul3A_2 = arith.muli %add3A, %mul3A_1 : i32
    %add3A_3 = arith.constant 0 : i32
    %add3A_4 = arith.addi %mul3A_2, %add3A_3 : i32
    "tpu.region"() ({
      %run_scoped3A = tpu.sem_alloc : memref<!tpu.dma_semaphore, #tpu.memory_space<semaphore_mem>>
      %dma_start3A_47 = arith.constant 0 : i32
      %dma_start3A_48 = tpu.memref_slice %arg2[%add3A_4, %dma_start3A_47] : memref<2560x128xi32, #tpu.memory_space<hbm>> -> memref<40x128xi32, #tpu.memory_space<hbm>>
      %dma_start3A_49 = arith.constant 0 : i32
      %dma_start3A_50 = tpu.memref_slice %arg2[%add3A_4, %dma_start3A_49] : memref<2560x128xi32, #tpu.memory_space<hbm>> -> memref<40x128xi32, #tpu.memory_space<hbm>>
      tpu.enqueue_dma source(%dma_start3A_50 : memref<40x128xi32, #tpu.memory_space<hbm>>) target(%arg8 : memref<40x128xi32, #tpu.memory_space<vmem>>) target_semaphore(%run_scoped3A : memref<!tpu.dma_semaphore, #tpu.memory_space<semaphore_mem>>)
      %dma_wait3A = arith.constant 0 : i32
      %dma_wait3A_51 = tpu.memref_slice %arg2[%add3A_4, %dma_wait3A] : memref<2560x128xi32, #tpu.memory_space<hbm>> -> memref<40x128xi32, #tpu.memory_space<hbm>>
      %dma_wait3A_52 = arith.constant 0 : i32
      %dma_wait3A_53 = tpu.memref_slice %arg2[%add3A_4, %dma_wait3A_52] : memref<2560x128xi32, #tpu.memory_space<hbm>> -> memref<40x128xi32, #tpu.memory_space<hbm>>
      tpu.wait_dma2 semaphore(%run_scoped3A : memref<!tpu.dma_semaphore, #tpu.memory_space<semaphore_mem>>) src(%dma_wait3A_53 : memref<40x128xi32, #tpu.memory_space<hbm>>) dst(%arg8 : memref<40x128xi32, #tpu.memory_space<vmem>>)
      tpu.yield
    }) : () -> ()
    %add3A_5 = arith.constant 0 : i32
    %add3A_6 = arith.addi %mul3A_2, %add3A_5 : i32
    "tpu.region"() ({
      %run_scoped3A = tpu.sem_alloc : memref<!tpu.dma_semaphore, #tpu.memory_space<semaphore_mem>>
      %dma_start3A_47 = arith.constant 0 : i32
      %dma_start3A_48 = tpu.memref_slice %arg3[%add3A_6, %dma_start3A_47] : memref<2560x128xi32, #tpu.memory_space<hbm>> -> memref<40x128xi32, #tpu.memory_space<hbm>>
      %dma_start3A_49 = arith.constant 0 : i32
      %dma_start3A_50 = tpu.memref_slice %arg3[%add3A_6, %dma_start3A_49] : memref<2560x128xi32, #tpu.memory_space<hbm>> -> memref<40x128xi32, #tpu.memory_space<hbm>>
      tpu.enqueue_dma source(%dma_start3A_50 : memref<40x128xi32, #tpu.memory_space<hbm>>) target(%arg9 : memref<40x128xi32, #tpu.memory_space<vmem>>) target_semaphore(%run_scoped3A : memref<!tpu.dma_semaphore, #tpu.memory_space<semaphore_mem>>)
      %dma_wait3A = arith.constant 0 : i32
      %dma_wait3A_51 = tpu.memref_slice %arg3[%add3A_6, %dma_wait3A] : memref<2560x128xi32, #tpu.memory_space<hbm>> -> memref<40x128xi32, #tpu.memory_space<hbm>>
      %dma_wait3A_52 = arith.constant 0 : i32
      %dma_wait3A_53 = tpu.memref_slice %arg3[%add3A_6, %dma_wait3A_52] : memref<2560x128xi32, #tpu.memory_space<hbm>> -> memref<40x128xi32, #tpu.memory_space<hbm>>
      tpu.wait_dma2 semaphore(%run_scoped3A : memref<!tpu.dma_semaphore, #tpu.memory_space<semaphore_mem>>) src(%dma_wait3A_53 : memref<40x128xi32, #tpu.memory_space<hbm>>) dst(%arg9 : memref<40x128xi32, #tpu.memory_space<vmem>>)
      tpu.yield
    }) : () -> ()
    %dma_start3A = arith.constant 0 : i32
    %dma_start3A_7 = arith.constant 0 : i32
    %dma_start3A_8 = tpu.memref_slice %arg8[%dma_start3A, %dma_start3A_7] : memref<40x128xi32, #tpu.memory_space<vmem>> -> memref<1x128xi32, #tpu.memory_space<vmem>>
    %dma_start3A_9 = tpu.memref_squeeze %dma_start3A_8 : memref<1x128xi32, #tpu.memory_space<vmem>> -> memref<128xi32, #tpu.memory_space<vmem>>
    %dma_start3A_10 = arith.constant 0 : i32
    %dma_start3A_11 = arith.constant 0 : i32
    %dma_start3A_12 = tpu.memref_slice %arg4[%dma_start3A_10, %dma_start3A_11] : memref<10240x128xf32, #tpu.memory_space<hbm>> -> memref<10240x128xf32, #tpu.memory_space<hbm>>
    tpu.enqueue_indirect_dma source(%dma_start3A_12 : memref<10240x128xf32, #tpu.memory_space<hbm>>) target(%arg10 : memref<128x128xf32, #tpu.memory_space<vmem>>) offsets(%dma_start3A_9 : memref<128xi32, #tpu.memory_space<vmem>>) semaphore(%arg13 : memref<!tpu.dma_semaphore, #tpu.memory_space<semaphore_mem>>)
    %mul3A_13 = arith.constant 640 : i32
    %mul3A_14 = arith.muli %arg1, %mul3A_13 : i32
    %mul3A_15 = arith.constant 640 : i32
    %mul3A_16 = arith.muli %arg1, %mul3A_15 : i32
    "tpu.region"() ({
      %run_scoped3A = tpu.sem_alloc : memref<!tpu.dma_semaphore, #tpu.memory_space<semaphore_mem>>
      %dma_start3A_47 = arith.constant 0 : i32
      %dma_start3A_48 = tpu.memref_slice %arg12[%mul3A_16, %dma_start3A_47] : memref<10240x128xf32, #tpu.memory_space<vmem_shared>> -> memref<640x128xf32, #tpu.memory_space<vmem_shared>>
      %dma_start3A_49 = arith.constant 0 : i32
      %dma_start3A_50 = tpu.memref_slice %arg5[%mul3A_14, %dma_start3A_49] : memref<10240x128xf32, #tpu.memory_space<hbm>> -> memref<640x128xf32, #tpu.memory_space<hbm>>
      tpu.enqueue_dma source(%dma_start3A_50 : memref<640x128xf32, #tpu.memory_space<hbm>>) target(%dma_start3A_48 : memref<640x128xf32, #tpu.memory_space<vmem_shared>>) target_semaphore(%run_scoped3A : memref<!tpu.dma_semaphore, #tpu.memory_space<semaphore_mem>>)
      %dma_wait3A = arith.constant 0 : i32
      %dma_wait3A_51 = tpu.memref_slice %arg12[%mul3A_16, %dma_wait3A] : memref<10240x128xf32, #tpu.memory_space<vmem_shared>> -> memref<640x128xf32, #tpu.memory_space<vmem_shared>>
      %dma_wait3A_52 = arith.constant 0 : i32
      %dma_wait3A_53 = tpu.memref_slice %arg5[%mul3A_14, %dma_wait3A_52] : memref<10240x128xf32, #tpu.memory_space<hbm>> -> memref<640x128xf32, #tpu.memory_space<hbm>>
      tpu.wait_dma2 semaphore(%run_scoped3A : memref<!tpu.dma_semaphore, #tpu.memory_space<semaphore_mem>>) src(%dma_wait3A_53 : memref<640x128xf32, #tpu.memory_space<hbm>>) dst(%dma_wait3A_51 : memref<640x128xf32, #tpu.memory_space<vmem_shared>>)
      tpu.yield
    }) : () -> ()
    %barrier3A = arith.constant 0 : index
    tpu.barrier barrier_id(%barrier3A)
    %scan3A = arith.constant 0 : i32
    %scan3A_17 = arith.constant 0 : i32
    %scan3A_18 = arith.constant 20 : i32
    %scan3A_19 = arith.addi %scan3A_17, %scan3A_18 : i32
    %scan3A_20 = arith.constant 1 : i32
    scf.for %scan3A_47 = %scan3A_17 to %scan3A_19 step %scan3A_20  : i32 {
      %mul3A_48 = arith.constant 2 : i32
      %mul3A_49 = arith.muli %scan3A_47, %mul3A_48 : i32
      %add3A_50 = arith.constant 1 : i32
      %add3A_51 = arith.addi %mul3A_49, %add3A_50 : i32
      %dma_start3A_52 = arith.constant 0 : i32
      %dma_start3A_53 = tpu.memref_slice %arg8[%add3A_51, %dma_start3A_52] : memref<40x128xi32, #tpu.memory_space<vmem>> -> memref<1x128xi32, #tpu.memory_space<vmem>>
      %dma_start3A_54 = tpu.memref_squeeze %dma_start3A_53 : memref<1x128xi32, #tpu.memory_space<vmem>> -> memref<128xi32, #tpu.memory_space<vmem>>
      %dma_start3A_55 = arith.constant 0 : i32
      %dma_start3A_56 = arith.constant 0 : i32
      %dma_start3A_57 = tpu.memref_slice %arg4[%dma_start3A_55, %dma_start3A_56] : memref<10240x128xf32, #tpu.memory_space<hbm>> -> memref<10240x128xf32, #tpu.memory_space<hbm>>
      tpu.enqueue_indirect_dma source(%dma_start3A_57 : memref<10240x128xf32, #tpu.memory_space<hbm>>) target(%arg11 : memref<128x128xf32, #tpu.memory_space<vmem>>) offsets(%dma_start3A_54 : memref<128xi32, #tpu.memory_space<vmem>>) semaphore(%arg14 : memref<!tpu.dma_semaphore, #tpu.memory_space<semaphore_mem>>)
      %dma_wait3A = arith.constant 0 : i32
      %dma_wait3A_58 = tpu.memref_slice %arg8[%mul3A_49, %dma_wait3A] : memref<40x128xi32, #tpu.memory_space<vmem>> -> memref<1x128xi32, #tpu.memory_space<vmem>>
      %dma_wait3A_59 = tpu.memref_squeeze %dma_wait3A_58 : memref<1x128xi32, #tpu.memory_space<vmem>> -> memref<128xi32, #tpu.memory_space<vmem>>
      %dma_wait3A_60 = arith.constant 0 : i32
      %dma_wait3A_61 = arith.constant 0 : i32
      %dma_wait3A_62 = tpu.memref_slice %arg4[%dma_wait3A_60, %dma_wait3A_61] : memref<10240x128xf32, #tpu.memory_space<hbm>> -> memref<10240x128xf32, #tpu.memory_space<hbm>>
      tpu.wait_indirect_dma semaphore(%arg13 : memref<!tpu.dma_semaphore, #tpu.memory_space<semaphore_mem>>) src(%dma_wait3A_62 : memref<10240x128xf32, #tpu.memory_space<hbm>>) dst(%arg10 : memref<128x128xf32, #tpu.memory_space<vmem>>)
      "tpu.region"() ({
        %run_scoped3A = tpu.sem_alloc : memref<!tpu.dma_semaphore, #tpu.memory_space<semaphore_mem>>
        %dma_start3A_79 = arith.constant 0 : i32
        %dma_start3A_80 = tpu.memref_slice %arg9[%mul3A_49, %dma_start3A_79] : memref<40x128xi32, #tpu.memory_space<vmem>> -> memref<1x128xi32, #tpu.memory_space<vmem>>
        %dma_start3A_81 = tpu.memref_squeeze %dma_start3A_80 : memref<1x128xi32, #tpu.memory_space<vmem>> -> memref<128xi32, #tpu.memory_space<vmem>>
        %dma_start3A_82 = arith.constant 0 : i32
        %dma_start3A_83 = arith.constant 0 : i32
        %dma_start3A_84 = tpu.memref_slice %arg12[%dma_start3A_82, %dma_start3A_83] : memref<10240x128xf32, #tpu.memory_space<vmem_shared>> -> memref<10240x128xf32, #tpu.memory_space<vmem_shared>>
        tpu.enqueue_indirect_dma source(%arg10 : memref<128x128xf32, #tpu.memory_space<vmem>>) target(%dma_start3A_84 : memref<10240x128xf32, #tpu.memory_space<vmem_shared>>) offsets(%dma_start3A_81 : memref<128xi32, #tpu.memory_space<vmem>>) semaphore(%run_scoped3A : memref<!tpu.dma_semaphore, #tpu.memory_space<semaphore_mem>>) {add = true}
        %dma_wait3A_85 = arith.constant 0 : i32
        %dma_wait3A_86 = tpu.memref_slice %arg9[%mul3A_49, %dma_wait3A_85] : memref<40x128xi32, #tpu.memory_space<vmem>> -> memref<1x128xi32, #tpu.memory_space<vmem>>
        %dma_wait3A_87 = tpu.memref_squeeze %dma_wait3A_86 : memref<1x128xi32, #tpu.memory_space<vmem>> -> memref<128xi32, #tpu.memory_space<vmem>>
        %dma_wait3A_88 = arith.constant 0 : i32
        %dma_wait3A_89 = arith.constant 0 : i32
        %dma_wait3A_90 = tpu.memref_slice %arg12[%dma_wait3A_88, %dma_wait3A_89] : memref<10240x128xf32, #tpu.memory_space<vmem_shared>> -> memref<10240x128xf32, #tpu.memory_space<vmem_shared>>
        tpu.wait_indirect_dma semaphore(%run_scoped3A : memref<!tpu.dma_semaphore, #tpu.memory_space<semaphore_mem>>) src(%arg10 : memref<128x128xf32, #tpu.memory_space<vmem>>) dst(%dma_wait3A_90 : memref<10240x128xf32, #tpu.memory_space<vmem_shared>>)
        tpu.yield
      }) : () -> ()
      %add3A_63 = arith.constant 2 : i32
      %add3A_64 = arith.addi %mul3A_49, %add3A_63 : i32
      %lt3A = arith.constant 40 : i32
      %lt3A_65 = arith.cmpi slt, %add3A_64, %lt3A : i32
      %convert_element_type3A_66 = arith.extui %lt3A_65 : i1 to i32
      %cond3A_67 = arith.constant 0 : i32
      %cond3A_68 = arith.cmpi ne, %convert_element_type3A_66, %cond3A_67 : i32
      scf.if %cond3A_68 {
        %add3A_79 = arith.constant 2 : i32
        %add3A_80 = arith.addi %mul3A_49, %add3A_79 : i32
        %dma_start3A_81 = arith.constant 0 : i32
        %dma_start3A_82 = tpu.memref_slice %arg8[%add3A_80, %dma_start3A_81] : memref<40x128xi32, #tpu.memory_space<vmem>> -> memref<1x128xi32, #tpu.memory_space<vmem>>
        %dma_start3A_83 = tpu.memref_squeeze %dma_start3A_82 : memref<1x128xi32, #tpu.memory_space<vmem>> -> memref<128xi32, #tpu.memory_space<vmem>>
        %dma_start3A_84 = arith.constant 0 : i32
        %dma_start3A_85 = arith.constant 0 : i32
        %dma_start3A_86 = tpu.memref_slice %arg4[%dma_start3A_84, %dma_start3A_85] : memref<10240x128xf32, #tpu.memory_space<hbm>> -> memref<10240x128xf32, #tpu.memory_space<hbm>>
        tpu.enqueue_indirect_dma source(%dma_start3A_86 : memref<10240x128xf32, #tpu.memory_space<hbm>>) target(%arg10 : memref<128x128xf32, #tpu.memory_space<vmem>>) offsets(%dma_start3A_83 : memref<128xi32, #tpu.memory_space<vmem>>) semaphore(%arg13 : memref<!tpu.dma_semaphore, #tpu.memory_space<semaphore_mem>>)
      } else {
      }
      %add3A_69 = arith.constant 1 : i32
      %add3A_70 = arith.addi %mul3A_49, %add3A_69 : i32
      %dma_wait3A_71 = arith.constant 0 : i32
      %dma_wait3A_72 = tpu.memref_slice %arg8[%add3A_70, %dma_wait3A_71] : memref<40x128xi32, #tpu.memory_space<vmem>> -> memref<1x128xi32, #tpu.memory_space<vmem>>
      %dma_wait3A_73 = tpu.memref_squeeze %dma_wait3A_72 : memref<1x128xi32, #tpu.memory_space<vmem>> -> memref<128xi32, #tpu.memory_space<vmem>>
      %dma_wait3A_74 = arith.constant 0 : i32
      %dma_wait3A_75 = arith.constant 0 : i32
      %dma_wait3A_76 = tpu.memref_slice %arg4[%dma_wait3A_74, %dma_wait3A_75] : memref<10240x128xf32, #tpu.memory_space<hbm>> -> memref<10240x128xf32, #tpu.memory_space<hbm>>
      tpu.wait_indirect_dma semaphore(%arg14 : memref<!tpu.dma_semaphore, #tpu.memory_space<semaphore_mem>>) src(%dma_wait3A_76 : memref<10240x128xf32, #tpu.memory_space<hbm>>) dst(%arg11 : memref<128x128xf32, #tpu.memory_space<vmem>>)
      %add3A_77 = arith.constant 1 : i32
      %add3A_78 = arith.addi %mul3A_49, %add3A_77 : i32
      "tpu.region"() ({
        %run_scoped3A = tpu.sem_alloc : memref<!tpu.dma_semaphore, #tpu.memory_space<semaphore_mem>>
        %dma_start3A_79 = arith.constant 0 : i32
        %dma_start3A_80 = tpu.memref_slice %arg9[%add3A_78, %dma_start3A_79] : memref<40x128xi32, #tpu.memory_space<vmem>> -> memref<1x128xi32, #tpu.memory_space<vmem>>
        %dma_start3A_81 = tpu.memref_squeeze %dma_start3A_80 : memref<1x128xi32, #tpu.memory_space<vmem>> -> memref<128xi32, #tpu.memory_space<vmem>>
        %dma_start3A_82 = arith.constant 0 : i32
        %dma_start3A_83 = arith.constant 0 : i32
        %dma_start3A_84 = tpu.memref_slice %arg12[%dma_start3A_82, %dma_start3A_83] : memref<10240x128xf32, #tpu.memory_space<vmem_shared>> -> memref<10240x128xf32, #tpu.memory_space<vmem_shared>>
        tpu.enqueue_indirect_dma source(%arg11 : memref<128x128xf32, #tpu.memory_space<vmem>>) target(%dma_start3A_84 : memref<10240x128xf32, #tpu.memory_space<vmem_shared>>) offsets(%dma_start3A_81 : memref<128xi32, #tpu.memory_space<vmem>>) semaphore(%run_scoped3A : memref<!tpu.dma_semaphore, #tpu.memory_space<semaphore_mem>>) {add = true}
        %dma_wait3A_85 = arith.constant 0 : i32
        %dma_wait3A_86 = tpu.memref_slice %arg9[%add3A_78, %dma_wait3A_85] : memref<40x128xi32, #tpu.memory_space<vmem>> -> memref<1x128xi32, #tpu.memory_space<vmem>>
        %dma_wait3A_87 = tpu.memref_squeeze %dma_wait3A_86 : memref<1x128xi32, #tpu.memory_space<vmem>> -> memref<128xi32, #tpu.memory_space<vmem>>
        %dma_wait3A_88 = arith.constant 0 : i32
        %dma_wait3A_89 = arith.constant 0 : i32
        %dma_wait3A_90 = tpu.memref_slice %arg12[%dma_wait3A_88, %dma_wait3A_89] : memref<10240x128xf32, #tpu.memory_space<vmem_shared>> -> memref<10240x128xf32, #tpu.memory_space<vmem_shared>>
        tpu.wait_indirect_dma semaphore(%run_scoped3A : memref<!tpu.dma_semaphore, #tpu.memory_space<semaphore_mem>>) src(%arg11 : memref<128x128xf32, #tpu.memory_space<vmem>>) dst(%dma_wait3A_90 : memref<10240x128xf32, #tpu.memory_space<vmem_shared>>)
        tpu.yield
      }) : () -> ()
    }
    %scan3A_21 = arith.constant 20 : i32
    %add3A_22 = arith.constant 40 : i32
    %add3A_23 = arith.addi %mul3A_2, %add3A_22 : i32
    "tpu.region"() ({
      %run_scoped3A = tpu.sem_alloc : memref<!tpu.dma_semaphore, #tpu.memory_space<semaphore_mem>>
      %dma_start3A_47 = arith.constant 0 : i32
      %dma_start3A_48 = tpu.memref_slice %arg2[%add3A_23, %dma_start3A_47] : memref<2560x128xi32, #tpu.memory_space<hbm>> -> memref<40x128xi32, #tpu.memory_space<hbm>>
      %dma_start3A_49 = arith.constant 0 : i32
      %dma_start3A_50 = tpu.memref_slice %arg2[%add3A_23, %dma_start3A_49] : memref<2560x128xi32, #tpu.memory_space<hbm>> -> memref<40x128xi32, #tpu.memory_space<hbm>>
      tpu.enqueue_dma source(%dma_start3A_50 : memref<40x128xi32, #tpu.memory_space<hbm>>) target(%arg8 : memref<40x128xi32, #tpu.memory_space<vmem>>) target_semaphore(%run_scoped3A : memref<!tpu.dma_semaphore, #tpu.memory_space<semaphore_mem>>)
      %dma_wait3A = arith.constant 0 : i32
      %dma_wait3A_51 = tpu.memref_slice %arg2[%add3A_23, %dma_wait3A] : memref<2560x128xi32, #tpu.memory_space<hbm>> -> memref<40x128xi32, #tpu.memory_space<hbm>>
      %dma_wait3A_52 = arith.constant 0 : i32
      %dma_wait3A_53 = tpu.memref_slice %arg2[%add3A_23, %dma_wait3A_52] : memref<2560x128xi32, #tpu.memory_space<hbm>> -> memref<40x128xi32, #tpu.memory_space<hbm>>
      tpu.wait_dma2 semaphore(%run_scoped3A : memref<!tpu.dma_semaphore, #tpu.memory_space<semaphore_mem>>) src(%dma_wait3A_53 : memref<40x128xi32, #tpu.memory_space<hbm>>) dst(%arg8 : memref<40x128xi32, #tpu.memory_space<vmem>>)
      tpu.yield
    }) : () -> ()
    %add3A_24 = arith.constant 40 : i32
    %add3A_25 = arith.addi %mul3A_2, %add3A_24 : i32
    "tpu.region"() ({
      %run_scoped3A = tpu.sem_alloc : memref<!tpu.dma_semaphore, #tpu.memory_space<semaphore_mem>>
      %dma_start3A_47 = arith.constant 0 : i32
      %dma_start3A_48 = tpu.memref_slice %arg3[%add3A_25, %dma_start3A_47] : memref<2560x128xi32, #tpu.memory_space<hbm>> -> memref<40x128xi32, #tpu.memory_space<hbm>>
      %dma_start3A_49 = arith.constant 0 : i32
      %dma_start3A_50 = tpu.memref_slice %arg3[%add3A_25, %dma_start3A_49] : memref<2560x128xi32, #tpu.memory_space<hbm>> -> memref<40x128xi32, #tpu.memory_space<hbm>>
      tpu.enqueue_dma source(%dma_start3A_50 : memref<40x128xi32, #tpu.memory_space<hbm>>) target(%arg9 : memref<40x128xi32, #tpu.memory_space<vmem>>) target_semaphore(%run_scoped3A : memref<!tpu.dma_semaphore, #tpu.memory_space<semaphore_mem>>)
      %dma_wait3A = arith.constant 0 : i32
      %dma_wait3A_51 = tpu.memref_slice %arg3[%add3A_25, %dma_wait3A] : memref<2560x128xi32, #tpu.memory_space<hbm>> -> memref<40x128xi32, #tpu.memory_space<hbm>>
      %dma_wait3A_52 = arith.constant 0 : i32
      %dma_wait3A_53 = tpu.memref_slice %arg3[%add3A_25, %dma_wait3A_52] : memref<2560x128xi32, #tpu.memory_space<hbm>> -> memref<40x128xi32, #tpu.memory_space<hbm>>
      tpu.wait_dma2 semaphore(%run_scoped3A : memref<!tpu.dma_semaphore, #tpu.memory_space<semaphore_mem>>) src(%dma_wait3A_53 : memref<40x128xi32, #tpu.memory_space<hbm>>) dst(%arg9 : memref<40x128xi32, #tpu.memory_space<vmem>>)
      tpu.yield
    }) : () -> ()
    %dma_start3A_26 = arith.constant 0 : i32
    %dma_start3A_27 = arith.constant 0 : i32
    %dma_start3A_28 = tpu.memref_slice %arg8[%dma_start3A_26, %dma_start3A_27] : memref<40x128xi32, #tpu.memory_space<vmem>> -> memref<1x128xi32, #tpu.memory_space<vmem>>
    %dma_start3A_29 = tpu.memref_squeeze %dma_start3A_28 : memref<1x128xi32, #tpu.memory_space<vmem>> -> memref<128xi32, #tpu.memory_space<vmem>>
    %dma_start3A_30 = arith.constant 0 : i32
    %dma_start3A_31 = arith.constant 0 : i32
    %dma_start3A_32 = tpu.memref_slice %arg4[%dma_start3A_30, %dma_start3A_31] : memref<10240x128xf32, #tpu.memory_space<hbm>> -> memref<10240x128xf32, #tpu.memory_space<hbm>>
    tpu.enqueue_indirect_dma source(%dma_start3A_32 : memref<10240x128xf32, #tpu.memory_space<hbm>>) target(%arg10 : memref<128x128xf32, #tpu.memory_space<vmem>>) offsets(%dma_start3A_29 : memref<128xi32, #tpu.memory_space<vmem>>) semaphore(%arg13 : memref<!tpu.dma_semaphore, #tpu.memory_space<semaphore_mem>>)
    %scan3A_33 = arith.constant 0 : i32
    %scan3A_34 = arith.constant 0 : i32
    %scan3A_35 = arith.constant 20 : i32
    %scan3A_36 = arith.addi %scan3A_34, %scan3A_35 : i32
    %scan3A_37 = arith.constant 1 : i32
    scf.for %scan3A_47 = %scan3A_34 to %scan3A_36 step %scan3A_37  : i32 {
      %mul3A_48 = arith.constant 2 : i32
      %mul3A_49 = arith.muli %scan3A_47, %mul3A_48 : i32
      %add3A_50 = arith.constant 1 : i32
      %add3A_51 = arith.addi %mul3A_49, %add3A_50 : i32
      %dma_start3A_52 = arith.constant 0 : i32
      %dma_start3A_53 = tpu.memref_slice %arg8[%add3A_51, %dma_start3A_52] : memref<40x128xi32, #tpu.memory_space<vmem>> -> memref<1x128xi32, #tpu.memory_space<vmem>>
      %dma_start3A_54 = tpu.memref_squeeze %dma_start3A_53 : memref<1x128xi32, #tpu.memory_space<vmem>> -> memref<128xi32, #tpu.memory_space<vmem>>
      %dma_start3A_55 = arith.constant 0 : i32
      %dma_start3A_56 = arith.constant 0 : i32
      %dma_start3A_57 = tpu.memref_slice %arg4[%dma_start3A_55, %dma_start3A_56] : memref<10240x128xf32, #tpu.memory_space<hbm>> -> memref<10240x128xf32, #tpu.memory_space<hbm>>
      tpu.enqueue_indirect_dma source(%dma_start3A_57 : memref<10240x128xf32, #tpu.memory_space<hbm>>) target(%arg11 : memref<128x128xf32, #tpu.memory_space<vmem>>) offsets(%dma_start3A_54 : memref<128xi32, #tpu.memory_space<vmem>>) semaphore(%arg14 : memref<!tpu.dma_semaphore, #tpu.memory_space<semaphore_mem>>)
      %dma_wait3A = arith.constant 0 : i32
      %dma_wait3A_58 = tpu.memref_slice %arg8[%mul3A_49, %dma_wait3A] : memref<40x128xi32, #tpu.memory_space<vmem>> -> memref<1x128xi32, #tpu.memory_space<vmem>>
      %dma_wait3A_59 = tpu.memref_squeeze %dma_wait3A_58 : memref<1x128xi32, #tpu.memory_space<vmem>> -> memref<128xi32, #tpu.memory_space<vmem>>
      %dma_wait3A_60 = arith.constant 0 : i32
      %dma_wait3A_61 = arith.constant 0 : i32
      %dma_wait3A_62 = tpu.memref_slice %arg4[%dma_wait3A_60, %dma_wait3A_61] : memref<10240x128xf32, #tpu.memory_space<hbm>> -> memref<10240x128xf32, #tpu.memory_space<hbm>>
      tpu.wait_indirect_dma semaphore(%arg13 : memref<!tpu.dma_semaphore, #tpu.memory_space<semaphore_mem>>) src(%dma_wait3A_62 : memref<10240x128xf32, #tpu.memory_space<hbm>>) dst(%arg10 : memref<128x128xf32, #tpu.memory_space<vmem>>)
      "tpu.region"() ({
        %run_scoped3A = tpu.sem_alloc : memref<!tpu.dma_semaphore, #tpu.memory_space<semaphore_mem>>
        %dma_start3A_79 = arith.constant 0 : i32
        %dma_start3A_80 = tpu.memref_slice %arg9[%mul3A_49, %dma_start3A_79] : memref<40x128xi32, #tpu.memory_space<vmem>> -> memref<1x128xi32, #tpu.memory_space<vmem>>
        %dma_start3A_81 = tpu.memref_squeeze %dma_start3A_80 : memref<1x128xi32, #tpu.memory_space<vmem>> -> memref<128xi32, #tpu.memory_space<vmem>>
        %dma_start3A_82 = arith.constant 0 : i32
        %dma_start3A_83 = arith.constant 0 : i32
        %dma_start3A_84 = tpu.memref_slice %arg12[%dma_start3A_82, %dma_start3A_83] : memref<10240x128xf32, #tpu.memory_space<vmem_shared>> -> memref<10240x128xf32, #tpu.memory_space<vmem_shared>>
        tpu.enqueue_indirect_dma source(%arg10 : memref<128x128xf32, #tpu.memory_space<vmem>>) target(%dma_start3A_84 : memref<10240x128xf32, #tpu.memory_space<vmem_shared>>) offsets(%dma_start3A_81 : memref<128xi32, #tpu.memory_space<vmem>>) semaphore(%run_scoped3A : memref<!tpu.dma_semaphore, #tpu.memory_space<semaphore_mem>>) {add = true}
        %dma_wait3A_85 = arith.constant 0 : i32
        %dma_wait3A_86 = tpu.memref_slice %arg9[%mul3A_49, %dma_wait3A_85] : memref<40x128xi32, #tpu.memory_space<vmem>> -> memref<1x128xi32, #tpu.memory_space<vmem>>
        %dma_wait3A_87 = tpu.memref_squeeze %dma_wait3A_86 : memref<1x128xi32, #tpu.memory_space<vmem>> -> memref<128xi32, #tpu.memory_space<vmem>>
        %dma_wait3A_88 = arith.constant 0 : i32
        %dma_wait3A_89 = arith.constant 0 : i32
        %dma_wait3A_90 = tpu.memref_slice %arg12[%dma_wait3A_88, %dma_wait3A_89] : memref<10240x128xf32, #tpu.memory_space<vmem_shared>> -> memref<10240x128xf32, #tpu.memory_space<vmem_shared>>
        tpu.wait_indirect_dma semaphore(%run_scoped3A : memref<!tpu.dma_semaphore, #tpu.memory_space<semaphore_mem>>) src(%arg10 : memref<128x128xf32, #tpu.memory_space<vmem>>) dst(%dma_wait3A_90 : memref<10240x128xf32, #tpu.memory_space<vmem_shared>>)
        tpu.yield
      }) : () -> ()
      %add3A_63 = arith.constant 2 : i32
      %add3A_64 = arith.addi %mul3A_49, %add3A_63 : i32
      %lt3A = arith.constant 40 : i32
      %lt3A_65 = arith.cmpi slt, %add3A_64, %lt3A : i32
      %convert_element_type3A_66 = arith.extui %lt3A_65 : i1 to i32
      %cond3A_67 = arith.constant 0 : i32
      %cond3A_68 = arith.cmpi ne, %convert_element_type3A_66, %cond3A_67 : i32
      scf.if %cond3A_68 {
        %add3A_79 = arith.constant 2 : i32
        %add3A_80 = arith.addi %mul3A_49, %add3A_79 : i32
        %dma_start3A_81 = arith.constant 0 : i32
        %dma_start3A_82 = tpu.memref_slice %arg8[%add3A_80, %dma_start3A_81] : memref<40x128xi32, #tpu.memory_space<vmem>> -> memref<1x128xi32, #tpu.memory_space<vmem>>
        %dma_start3A_83 = tpu.memref_squeeze %dma_start3A_82 : memref<1x128xi32, #tpu.memory_space<vmem>> -> memref<128xi32, #tpu.memory_space<vmem>>
        %dma_start3A_84 = arith.constant 0 : i32
        %dma_start3A_85 = arith.constant 0 : i32
        %dma_start3A_86 = tpu.memref_slice %arg4[%dma_start3A_84, %dma_start3A_85] : memref<10240x128xf32, #tpu.memory_space<hbm>> -> memref<10240x128xf32, #tpu.memory_space<hbm>>
        tpu.enqueue_indirect_dma source(%dma_start3A_86 : memref<10240x128xf32, #tpu.memory_space<hbm>>) target(%arg10 : memref<128x128xf32, #tpu.memory_space<vmem>>) offsets(%dma_start3A_83 : memref<128xi32, #tpu.memory_space<vmem>>) semaphore(%arg13 : memref<!tpu.dma_semaphore, #tpu.memory_space<semaphore_mem>>)
      } else {
      }
      %add3A_69 = arith.constant 1 : i32
      %add3A_70 = arith.addi %mul3A_49, %add3A_69 : i32
      %dma_wait3A_71 = arith.constant 0 : i32
      %dma_wait3A_72 = tpu.memref_slice %arg8[%add3A_70, %dma_wait3A_71] : memref<40x128xi32, #tpu.memory_space<vmem>> -> memref<1x128xi32, #tpu.memory_space<vmem>>
      %dma_wait3A_73 = tpu.memref_squeeze %dma_wait3A_72 : memref<1x128xi32, #tpu.memory_space<vmem>> -> memref<128xi32, #tpu.memory_space<vmem>>
      %dma_wait3A_74 = arith.constant 0 : i32
      %dma_wait3A_75 = arith.constant 0 : i32
      %dma_wait3A_76 = tpu.memref_slice %arg4[%dma_wait3A_74, %dma_wait3A_75] : memref<10240x128xf32, #tpu.memory_space<hbm>> -> memref<10240x128xf32, #tpu.memory_space<hbm>>
      tpu.wait_indirect_dma semaphore(%arg14 : memref<!tpu.dma_semaphore, #tpu.memory_space<semaphore_mem>>) src(%dma_wait3A_76 : memref<10240x128xf32, #tpu.memory_space<hbm>>) dst(%arg11 : memref<128x128xf32, #tpu.memory_space<vmem>>)
      %add3A_77 = arith.constant 1 : i32
      %add3A_78 = arith.addi %mul3A_49, %add3A_77 : i32
      "tpu.region"() ({
        %run_scoped3A = tpu.sem_alloc : memref<!tpu.dma_semaphore, #tpu.memory_space<semaphore_mem>>
        %dma_start3A_79 = arith.constant 0 : i32
        %dma_start3A_80 = tpu.memref_slice %arg9[%add3A_78, %dma_start3A_79] : memref<40x128xi32, #tpu.memory_space<vmem>> -> memref<1x128xi32, #tpu.memory_space<vmem>>
        %dma_start3A_81 = tpu.memref_squeeze %dma_start3A_80 : memref<1x128xi32, #tpu.memory_space<vmem>> -> memref<128xi32, #tpu.memory_space<vmem>>
        %dma_start3A_82 = arith.constant 0 : i32
        %dma_start3A_83 = arith.constant 0 : i32
        %dma_start3A_84 = tpu.memref_slice %arg12[%dma_start3A_82, %dma_start3A_83] : memref<10240x128xf32, #tpu.memory_space<vmem_shared>> -> memref<10240x128xf32, #tpu.memory_space<vmem_shared>>
        tpu.enqueue_indirect_dma source(%arg11 : memref<128x128xf32, #tpu.memory_space<vmem>>) target(%dma_start3A_84 : memref<10240x128xf32, #tpu.memory_space<vmem_shared>>) offsets(%dma_start3A_81 : memref<128xi32, #tpu.memory_space<vmem>>) semaphore(%run_scoped3A : memref<!tpu.dma_semaphore, #tpu.memory_space<semaphore_mem>>) {add = true}
        %dma_wait3A_85 = arith.constant 0 : i32
        %dma_wait3A_86 = tpu.memref_slice %arg9[%add3A_78, %dma_wait3A_85] : memref<40x128xi32, #tpu.memory_space<vmem>> -> memref<1x128xi32, #tpu.memory_space<vmem>>
        %dma_wait3A_87 = tpu.memref_squeeze %dma_wait3A_86 : memref<1x128xi32, #tpu.memory_space<vmem>> -> memref<128xi32, #tpu.memory_space<vmem>>
        %dma_wait3A_88 = arith.constant 0 : i32
        %dma_wait3A_89 = arith.constant 0 : i32
        %dma_wait3A_90 = tpu.memref_slice %arg12[%dma_wait3A_88, %dma_wait3A_89] : memref<10240x128xf32, #tpu.memory_space<vmem_shared>> -> memref<10240x128xf32, #tpu.memory_space<vmem_shared>>
        tpu.wait_indirect_dma semaphore(%run_scoped3A : memref<!tpu.dma_semaphore, #tpu.memory_space<semaphore_mem>>) src(%arg11 : memref<128x128xf32, #tpu.memory_space<vmem>>) dst(%dma_wait3A_90 : memref<10240x128xf32, #tpu.memory_space<vmem_shared>>)
        tpu.yield
      }) : () -> ()
    }
    %scan3A_38 = arith.constant 20 : i32
    %barrier3A_39 = arith.constant 0 : index
    tpu.barrier barrier_id(%barrier3A_39)
    %eq3A = arith.constant 0 : i32
    %eq3A_40 = arith.cmpi eq, %arg0, %eq3A : i32
    %convert_element_type3A = arith.extui %eq3A_40 : i1 to i32
    %cond3A = arith.constant 0 : i32
    %cond3A_41 = arith.cmpi ne, %convert_element_type3A, %cond3A : i32
    scf.if %cond3A_41 {
      %mul3A_47 = arith.constant 640 : i32
      %mul3A_48 = arith.muli %arg1, %mul3A_47 : i32
      %mul3A_49 = arith.constant 640 : i32
      %mul3A_50 = arith.muli %arg1, %mul3A_49 : i32
      "tpu.region"() ({
        %run_scoped3A = tpu.sem_alloc : memref<!tpu.dma_semaphore, #tpu.memory_space<semaphore_mem>>
        %dma_start3A_51 = arith.constant 0 : i32
        %dma_start3A_52 = tpu.memref_slice %arg6[%mul3A_50, %dma_start3A_51] : memref<10240x128xf32, #tpu.memory_space<hbm>> -> memref<640x128xf32, #tpu.memory_space<hbm>>
        %dma_start3A_53 = arith.constant 0 : i32
        %dma_start3A_54 = tpu.memref_slice %arg12[%mul3A_48, %dma_start3A_53] : memref<10240x128xf32, #tpu.memory_space<vmem_shared>> -> memref<640x128xf32, #tpu.memory_space<vmem_shared>>
        tpu.enqueue_dma source(%dma_start3A_54 : memref<640x128xf32, #tpu.memory_space<vmem_shared>>) target(%dma_start3A_52 : memref<640x128xf32, #tpu.memory_space<hbm>>) target_semaphore(%run_scoped3A : memref<!tpu.dma_semaphore, #tpu.memory_space<semaphore_mem>>)
        %dma_wait3A = arith.constant 0 : i32
        %dma_wait3A_55 = tpu.memref_slice %arg6[%mul3A_50, %dma_wait3A] : memref<10240x128xf32, #tpu.memory_space<hbm>> -> memref<640x128xf32, #tpu.memory_space<hbm>>
        %dma_wait3A_56 = arith.constant 0 : i32
        %dma_wait3A_57 = tpu.memref_slice %arg12[%mul3A_48, %dma_wait3A_56] : memref<10240x128xf32, #tpu.memory_space<vmem_shared>> -> memref<640x128xf32, #tpu.memory_space<vmem_shared>>
        tpu.wait_dma2 semaphore(%run_scoped3A : memref<!tpu.dma_semaphore, #tpu.memory_space<semaphore_mem>>) src(%dma_wait3A_57 : memref<640x128xf32, #tpu.memory_space<vmem_shared>>) dst(%dma_wait3A_55 : memref<640x128xf32, #tpu.memory_space<hbm>>)
        tpu.yield
      }) : () -> ()
    } else {
    }
    %eq3A_42 = arith.constant 1 : i32
    %eq3A_43 = arith.cmpi eq, %arg0, %eq3A_42 : i32
    %convert_element_type3A_44 = arith.extui %eq3A_43 : i1 to i32
    %cond3A_45 = arith.constant 0 : i32
    %cond3A_46 = arith.cmpi ne, %convert_element_type3A_44, %cond3A_45 : i32
    scf.if %cond3A_46 {
      %mul3A_47 = arith.constant 640 : i32
      %mul3A_48 = arith.muli %arg1, %mul3A_47 : i32
      %mul3A_49 = arith.constant 640 : i32
      %mul3A_50 = arith.muli %arg1, %mul3A_49 : i32
      "tpu.region"() ({
        %run_scoped3A = tpu.sem_alloc : memref<!tpu.dma_semaphore, #tpu.memory_space<semaphore_mem>>
        %dma_start3A_51 = arith.constant 0 : i32
        %dma_start3A_52 = tpu.memref_slice %arg7[%mul3A_50, %dma_start3A_51] : memref<10240x128xf32, #tpu.memory_space<hbm>> -> memref<640x128xf32, #tpu.memory_space<hbm>>
        %dma_start3A_53 = arith.constant 0 : i32
        %dma_start3A_54 = tpu.memref_slice %arg12[%mul3A_48, %dma_start3A_53] : memref<10240x128xf32, #tpu.memory_space<vmem_shared>> -> memref<640x128xf32, #tpu.memory_space<vmem_shared>>
        tpu.enqueue_dma source(%dma_start3A_54 : memref<640x128xf32, #tpu.memory_space<vmem_shared>>) target(%dma_start3A_52 : memref<640x128xf32, #tpu.memory_space<hbm>>) target_semaphore(%run_scoped3A : memref<!tpu.dma_semaphore, #tpu.memory_space<semaphore_mem>>)
        %dma_wait3A = arith.constant 0 : i32
        %dma_wait3A_55 = tpu.memref_slice %arg7[%mul3A_50, %dma_wait3A] : memref<10240x128xf32, #tpu.memory_space<hbm>> -> memref<640x128xf32, #tpu.memory_space<hbm>>
        %dma_wait3A_56 = arith.constant 0 : i32
        %dma_wait3A_57 = tpu.memref_slice %arg12[%mul3A_48, %dma_wait3A_56] : memref<10240x128xf32, #tpu.memory_space<vmem_shared>> -> memref<640x128xf32, #tpu.memory_space<vmem_shared>>
        tpu.wait_dma2 semaphore(%run_scoped3A : memref<!tpu.dma_semaphore, #tpu.memory_space<semaphore_mem>>) src(%dma_wait3A_57 : memref<640x128xf32, #tpu.memory_space<vmem_shared>>) dst(%dma_wait3A_55 : memref<640x128xf32, #tpu.memory_space<hbm>>)
        tpu.yield
      }) : () -> ()
    } else {
    }
    return
  }
}

#map = affine_map<(d0, d1) -> (0, 0)>
module attributes {stable_mosaic.version = 14 : i64} {
  func.func @_agg_kernel(%arg0: i32, %arg1: i32, %arg2: memref<2560x128xi32, #tpu.memory_space<hbm>>, %arg3: memref<2560x128xi32, #tpu.memory_space<hbm>>, %arg4: memref<10240x128xf32, #tpu.memory_space<hbm>>, %arg5: memref<10240x128xf32, #tpu.memory_space<hbm>>, %arg6: memref<10240x128xf32, #tpu.memory_space<hbm>>, %arg7: memref<10240x128xf32, #tpu.memory_space<hbm>>, %arg8: memref<40x128xi32, #tpu.memory_space<vmem>>, %arg9: memref<40x128xi32, #tpu.memory_space<vmem>>, %arg10: memref<128x128xf32, #tpu.memory_space<vmem>>, %arg11: memref<128x128xf32, #tpu.memory_space<vmem>>, %arg12: memref<10240x128xf32, #tpu.memory_space<vmem_shared>>, %arg13: memref<!tpu.dma_semaphore, #tpu.memory_space<semaphore_mem>>, %arg14: memref<!tpu.dma_semaphore, #tpu.memory_space<semaphore_mem>>) attributes {dimension_semantics = [#tpu.dimension_semantics<core_parallel>, #tpu.dimension_semantics<subcore_parallel>], iteration_bounds = array<i64: 2, 16>, scalar_prefetch = 0 : i64, scratch_operands = 7 : i64, tpu.core_type = #tpu.core_type<sc_vector_subcore>, window_params = [{transform_indices = #map}, {transform_indices = #map}, {transform_indices = #map}, {transform_indices = #map}, {transform_indices = #map}, {transform_indices = #map}]} {
    %mul3A = arith.constant 16 : i32
    %mul3A_0 = arith.muli %arg0, %mul3A : i32
    %add3A = arith.addi %mul3A_0, %arg1 : i32
    %mul3A_1 = arith.constant 80 : i32
    %mul3A_2 = arith.muli %add3A, %mul3A_1 : i32
    %add3A_3 = arith.constant 0 : i32
    %add3A_4 = arith.addi %mul3A_2, %add3A_3 : i32
    "tpu.region"() ({
      %run_scoped3A = tpu.sem_alloc : memref<!tpu.dma_semaphore, #tpu.memory_space<semaphore_mem>>
      %dma_start3A_47 = arith.constant 0 : i32
      %dma_start3A_48 = tpu.memref_slice %arg2[%add3A_4, %dma_start3A_47] : memref<2560x128xi32, #tpu.memory_space<hbm>> -> memref<40x128xi32, #tpu.memory_space<hbm>>
      %dma_start3A_49 = arith.constant 0 : i32
      %dma_start3A_50 = tpu.memref_slice %arg2[%add3A_4, %dma_start3A_49] : memref<2560x128xi32, #tpu.memory_space<hbm>> -> memref<40x128xi32, #tpu.memory_space<hbm>>
      tpu.enqueue_dma source(%dma_start3A_50 : memref<40x128xi32, #tpu.memory_space<hbm>>) target(%arg8 : memref<40x128xi32, #tpu.memory_space<vmem>>) target_semaphore(%run_scoped3A : memref<!tpu.dma_semaphore, #tpu.memory_space<semaphore_mem>>)
      %dma_wait3A = arith.constant 0 : i32
      %dma_wait3A_51 = tpu.memref_slice %arg2[%add3A_4, %dma_wait3A] : memref<2560x128xi32, #tpu.memory_space<hbm>> -> memref<40x128xi32, #tpu.memory_space<hbm>>
      %dma_wait3A_52 = arith.constant 0 : i32
      %dma_wait3A_53 = tpu.memref_slice %arg2[%add3A_4, %dma_wait3A_52] : memref<2560x128xi32, #tpu.memory_space<hbm>> -> memref<40x128xi32, #tpu.memory_space<hbm>>
      tpu.wait_dma2 semaphore(%run_scoped3A : memref<!tpu.dma_semaphore, #tpu.memory_space<semaphore_mem>>) src(%dma_wait3A_53 : memref<40x128xi32, #tpu.memory_space<hbm>>) dst(%arg8 : memref<40x128xi32, #tpu.memory_space<vmem>>)
      tpu.yield
    }) : () -> ()
    %add3A_5 = arith.constant 0 : i32
    %add3A_6 = arith.addi %mul3A_2, %add3A_5 : i32
    "tpu.region"() ({
      %run_scoped3A = tpu.sem_alloc : memref<!tpu.dma_semaphore, #tpu.memory_space<semaphore_mem>>
      %dma_start3A_47 = arith.constant 0 : i32
      %dma_start3A_48 = tpu.memref_slice %arg3[%add3A_6, %dma_start3A_47] : memref<2560x128xi32, #tpu.memory_space<hbm>> -> memref<40x128xi32, #tpu.memory_space<hbm>>
      %dma_start3A_49 = arith.constant 0 : i32
      %dma_start3A_50 = tpu.memref_slice %arg3[%add3A_6, %dma_start3A_49] : memref<2560x128xi32, #tpu.memory_space<hbm>> -> memref<40x128xi32, #tpu.memory_space<hbm>>
      tpu.enqueue_dma source(%dma_start3A_50 : memref<40x128xi32, #tpu.memory_space<hbm>>) target(%arg9 : memref<40x128xi32, #tpu.memory_space<vmem>>) target_semaphore(%run_scoped3A : memref<!tpu.dma_semaphore, #tpu.memory_space<semaphore_mem>>)
      %dma_wait3A = arith.constant 0 : i32
      %dma_wait3A_51 = tpu.memref_slice %arg3[%add3A_6, %dma_wait3A] : memref<2560x128xi32, #tpu.memory_space<hbm>> -> memref<40x128xi32, #tpu.memory_space<hbm>>
      %dma_wait3A_52 = arith.constant 0 : i32
      %dma_wait3A_53 = tpu.memref_slice %arg3[%add3A_6, %dma_wait3A_52] : memref<2560x128xi32, #tpu.memory_space<hbm>> -> memref<40x128xi32, #tpu.memory_space<hbm>>
      tpu.wait_dma2 semaphore(%run_scoped3A : memref<!tpu.dma_semaphore, #tpu.memory_space<semaphore_mem>>) src(%dma_wait3A_53 : memref<40x128xi32, #tpu.memory_space<hbm>>) dst(%arg9 : memref<40x128xi32, #tpu.memory_space<vmem>>)
      tpu.yield
    }) : () -> ()
    %dma_start3A = arith.constant 0 : i32
    %dma_start3A_7 = arith.constant 0 : i32
    %dma_start3A_8 = tpu.memref_slice %arg8[%dma_start3A, %dma_start3A_7] : memref<40x128xi32, #tpu.memory_space<vmem>> -> memref<1x128xi32, #tpu.memory_space<vmem>>
    %dma_start3A_9 = tpu.memref_squeeze %dma_start3A_8 : memref<1x128xi32, #tpu.memory_space<vmem>> -> memref<128xi32, #tpu.memory_space<vmem>>
    %dma_start3A_10 = arith.constant 0 : i32
    %dma_start3A_11 = arith.constant 0 : i32
    %dma_start3A_12 = tpu.memref_slice %arg4[%dma_start3A_10, %dma_start3A_11] : memref<10240x128xf32, #tpu.memory_space<hbm>> -> memref<10240x128xf32, #tpu.memory_space<hbm>>
    tpu.enqueue_indirect_dma source(%dma_start3A_12 : memref<10240x128xf32, #tpu.memory_space<hbm>>) target(%arg10 : memref<128x128xf32, #tpu.memory_space<vmem>>) offsets(%dma_start3A_9 : memref<128xi32, #tpu.memory_space<vmem>>) semaphore(%arg13 : memref<!tpu.dma_semaphore, #tpu.memory_space<semaphore_mem>>)
    %mul3A_13 = arith.constant 640 : i32
    %mul3A_14 = arith.muli %arg1, %mul3A_13 : i32
    %mul3A_15 = arith.constant 640 : i32
    %mul3A_16 = arith.muli %arg1, %mul3A_15 : i32
    "tpu.region"() ({
      %run_scoped3A = tpu.sem_alloc : memref<!tpu.dma_semaphore, #tpu.memory_space<semaphore_mem>>
      %dma_start3A_47 = arith.constant 0 : i32
      %dma_start3A_48 = tpu.memref_slice %arg12[%mul3A_16, %dma_start3A_47] : memref<10240x128xf32, #tpu.memory_space<vmem_shared>> -> memref<640x128xf32, #tpu.memory_space<vmem_shared>>
      %dma_start3A_49 = arith.constant 0 : i32
      %dma_start3A_50 = tpu.memref_slice %arg5[%mul3A_14, %dma_start3A_49] : memref<10240x128xf32, #tpu.memory_space<hbm>> -> memref<640x128xf32, #tpu.memory_space<hbm>>
      tpu.enqueue_dma source(%dma_start3A_50 : memref<640x128xf32, #tpu.memory_space<hbm>>) target(%dma_start3A_48 : memref<640x128xf32, #tpu.memory_space<vmem_shared>>) target_semaphore(%run_scoped3A : memref<!tpu.dma_semaphore, #tpu.memory_space<semaphore_mem>>)
      %dma_wait3A = arith.constant 0 : i32
      %dma_wait3A_51 = tpu.memref_slice %arg12[%mul3A_16, %dma_wait3A] : memref<10240x128xf32, #tpu.memory_space<vmem_shared>> -> memref<640x128xf32, #tpu.memory_space<vmem_shared>>
      %dma_wait3A_52 = arith.constant 0 : i32
      %dma_wait3A_53 = tpu.memref_slice %arg5[%mul3A_14, %dma_wait3A_52] : memref<10240x128xf32, #tpu.memory_space<hbm>> -> memref<640x128xf32, #tpu.memory_space<hbm>>
      tpu.wait_dma2 semaphore(%run_scoped3A : memref<!tpu.dma_semaphore, #tpu.memory_space<semaphore_mem>>) src(%dma_wait3A_53 : memref<640x128xf32, #tpu.memory_space<hbm>>) dst(%dma_wait3A_51 : memref<640x128xf32, #tpu.memory_space<vmem_shared>>)
      tpu.yield
    }) : () -> ()
    %barrier3A = arith.constant 0 : index
    tpu.barrier barrier_id(%barrier3A)
    %scan3A = arith.constant 0 : i32
    %scan3A_17 = arith.constant 0 : i32
    %scan3A_18 = arith.constant 20 : i32
    %scan3A_19 = arith.addi %scan3A_17, %scan3A_18 : i32
    %scan3A_20 = arith.constant 1 : i32
    scf.for %scan3A_47 = %scan3A_17 to %scan3A_19 step %scan3A_20  : i32 {
      %mul3A_48 = arith.constant 2 : i32
      %mul3A_49 = arith.muli %scan3A_47, %mul3A_48 : i32
      %add3A_50 = arith.constant 1 : i32
      %add3A_51 = arith.addi %mul3A_49, %add3A_50 : i32
      %dma_start3A_52 = arith.constant 0 : i32
      %dma_start3A_53 = tpu.memref_slice %arg8[%add3A_51, %dma_start3A_52] : memref<40x128xi32, #tpu.memory_space<vmem>> -> memref<1x128xi32, #tpu.memory_space<vmem>>
      %dma_start3A_54 = tpu.memref_squeeze %dma_start3A_53 : memref<1x128xi32, #tpu.memory_space<vmem>> -> memref<128xi32, #tpu.memory_space<vmem>>
      %dma_start3A_55 = arith.constant 0 : i32
      %dma_start3A_56 = arith.constant 0 : i32
      %dma_start3A_57 = tpu.memref_slice %arg4[%dma_start3A_55, %dma_start3A_56] : memref<10240x128xf32, #tpu.memory_space<hbm>> -> memref<10240x128xf32, #tpu.memory_space<hbm>>
      tpu.enqueue_indirect_dma source(%dma_start3A_57 : memref<10240x128xf32, #tpu.memory_space<hbm>>) target(%arg11 : memref<128x128xf32, #tpu.memory_space<vmem>>) offsets(%dma_start3A_54 : memref<128xi32, #tpu.memory_space<vmem>>) semaphore(%arg14 : memref<!tpu.dma_semaphore, #tpu.memory_space<semaphore_mem>>)
      %dma_wait3A = arith.constant 0 : i32
      %dma_wait3A_58 = tpu.memref_slice %arg8[%mul3A_49, %dma_wait3A] : memref<40x128xi32, #tpu.memory_space<vmem>> -> memref<1x128xi32, #tpu.memory_space<vmem>>
      %dma_wait3A_59 = tpu.memref_squeeze %dma_wait3A_58 : memref<1x128xi32, #tpu.memory_space<vmem>> -> memref<128xi32, #tpu.memory_space<vmem>>
      %dma_wait3A_60 = arith.constant 0 : i32
      %dma_wait3A_61 = arith.constant 0 : i32
      %dma_wait3A_62 = tpu.memref_slice %arg4[%dma_wait3A_60, %dma_wait3A_61] : memref<10240x128xf32, #tpu.memory_space<hbm>> -> memref<10240x128xf32, #tpu.memory_space<hbm>>
      tpu.wait_indirect_dma semaphore(%arg13 : memref<!tpu.dma_semaphore, #tpu.memory_space<semaphore_mem>>) src(%dma_wait3A_62 : memref<10240x128xf32, #tpu.memory_space<hbm>>) dst(%arg10 : memref<128x128xf32, #tpu.memory_space<vmem>>)
      "tpu.region"() ({
        %run_scoped3A = tpu.sem_alloc : memref<!tpu.dma_semaphore, #tpu.memory_space<semaphore_mem>>
        %dma_start3A_79 = arith.constant 0 : i32
        %dma_start3A_80 = tpu.memref_slice %arg9[%mul3A_49, %dma_start3A_79] : memref<40x128xi32, #tpu.memory_space<vmem>> -> memref<1x128xi32, #tpu.memory_space<vmem>>
        %dma_start3A_81 = tpu.memref_squeeze %dma_start3A_80 : memref<1x128xi32, #tpu.memory_space<vmem>> -> memref<128xi32, #tpu.memory_space<vmem>>
        %dma_start3A_82 = arith.constant 0 : i32
        %dma_start3A_83 = arith.constant 0 : i32
        %dma_start3A_84 = tpu.memref_slice %arg12[%dma_start3A_82, %dma_start3A_83] : memref<10240x128xf32, #tpu.memory_space<vmem_shared>> -> memref<10240x128xf32, #tpu.memory_space<vmem_shared>>
        tpu.enqueue_indirect_dma source(%arg10 : memref<128x128xf32, #tpu.memory_space<vmem>>) target(%dma_start3A_84 : memref<10240x128xf32, #tpu.memory_space<vmem_shared>>) offsets(%dma_start3A_81 : memref<128xi32, #tpu.memory_space<vmem>>) semaphore(%run_scoped3A : memref<!tpu.dma_semaphore, #tpu.memory_space<semaphore_mem>>) {add = true}
        %dma_wait3A_85 = arith.constant 0 : i32
        %dma_wait3A_86 = tpu.memref_slice %arg9[%mul3A_49, %dma_wait3A_85] : memref<40x128xi32, #tpu.memory_space<vmem>> -> memref<1x128xi32, #tpu.memory_space<vmem>>
        %dma_wait3A_87 = tpu.memref_squeeze %dma_wait3A_86 : memref<1x128xi32, #tpu.memory_space<vmem>> -> memref<128xi32, #tpu.memory_space<vmem>>
        %dma_wait3A_88 = arith.constant 0 : i32
        %dma_wait3A_89 = arith.constant 0 : i32
        %dma_wait3A_90 = tpu.memref_slice %arg12[%dma_wait3A_88, %dma_wait3A_89] : memref<10240x128xf32, #tpu.memory_space<vmem_shared>> -> memref<10240x128xf32, #tpu.memory_space<vmem_shared>>
        tpu.wait_indirect_dma semaphore(%run_scoped3A : memref<!tpu.dma_semaphore, #tpu.memory_space<semaphore_mem>>) src(%arg10 : memref<128x128xf32, #tpu.memory_space<vmem>>) dst(%dma_wait3A_90 : memref<10240x128xf32, #tpu.memory_space<vmem_shared>>)
        tpu.yield
      }) : () -> ()
      %add3A_63 = arith.constant 2 : i32
      %add3A_64 = arith.addi %mul3A_49, %add3A_63 : i32
      %lt3A = arith.constant 40 : i32
      %lt3A_65 = arith.cmpi slt, %add3A_64, %lt3A : i32
      %convert_element_type3A_66 = arith.extui %lt3A_65 : i1 to i32
      %cond3A_67 = arith.constant 0 : i32
      %cond3A_68 = arith.cmpi ne, %convert_element_type3A_66, %cond3A_67 : i32
      scf.if %cond3A_68 {
        %add3A_79 = arith.constant 2 : i32
        %add3A_80 = arith.addi %mul3A_49, %add3A_79 : i32
        %dma_start3A_81 = arith.constant 0 : i32
        %dma_start3A_82 = tpu.memref_slice %arg8[%add3A_80, %dma_start3A_81] : memref<40x128xi32, #tpu.memory_space<vmem>> -> memref<1x128xi32, #tpu.memory_space<vmem>>
        %dma_start3A_83 = tpu.memref_squeeze %dma_start3A_82 : memref<1x128xi32, #tpu.memory_space<vmem>> -> memref<128xi32, #tpu.memory_space<vmem>>
        %dma_start3A_84 = arith.constant 0 : i32
        %dma_start3A_85 = arith.constant 0 : i32
        %dma_start3A_86 = tpu.memref_slice %arg4[%dma_start3A_84, %dma_start3A_85] : memref<10240x128xf32, #tpu.memory_space<hbm>> -> memref<10240x128xf32, #tpu.memory_space<hbm>>
        tpu.enqueue_indirect_dma source(%dma_start3A_86 : memref<10240x128xf32, #tpu.memory_space<hbm>>) target(%arg10 : memref<128x128xf32, #tpu.memory_space<vmem>>) offsets(%dma_start3A_83 : memref<128xi32, #tpu.memory_space<vmem>>) semaphore(%arg13 : memref<!tpu.dma_semaphore, #tpu.memory_space<semaphore_mem>>)
      } else {
      }
      %add3A_69 = arith.constant 1 : i32
      %add3A_70 = arith.addi %mul3A_49, %add3A_69 : i32
      %dma_wait3A_71 = arith.constant 0 : i32
      %dma_wait3A_72 = tpu.memref_slice %arg8[%add3A_70, %dma_wait3A_71] : memref<40x128xi32, #tpu.memory_space<vmem>> -> memref<1x128xi32, #tpu.memory_space<vmem>>
      %dma_wait3A_73 = tpu.memref_squeeze %dma_wait3A_72 : memref<1x128xi32, #tpu.memory_space<vmem>> -> memref<128xi32, #tpu.memory_space<vmem>>
      %dma_wait3A_74 = arith.constant 0 : i32
      %dma_wait3A_75 = arith.constant 0 : i32
      %dma_wait3A_76 = tpu.memref_slice %arg4[%dma_wait3A_74, %dma_wait3A_75] : memref<10240x128xf32, #tpu.memory_space<hbm>> -> memref<10240x128xf32, #tpu.memory_space<hbm>>
      tpu.wait_indirect_dma semaphore(%arg14 : memref<!tpu.dma_semaphore, #tpu.memory_space<semaphore_mem>>) src(%dma_wait3A_76 : memref<10240x128xf32, #tpu.memory_space<hbm>>) dst(%arg11 : memref<128x128xf32, #tpu.memory_space<vmem>>)
      %add3A_77 = arith.constant 1 : i32
      %add3A_78 = arith.addi %mul3A_49, %add3A_77 : i32
      "tpu.region"() ({
        %run_scoped3A = tpu.sem_alloc : memref<!tpu.dma_semaphore, #tpu.memory_space<semaphore_mem>>
        %dma_start3A_79 = arith.constant 0 : i32
        %dma_start3A_80 = tpu.memref_slice %arg9[%add3A_78, %dma_start3A_79] : memref<40x128xi32, #tpu.memory_space<vmem>> -> memref<1x128xi32, #tpu.memory_space<vmem>>
        %dma_start3A_81 = tpu.memref_squeeze %dma_start3A_80 : memref<1x128xi32, #tpu.memory_space<vmem>> -> memref<128xi32, #tpu.memory_space<vmem>>
        %dma_start3A_82 = arith.constant 0 : i32
        %dma_start3A_83 = arith.constant 0 : i32
        %dma_start3A_84 = tpu.memref_slice %arg12[%dma_start3A_82, %dma_start3A_83] : memref<10240x128xf32, #tpu.memory_space<vmem_shared>> -> memref<10240x128xf32, #tpu.memory_space<vmem_shared>>
        tpu.enqueue_indirect_dma source(%arg11 : memref<128x128xf32, #tpu.memory_space<vmem>>) target(%dma_start3A_84 : memref<10240x128xf32, #tpu.memory_space<vmem_shared>>) offsets(%dma_start3A_81 : memref<128xi32, #tpu.memory_space<vmem>>) semaphore(%run_scoped3A : memref<!tpu.dma_semaphore, #tpu.memory_space<semaphore_mem>>) {add = true}
        %dma_wait3A_85 = arith.constant 0 : i32
        %dma_wait3A_86 = tpu.memref_slice %arg9[%add3A_78, %dma_wait3A_85] : memref<40x128xi32, #tpu.memory_space<vmem>> -> memref<1x128xi32, #tpu.memory_space<vmem>>
        %dma_wait3A_87 = tpu.memref_squeeze %dma_wait3A_86 : memref<1x128xi32, #tpu.memory_space<vmem>> -> memref<128xi32, #tpu.memory_space<vmem>>
        %dma_wait3A_88 = arith.constant 0 : i32
        %dma_wait3A_89 = arith.constant 0 : i32
        %dma_wait3A_90 = tpu.memref_slice %arg12[%dma_wait3A_88, %dma_wait3A_89] : memref<10240x128xf32, #tpu.memory_space<vmem_shared>> -> memref<10240x128xf32, #tpu.memory_space<vmem_shared>>
        tpu.wait_indirect_dma semaphore(%run_scoped3A : memref<!tpu.dma_semaphore, #tpu.memory_space<semaphore_mem>>) src(%arg11 : memref<128x128xf32, #tpu.memory_space<vmem>>) dst(%dma_wait3A_90 : memref<10240x128xf32, #tpu.memory_space<vmem_shared>>)
        tpu.yield
      }) : () -> ()
    }
    %scan3A_21 = arith.constant 20 : i32
    %add3A_22 = arith.constant 40 : i32
    %add3A_23 = arith.addi %mul3A_2, %add3A_22 : i32
    "tpu.region"() ({
      %run_scoped3A = tpu.sem_alloc : memref<!tpu.dma_semaphore, #tpu.memory_space<semaphore_mem>>
      %dma_start3A_47 = arith.constant 0 : i32
      %dma_start3A_48 = tpu.memref_slice %arg2[%add3A_23, %dma_start3A_47] : memref<2560x128xi32, #tpu.memory_space<hbm>> -> memref<40x128xi32, #tpu.memory_space<hbm>>
      %dma_start3A_49 = arith.constant 0 : i32
      %dma_start3A_50 = tpu.memref_slice %arg2[%add3A_23, %dma_start3A_49] : memref<2560x128xi32, #tpu.memory_space<hbm>> -> memref<40x128xi32, #tpu.memory_space<hbm>>
      tpu.enqueue_dma source(%dma_start3A_50 : memref<40x128xi32, #tpu.memory_space<hbm>>) target(%arg8 : memref<40x128xi32, #tpu.memory_space<vmem>>) target_semaphore(%run_scoped3A : memref<!tpu.dma_semaphore, #tpu.memory_space<semaphore_mem>>)
      %dma_wait3A = arith.constant 0 : i32
      %dma_wait3A_51 = tpu.memref_slice %arg2[%add3A_23, %dma_wait3A] : memref<2560x128xi32, #tpu.memory_space<hbm>> -> memref<40x128xi32, #tpu.memory_space<hbm>>
      %dma_wait3A_52 = arith.constant 0 : i32
      %dma_wait3A_53 = tpu.memref_slice %arg2[%add3A_23, %dma_wait3A_52] : memref<2560x128xi32, #tpu.memory_space<hbm>> -> memref<40x128xi32, #tpu.memory_space<hbm>>
      tpu.wait_dma2 semaphore(%run_scoped3A : memref<!tpu.dma_semaphore, #tpu.memory_space<semaphore_mem>>) src(%dma_wait3A_53 : memref<40x128xi32, #tpu.memory_space<hbm>>) dst(%arg8 : memref<40x128xi32, #tpu.memory_space<vmem>>)
      tpu.yield
    }) : () -> ()
    %add3A_24 = arith.constant 40 : i32
    %add3A_25 = arith.addi %mul3A_2, %add3A_24 : i32
    "tpu.region"() ({
      %run_scoped3A = tpu.sem_alloc : memref<!tpu.dma_semaphore, #tpu.memory_space<semaphore_mem>>
      %dma_start3A_47 = arith.constant 0 : i32
      %dma_start3A_48 = tpu.memref_slice %arg3[%add3A_25, %dma_start3A_47] : memref<2560x128xi32, #tpu.memory_space<hbm>> -> memref<40x128xi32, #tpu.memory_space<hbm>>
      %dma_start3A_49 = arith.constant 0 : i32
      %dma_start3A_50 = tpu.memref_slice %arg3[%add3A_25, %dma_start3A_49] : memref<2560x128xi32, #tpu.memory_space<hbm>> -> memref<40x128xi32, #tpu.memory_space<hbm>>
      tpu.enqueue_dma source(%dma_start3A_50 : memref<40x128xi32, #tpu.memory_space<hbm>>) target(%arg9 : memref<40x128xi32, #tpu.memory_space<vmem>>) target_semaphore(%run_scoped3A : memref<!tpu.dma_semaphore, #tpu.memory_space<semaphore_mem>>)
      %dma_wait3A = arith.constant 0 : i32
      %dma_wait3A_51 = tpu.memref_slice %arg3[%add3A_25, %dma_wait3A] : memref<2560x128xi32, #tpu.memory_space<hbm>> -> memref<40x128xi32, #tpu.memory_space<hbm>>
      %dma_wait3A_52 = arith.constant 0 : i32
      %dma_wait3A_53 = tpu.memref_slice %arg3[%add3A_25, %dma_wait3A_52] : memref<2560x128xi32, #tpu.memory_space<hbm>> -> memref<40x128xi32, #tpu.memory_space<hbm>>
      tpu.wait_dma2 semaphore(%run_scoped3A : memref<!tpu.dma_semaphore, #tpu.memory_space<semaphore_mem>>) src(%dma_wait3A_53 : memref<40x128xi32, #tpu.memory_space<hbm>>) dst(%arg9 : memref<40x128xi32, #tpu.memory_space<vmem>>)
      tpu.yield
    }) : () -> ()
    %dma_start3A_26 = arith.constant 0 : i32
    %dma_start3A_27 = arith.constant 0 : i32
    %dma_start3A_28 = tpu.memref_slice %arg8[%dma_start3A_26, %dma_start3A_27] : memref<40x128xi32, #tpu.memory_space<vmem>> -> memref<1x128xi32, #tpu.memory_space<vmem>>
    %dma_start3A_29 = tpu.memref_squeeze %dma_start3A_28 : memref<1x128xi32, #tpu.memory_space<vmem>> -> memref<128xi32, #tpu.memory_space<vmem>>
    %dma_start3A_30 = arith.constant 0 : i32
    %dma_start3A_31 = arith.constant 0 : i32
    %dma_start3A_32 = tpu.memref_slice %arg4[%dma_start3A_30, %dma_start3A_31] : memref<10240x128xf32, #tpu.memory_space<hbm>> -> memref<10240x128xf32, #tpu.memory_space<hbm>>
    tpu.enqueue_indirect_dma source(%dma_start3A_32 : memref<10240x128xf32, #tpu.memory_space<hbm>>) target(%arg10 : memref<128x128xf32, #tpu.memory_space<vmem>>) offsets(%dma_start3A_29 : memref<128xi32, #tpu.memory_space<vmem>>) semaphore(%arg13 : memref<!tpu.dma_semaphore, #tpu.memory_space<semaphore_mem>>)
    %scan3A_33 = arith.constant 0 : i32
    %scan3A_34 = arith.constant 0 : i32
    %scan3A_35 = arith.constant 20 : i32
    %scan3A_36 = arith.addi %scan3A_34, %scan3A_35 : i32
    %scan3A_37 = arith.constant 1 : i32
    scf.for %scan3A_47 = %scan3A_34 to %scan3A_36 step %scan3A_37  : i32 {
      %mul3A_48 = arith.constant 2 : i32
      %mul3A_49 = arith.muli %scan3A_47, %mul3A_48 : i32
      %add3A_50 = arith.constant 1 : i32
      %add3A_51 = arith.addi %mul3A_49, %add3A_50 : i32
      %dma_start3A_52 = arith.constant 0 : i32
      %dma_start3A_53 = tpu.memref_slice %arg8[%add3A_51, %dma_start3A_52] : memref<40x128xi32, #tpu.memory_space<vmem>> -> memref<1x128xi32, #tpu.memory_space<vmem>>
      %dma_start3A_54 = tpu.memref_squeeze %dma_start3A_53 : memref<1x128xi32, #tpu.memory_space<vmem>> -> memref<128xi32, #tpu.memory_space<vmem>>
      %dma_start3A_55 = arith.constant 0 : i32
      %dma_start3A_56 = arith.constant 0 : i32
      %dma_start3A_57 = tpu.memref_slice %arg4[%dma_start3A_55, %dma_start3A_56] : memref<10240x128xf32, #tpu.memory_space<hbm>> -> memref<10240x128xf32, #tpu.memory_space<hbm>>
      tpu.enqueue_indirect_dma source(%dma_start3A_57 : memref<10240x128xf32, #tpu.memory_space<hbm>>) target(%arg11 : memref<128x128xf32, #tpu.memory_space<vmem>>) offsets(%dma_start3A_54 : memref<128xi32, #tpu.memory_space<vmem>>) semaphore(%arg14 : memref<!tpu.dma_semaphore, #tpu.memory_space<semaphore_mem>>)
      %dma_wait3A = arith.constant 0 : i32
      %dma_wait3A_58 = tpu.memref_slice %arg8[%mul3A_49, %dma_wait3A] : memref<40x128xi32, #tpu.memory_space<vmem>> -> memref<1x128xi32, #tpu.memory_space<vmem>>
      %dma_wait3A_59 = tpu.memref_squeeze %dma_wait3A_58 : memref<1x128xi32, #tpu.memory_space<vmem>> -> memref<128xi32, #tpu.memory_space<vmem>>
      %dma_wait3A_60 = arith.constant 0 : i32
      %dma_wait3A_61 = arith.constant 0 : i32
      %dma_wait3A_62 = tpu.memref_slice %arg4[%dma_wait3A_60, %dma_wait3A_61] : memref<10240x128xf32, #tpu.memory_space<hbm>> -> memref<10240x128xf32, #tpu.memory_space<hbm>>
      tpu.wait_indirect_dma semaphore(%arg13 : memref<!tpu.dma_semaphore, #tpu.memory_space<semaphore_mem>>) src(%dma_wait3A_62 : memref<10240x128xf32, #tpu.memory_space<hbm>>) dst(%arg10 : memref<128x128xf32, #tpu.memory_space<vmem>>)
      "tpu.region"() ({
        %run_scoped3A = tpu.sem_alloc : memref<!tpu.dma_semaphore, #tpu.memory_space<semaphore_mem>>
        %dma_start3A_79 = arith.constant 0 : i32
        %dma_start3A_80 = tpu.memref_slice %arg9[%mul3A_49, %dma_start3A_79] : memref<40x128xi32, #tpu.memory_space<vmem>> -> memref<1x128xi32, #tpu.memory_space<vmem>>
        %dma_start3A_81 = tpu.memref_squeeze %dma_start3A_80 : memref<1x128xi32, #tpu.memory_space<vmem>> -> memref<128xi32, #tpu.memory_space<vmem>>
        %dma_start3A_82 = arith.constant 0 : i32
        %dma_start3A_83 = arith.constant 0 : i32
        %dma_start3A_84 = tpu.memref_slice %arg12[%dma_start3A_82, %dma_start3A_83] : memref<10240x128xf32, #tpu.memory_space<vmem_shared>> -> memref<10240x128xf32, #tpu.memory_space<vmem_shared>>
        tpu.enqueue_indirect_dma source(%arg10 : memref<128x128xf32, #tpu.memory_space<vmem>>) target(%dma_start3A_84 : memref<10240x128xf32, #tpu.memory_space<vmem_shared>>) offsets(%dma_start3A_81 : memref<128xi32, #tpu.memory_space<vmem>>) semaphore(%run_scoped3A : memref<!tpu.dma_semaphore, #tpu.memory_space<semaphore_mem>>) {add = true}
        %dma_wait3A_85 = arith.constant 0 : i32
        %dma_wait3A_86 = tpu.memref_slice %arg9[%mul3A_49, %dma_wait3A_85] : memref<40x128xi32, #tpu.memory_space<vmem>> -> memref<1x128xi32, #tpu.memory_space<vmem>>
        %dma_wait3A_87 = tpu.memref_squeeze %dma_wait3A_86 : memref<1x128xi32, #tpu.memory_space<vmem>> -> memref<128xi32, #tpu.memory_space<vmem>>
        %dma_wait3A_88 = arith.constant 0 : i32
        %dma_wait3A_89 = arith.constant 0 : i32
        %dma_wait3A_90 = tpu.memref_slice %arg12[%dma_wait3A_88, %dma_wait3A_89] : memref<10240x128xf32, #tpu.memory_space<vmem_shared>> -> memref<10240x128xf32, #tpu.memory_space<vmem_shared>>
        tpu.wait_indirect_dma semaphore(%run_scoped3A : memref<!tpu.dma_semaphore, #tpu.memory_space<semaphore_mem>>) src(%arg10 : memref<128x128xf32, #tpu.memory_space<vmem>>) dst(%dma_wait3A_90 : memref<10240x128xf32, #tpu.memory_space<vmem_shared>>)
        tpu.yield
      }) : () -> ()
      %add3A_63 = arith.constant 2 : i32
      %add3A_64 = arith.addi %mul3A_49, %add3A_63 : i32
      %lt3A = arith.constant 40 : i32
      %lt3A_65 = arith.cmpi slt, %add3A_64, %lt3A : i32
      %convert_element_type3A_66 = arith.extui %lt3A_65 : i1 to i32
      %cond3A_67 = arith.constant 0 : i32
      %cond3A_68 = arith.cmpi ne, %convert_element_type3A_66, %cond3A_67 : i32
      scf.if %cond3A_68 {
        %add3A_79 = arith.constant 2 : i32
        %add3A_80 = arith.addi %mul3A_49, %add3A_79 : i32
        %dma_start3A_81 = arith.constant 0 : i32
        %dma_start3A_82 = tpu.memref_slice %arg8[%add3A_80, %dma_start3A_81] : memref<40x128xi32, #tpu.memory_space<vmem>> -> memref<1x128xi32, #tpu.memory_space<vmem>>
        %dma_start3A_83 = tpu.memref_squeeze %dma_start3A_82 : memref<1x128xi32, #tpu.memory_space<vmem>> -> memref<128xi32, #tpu.memory_space<vmem>>
        %dma_start3A_84 = arith.constant 0 : i32
        %dma_start3A_85 = arith.constant 0 : i32
        %dma_start3A_86 = tpu.memref_slice %arg4[%dma_start3A_84, %dma_start3A_85] : memref<10240x128xf32, #tpu.memory_space<hbm>> -> memref<10240x128xf32, #tpu.memory_space<hbm>>
        tpu.enqueue_indirect_dma source(%dma_start3A_86 : memref<10240x128xf32, #tpu.memory_space<hbm>>) target(%arg10 : memref<128x128xf32, #tpu.memory_space<vmem>>) offsets(%dma_start3A_83 : memref<128xi32, #tpu.memory_space<vmem>>) semaphore(%arg13 : memref<!tpu.dma_semaphore, #tpu.memory_space<semaphore_mem>>)
      } else {
      }
      %add3A_69 = arith.constant 1 : i32
      %add3A_70 = arith.addi %mul3A_49, %add3A_69 : i32
      %dma_wait3A_71 = arith.constant 0 : i32
      %dma_wait3A_72 = tpu.memref_slice %arg8[%add3A_70, %dma_wait3A_71] : memref<40x128xi32, #tpu.memory_space<vmem>> -> memref<1x128xi32, #tpu.memory_space<vmem>>
      %dma_wait3A_73 = tpu.memref_squeeze %dma_wait3A_72 : memref<1x128xi32, #tpu.memory_space<vmem>> -> memref<128xi32, #tpu.memory_space<vmem>>
      %dma_wait3A_74 = arith.constant 0 : i32
      %dma_wait3A_75 = arith.constant 0 : i32
      %dma_wait3A_76 = tpu.memref_slice %arg4[%dma_wait3A_74, %dma_wait3A_75] : memref<10240x128xf32, #tpu.memory_space<hbm>> -> memref<10240x128xf32, #tpu.memory_space<hbm>>
      tpu.wait_indirect_dma semaphore(%arg14 : memref<!tpu.dma_semaphore, #tpu.memory_space<semaphore_mem>>) src(%dma_wait3A_76 : memref<10240x128xf32, #tpu.memory_space<hbm>>) dst(%arg11 : memref<128x128xf32, #tpu.memory_space<vmem>>)
      %add3A_77 = arith.constant 1 : i32
      %add3A_78 = arith.addi %mul3A_49, %add3A_77 : i32
      "tpu.region"() ({
        %run_scoped3A = tpu.sem_alloc : memref<!tpu.dma_semaphore, #tpu.memory_space<semaphore_mem>>
        %dma_start3A_79 = arith.constant 0 : i32
        %dma_start3A_80 = tpu.memref_slice %arg9[%add3A_78, %dma_start3A_79] : memref<40x128xi32, #tpu.memory_space<vmem>> -> memref<1x128xi32, #tpu.memory_space<vmem>>
        %dma_start3A_81 = tpu.memref_squeeze %dma_start3A_80 : memref<1x128xi32, #tpu.memory_space<vmem>> -> memref<128xi32, #tpu.memory_space<vmem>>
        %dma_start3A_82 = arith.constant 0 : i32
        %dma_start3A_83 = arith.constant 0 : i32
        %dma_start3A_84 = tpu.memref_slice %arg12[%dma_start3A_82, %dma_start3A_83] : memref<10240x128xf32, #tpu.memory_space<vmem_shared>> -> memref<10240x128xf32, #tpu.memory_space<vmem_shared>>
        tpu.enqueue_indirect_dma source(%arg11 : memref<128x128xf32, #tpu.memory_space<vmem>>) target(%dma_start3A_84 : memref<10240x128xf32, #tpu.memory_space<vmem_shared>>) offsets(%dma_start3A_81 : memref<128xi32, #tpu.memory_space<vmem>>) semaphore(%run_scoped3A : memref<!tpu.dma_semaphore, #tpu.memory_space<semaphore_mem>>) {add = true}
        %dma_wait3A_85 = arith.constant 0 : i32
        %dma_wait3A_86 = tpu.memref_slice %arg9[%add3A_78, %dma_wait3A_85] : memref<40x128xi32, #tpu.memory_space<vmem>> -> memref<1x128xi32, #tpu.memory_space<vmem>>
        %dma_wait3A_87 = tpu.memref_squeeze %dma_wait3A_86 : memref<1x128xi32, #tpu.memory_space<vmem>> -> memref<128xi32, #tpu.memory_space<vmem>>
        %dma_wait3A_88 = arith.constant 0 : i32
        %dma_wait3A_89 = arith.constant 0 : i32
        %dma_wait3A_90 = tpu.memref_slice %arg12[%dma_wait3A_88, %dma_wait3A_89] : memref<10240x128xf32, #tpu.memory_space<vmem_shared>> -> memref<10240x128xf32, #tpu.memory_space<vmem_shared>>
        tpu.wait_indirect_dma semaphore(%run_scoped3A : memref<!tpu.dma_semaphore, #tpu.memory_space<semaphore_mem>>) src(%arg11 : memref<128x128xf32, #tpu.memory_space<vmem>>) dst(%dma_wait3A_90 : memref<10240x128xf32, #tpu.memory_space<vmem_shared>>)
        tpu.yield
      }) : () -> ()
    }
    %scan3A_38 = arith.constant 20 : i32
    %barrier3A_39 = arith.constant 0 : index
    tpu.barrier barrier_id(%barrier3A_39)
    %eq3A = arith.constant 0 : i32
    %eq3A_40 = arith.cmpi eq, %arg0, %eq3A : i32
    %convert_element_type3A = arith.extui %eq3A_40 : i1 to i32
    %cond3A = arith.constant 0 : i32
    %cond3A_41 = arith.cmpi ne, %convert_element_type3A, %cond3A : i32
    scf.if %cond3A_41 {
      %mul3A_47 = arith.constant 640 : i32
      %mul3A_48 = arith.muli %arg1, %mul3A_47 : i32
      %mul3A_49 = arith.constant 640 : i32
      %mul3A_50 = arith.muli %arg1, %mul3A_49 : i32
      "tpu.region"() ({
        %run_scoped3A = tpu.sem_alloc : memref<!tpu.dma_semaphore, #tpu.memory_space<semaphore_mem>>
        %dma_start3A_51 = arith.constant 0 : i32
        %dma_start3A_52 = tpu.memref_slice %arg6[%mul3A_50, %dma_start3A_51] : memref<10240x128xf32, #tpu.memory_space<hbm>> -> memref<640x128xf32, #tpu.memory_space<hbm>>
        %dma_start3A_53 = arith.constant 0 : i32
        %dma_start3A_54 = tpu.memref_slice %arg12[%mul3A_48, %dma_start3A_53] : memref<10240x128xf32, #tpu.memory_space<vmem_shared>> -> memref<640x128xf32, #tpu.memory_space<vmem_shared>>
        tpu.enqueue_dma source(%dma_start3A_54 : memref<640x128xf32, #tpu.memory_space<vmem_shared>>) target(%dma_start3A_52 : memref<640x128xf32, #tpu.memory_space<hbm>>) target_semaphore(%run_scoped3A : memref<!tpu.dma_semaphore, #tpu.memory_space<semaphore_mem>>)
        %dma_wait3A = arith.constant 0 : i32
        %dma_wait3A_55 = tpu.memref_slice %arg6[%mul3A_50, %dma_wait3A] : memref<10240x128xf32, #tpu.memory_space<hbm>> -> memref<640x128xf32, #tpu.memory_space<hbm>>
        %dma_wait3A_56 = arith.constant 0 : i32
        %dma_wait3A_57 = tpu.memref_slice %arg12[%mul3A_48, %dma_wait3A_56] : memref<10240x128xf32, #tpu.memory_space<vmem_shared>> -> memref<640x128xf32, #tpu.memory_space<vmem_shared>>
        tpu.wait_dma2 semaphore(%run_scoped3A : memref<!tpu.dma_semaphore, #tpu.memory_space<semaphore_mem>>) src(%dma_wait3A_57 : memref<640x128xf32, #tpu.memory_space<vmem_shared>>) dst(%dma_wait3A_55 : memref<640x128xf32, #tpu.memory_space<hbm>>)
        tpu.yield
      }) : () -> ()
    } else {
    }
    %eq3A_42 = arith.constant 1 : i32
    %eq3A_43 = arith.cmpi eq, %arg0, %eq3A_42 : i32
    %convert_element_type3A_44 = arith.extui %eq3A_43 : i1 to i32
    %cond3A_45 = arith.constant 0 : i32
    %cond3A_46 = arith.cmpi ne, %convert_element_type3A_44, %cond3A_45 : i32
    scf.if %cond3A_46 {
      %mul3A_47 = arith.constant 640 : i32
      %mul3A_48 = arith.muli %arg1, %mul3A_47 : i32
      %mul3A_49 = arith.constant 640 : i32
      %mul3A_50 = arith.muli %arg1, %mul3A_49 : i32
      "tpu.region"() ({
        %run_scoped3A = tpu.sem_alloc : memref<!tpu.dma_semaphore, #tpu.memory_space<semaphore_mem>>
        %dma_start3A_51 = arith.constant 0 : i32
        %dma_start3A_52 = tpu.memref_slice %arg7[%mul3A_50, %dma_start3A_51] : memref<10240x128xf32, #tpu.memory_space<hbm>> -> memref<640x128xf32, #tpu.memory_space<hbm>>
        %dma_start3A_53 = arith.constant 0 : i32
        %dma_start3A_54 = tpu.memref_slice %arg12[%mul3A_48, %dma_start3A_53] : memref<10240x128xf32, #tpu.memory_space<vmem_shared>> -> memref<640x128xf32, #tpu.memory_space<vmem_shared>>
        tpu.enqueue_dma source(%dma_start3A_54 : memref<640x128xf32, #tpu.memory_space<vmem_shared>>) target(%dma_start3A_52 : memref<640x128xf32, #tpu.memory_space<hbm>>) target_semaphore(%run_scoped3A : memref<!tpu.dma_semaphore, #tpu.memory_space<semaphore_mem>>)
        %dma_wait3A = arith.constant 0 : i32
        %dma_wait3A_55 = tpu.memref_slice %arg7[%mul3A_50, %dma_wait3A] : memref<10240x128xf32, #tpu.memory_space<hbm>> -> memref<640x128xf32, #tpu.memory_space<hbm>>
        %dma_wait3A_56 = arith.constant 0 : i32
        %dma_wait3A_57 = tpu.memref_slice %arg12[%mul3A_48, %dma_wait3A_56] : memref<10240x128xf32, #tpu.memory_space<vmem_shared>> -> memref<640x128xf32, #tpu.memory_space<vmem_shared>>
        tpu.wait_dma2 semaphore(%run_scoped3A : memref<!tpu.dma_semaphore, #tpu.memory_space<semaphore_mem>>) src(%dma_wait3A_57 : memref<640x128xf32, #tpu.memory_space<vmem_shared>>) dst(%dma_wait3A_55 : memref<640x128xf32, #tpu.memory_space<hbm>>)
        tpu.yield
      }) : () -> ()
    } else {
    }
    return
  }
}

module attributes {stable_mosaic.version = 14 : i64} {
  func.func @_prep_body(%arg0: i32, %arg1: memref<1280x128xf32, #tpu.memory_space<vmem>>, %arg2: memref<1280x1xf32, #tpu.memory_space<vmem>>, %arg3: memref<1280x1xf32, #tpu.memory_space<vmem>>, %arg4: memref<1280x1xf32, #tpu.memory_space<vmem>>, %arg5: memref<1280x1xf32, #tpu.memory_space<vmem>>, %arg6: memref<1280x128xf32, #tpu.memory_space<vmem>>, %arg7: memref<1280x2xf32, #tpu.memory_space<vmem>>) attributes {dimension_semantics = [#tpu.dimension_semantics<arbitrary>], iteration_bounds = array<i64: 8>, scalar_prefetch = 0 : i64, scratch_operands = 0 : i64, tpu.core_type = #tpu.core_type<tc>, window_params = [{transform_indices = @transform_0, window_bounds = array<i64: 1280, 128>}, {transform_indices = @transform_1, window_bounds = array<i64: 1280, 1>}, {transform_indices = @transform_2, window_bounds = array<i64: 1280, 1>}, {transform_indices = @transform_3, window_bounds = array<i64: 1280, 1>}, {transform_indices = @transform_4, window_bounds = array<i64: 1280, 1>}, {transform_indices = @transform_5, window_bounds = array<i64: 1280, 128>}, {transform_indices = @transform_6, window_bounds = array<i64: 1280, 2>}]} {
    %get3A = arith.constant 0 : index
    %get3A_0 = arith.constant 0 : index
    %get3A_1 = vector.load %arg2[%get3A, %get3A_0] : memref<1280x1xf32, #tpu.memory_space<vmem>>, vector<1280x1xf32>
    %get3A_2 = arith.constant 0 : index
    %get3A_3 = arith.constant 0 : index
    %get3A_4 = vector.load %arg3[%get3A_2, %get3A_3] : memref<1280x1xf32, #tpu.memory_space<vmem>>, vector<1280x1xf32>
    %add3A = arith.addf %get3A_1, %get3A_4 : vector<1280x1xf32>
    %get3A_5 = arith.constant 0 : index
    %get3A_6 = arith.constant 0 : index
    %get3A_7 = vector.load %arg4[%get3A_5, %get3A_6] : memref<1280x1xf32, #tpu.memory_space<vmem>>, vector<1280x1xf32>
    %get3A_8 = arith.constant 0 : index
    %get3A_9 = arith.constant 0 : index
    %get3A_10 = vector.load %arg5[%get3A_8, %get3A_9] : memref<1280x1xf32, #tpu.memory_space<vmem>>, vector<1280x1xf32>
    %add3A_11 = arith.addf %get3A_7, %get3A_10 : vector<1280x1xf32>
    %max3A = arith.constant 1.000000e+00 : f32
    %max3A_12 = vector.broadcast %max3A : f32 to vector<1280x1xf32>
    %max3A_13 = arith.maximumf %add3A, %max3A_12 : vector<1280x1xf32>
    %rsqrt3A = math.rsqrt %max3A_13 : vector<1280x1xf32>
    %max3A_14 = arith.constant 1.000000e+00 : f32
    %max3A_15 = vector.broadcast %max3A_14 : f32 to vector<1280x1xf32>
    %max3A_16 = arith.maximumf %add3A_11, %max3A_15 : vector<1280x1xf32>
    %rsqrt3A_17 = math.rsqrt %max3A_16 : vector<1280x1xf32>
    %swap3A = arith.constant 0 : index
    %swap3A_18 = arith.constant 0 : index
    %swap3A_19 = vector.load %arg7[%swap3A, %swap3A_18] : memref<1280x2xf32, #tpu.memory_space<vmem>>, vector<1280x1xf32>
    tpu.vector_store %arg7[%swap3A, %swap3A_18], %rsqrt3A_17 {strides = array<i32>} : memref<1280x2xf32, #tpu.memory_space<vmem>>, vector<1280x1xf32>,
    %swap3A_20 = arith.constant 0 : index
    %swap3A_21 = arith.constant 1 : index
    %swap3A_22 = vector.load %arg7[%swap3A_20, %swap3A_21] : memref<1280x2xf32, #tpu.memory_space<vmem>>, vector<1280x1xf32>
    tpu.vector_store %arg7[%swap3A_20, %swap3A_21], %rsqrt3A {strides = array<i32>} : memref<1280x2xf32, #tpu.memory_space<vmem>>, vector<1280x1xf32>,
    %get3A_23 = arith.constant 0 : index
    %get3A_24 = arith.constant 0 : index
    %get3A_25 = vector.load %arg1[%get3A_23, %get3A_24] : memref<1280x128xf32, #tpu.memory_space<vmem>>, vector<1280x128xf32>
    %mul3A = vector.broadcast %rsqrt3A : vector<1280x1xf32> to vector<1280x128xf32>
    %mul3A_26 = arith.mulf %get3A_25, %mul3A : vector<1280x128xf32>
    %swap3A_27 = arith.constant 0 : index
    %swap3A_28 = arith.constant 0 : index
    %swap3A_29 = vector.load %arg6[%swap3A_27, %swap3A_28] : memref<1280x128xf32, #tpu.memory_space<vmem>>, vector<1280x128xf32>
    tpu.vector_store %arg6[%swap3A_27, %swap3A_28], %mul3A_26 {strides = array<i32>} : memref<1280x128xf32, #tpu.memory_space<vmem>>, vector<1280x128xf32>,
    return
  }
  func.func @transform_0(%arg0: i32) -> (i32, i32) {
    %c0_i32 = arith.constant 0 : i32
    %c0_i32_0 = arith.constant 0 : i32
    return %arg0, %c0_i32 : i32, i32
  }
  func.func @transform_1(%arg0: i32) -> (i32, i32) {
    %add3A = arith.constant 0 : i32
    %add3A_0 = arith.addi %arg0, %add3A : i32
    %c0_i32 = arith.constant 0 : i32
    %c0_i32_1 = arith.constant 0 : i32
    return %add3A_0, %c0_i32 : i32, i32
  }
  func.func @transform_2(%arg0: i32) -> (i32, i32) {
    %add3A = arith.constant 0 : i32
    %add3A_0 = arith.addi %arg0, %add3A : i32
    %c0_i32 = arith.constant 0 : i32
    %c0_i32_1 = arith.constant 0 : i32
    return %add3A_0, %c0_i32 : i32, i32
  }
  func.func @transform_3(%arg0: i32) -> (i32, i32) {
    %add3A = arith.constant 8 : i32
    %add3A_0 = arith.addi %arg0, %add3A : i32
    %c0_i32 = arith.constant 0 : i32
    %c0_i32_1 = arith.constant 0 : i32
    return %add3A_0, %c0_i32 : i32, i32
  }
  func.func @transform_4(%arg0: i32) -> (i32, i32) {
    %add3A = arith.constant 8 : i32
    %add3A_0 = arith.addi %arg0, %add3A : i32
    %c0_i32 = arith.constant 0 : i32
    %c0_i32_1 = arith.constant 0 : i32
    return %add3A_0, %c0_i32 : i32, i32
  }
  func.func @transform_5(%arg0: i32) -> (i32, i32) {
    %c0_i32 = arith.constant 0 : i32
    %c0_i32_0 = arith.constant 0 : i32
    return %arg0, %c0_i32 : i32, i32
  }
  func.func @transform_6(%arg0: i32) -> (i32, i32) {
    %c0_i32 = arith.constant 0 : i32
    %c0_i32_0 = arith.constant 0 : i32
    return %arg0, %c0_i32 : i32, i32
  }
}

module attributes {stable_mosaic.version = 14 : i64} {
  func.func @_layer_body(%arg0: i32, %arg1: memref<1280x128xf32, #tpu.memory_space<vmem>>, %arg2: memref<1280x128xf32, #tpu.memory_space<vmem>>, %arg3: memref<1280x2xf32, #tpu.memory_space<vmem>>, %arg4: memref<128x128xf32, #tpu.memory_space<vmem>>, %arg5: memref<1x128xf32, #tpu.memory_space<vmem>>, %arg6: memref<1280x128xf32, #tpu.memory_space<vmem>>) attributes {dimension_semantics = [#tpu.dimension_semantics<arbitrary>], iteration_bounds = array<i64: 8>, scalar_prefetch = 0 : i64, scratch_operands = 0 : i64, tpu.core_type = #tpu.core_type<tc>, window_params = [{transform_indices = @transform_0, window_bounds = array<i64: 1280, 128>}, {transform_indices = @transform_1, window_bounds = array<i64: 1280, 128>}, {transform_indices = @transform_2, window_bounds = array<i64: 1280, 2>}, {pipeline_mode = #tpu.pipeline_mode<synchronous>, transform_indices = @transform_3, window_bounds = array<i64: 128, 128>}, {pipeline_mode = #tpu.pipeline_mode<synchronous>, transform_indices = @transform_4, window_bounds = array<i64: 1, 128>}, {transform_indices = @transform_5, window_bounds = array<i64: 1280, 128>}]} {
    %get3A = arith.constant 0 : index
    %get3A_0 = arith.constant 0 : index
    %get3A_1 = vector.load %arg1[%get3A, %get3A_0] : memref<1280x128xf32, #tpu.memory_space<vmem>>, vector<1280x128xf32>
    %get3A_2 = arith.constant 0 : index
    %get3A_3 = arith.constant 0 : index
    %get3A_4 = vector.load %arg2[%get3A_2, %get3A_3] : memref<1280x128xf32, #tpu.memory_space<vmem>>, vector<1280x128xf32>
    %add3A = arith.addf %get3A_1, %get3A_4 : vector<1280x128xf32>
    %get3A_5 = arith.constant 0 : index
    %get3A_6 = arith.constant 0 : index
    %get3A_7 = vector.load %arg3[%get3A_5, %get3A_6] : memref<1280x2xf32, #tpu.memory_space<vmem>>, vector<1280x1xf32>
    %mul3A = vector.broadcast %get3A_7 : vector<1280x1xf32> to vector<1280x128xf32>
    %mul3A_8 = arith.mulf %add3A, %mul3A : vector<1280x128xf32>
    %get3A_9 = arith.constant 0 : index
    %get3A_10 = arith.constant 0 : index
    %get3A_11 = vector.load %arg4[%get3A_9, %get3A_10] : memref<128x128xf32, #tpu.memory_space<vmem>>, vector<128x128xf32>
    %dot_general3A = arith.constant dense<0.000000e+00> : vector<1280x128xf32>
    %dot_general3A_12 = tpu.matmul %mul3A_8, %get3A_11, %dot_general3A {dimension_numbers = #tpu.dot_dimension_numbers<[1], [0], [0], [1], [0, 0, 1, 1], [], []>, transpose_lhs_hint = false} : vector<1280x128xf32>, vector<128x128xf32>, vector<1280x128xf32> -> vector<1280x128xf32>
    %get3A_13 = arith.constant 0 : index
    %get3A_14 = arith.constant 0 : index
    %get3A_15 = vector.load %arg5[%get3A_13, %get3A_14] : memref<1x128xf32, #tpu.memory_space<vmem>>, vector<1x128xf32>
    %add3A_16 = vector.broadcast %get3A_15 : vector<1x128xf32> to vector<1280x128xf32>
    %add3A_17 = arith.addf %dot_general3A_12, %add3A_16 : vector<1280x128xf32>
    %gt3A = arith.constant 0.000000e+00 : f32
    %gt3A_18 = vector.broadcast %gt3A : f32 to vector<1280x128xf32>
    %gt3A_19 = arith.cmpf ogt, %add3A_17, %gt3A_18 : vector<1280x128xf32>
    %exp3A = math.exp %add3A_17 : vector<1280x128xf32>
    %sub3A = arith.constant 1.000000e+00 : f32
    %sub3A_20 = vector.broadcast %sub3A : f32 to vector<1280x128xf32>
    %sub3A_21 = arith.subf %exp3A, %sub3A_20 : vector<1280x128xf32>
    %mul3A_22 = arith.constant 1.67326319 : f32
    %mul3A_23 = vector.broadcast %mul3A_22 : f32 to vector<1280x128xf32>
    %mul3A_24 = arith.mulf %mul3A_23, %sub3A_21 : vector<1280x128xf32>
    %select_n3A = arith.select %gt3A_19, %add3A_17, %mul3A_24 : vector<1280x128xi1>, vector<1280x128xf32>
    %mul3A_25 = arith.constant 1.05070102 : f32
    %mul3A_26 = vector.broadcast %mul3A_25 : f32 to vector<1280x128xf32>
    %mul3A_27 = arith.mulf %mul3A_26, %select_n3A : vector<1280x128xf32>
    %get3A_28 = arith.constant 0 : index
    %get3A_29 = arith.constant 1 : index
    %get3A_30 = vector.load %arg3[%get3A_28, %get3A_29] : memref<1280x2xf32, #tpu.memory_space<vmem>>, vector<1280x1xf32>
    %mul3A_31 = vector.broadcast %get3A_30 : vector<1280x1xf32> to vector<1280x128xf32>
    %mul3A_32 = arith.mulf %mul3A_27, %mul3A_31 : vector<1280x128xf32>
    %swap3A = arith.constant 0 : index
    %swap3A_33 = arith.constant 0 : index
    %swap3A_34 = vector.load %arg6[%swap3A, %swap3A_33] : memref<1280x128xf32, #tpu.memory_space<vmem>>, vector<1280x128xf32>
    tpu.vector_store %arg6[%swap3A, %swap3A_33], %mul3A_32 {strides = array<i32>} : memref<1280x128xf32, #tpu.memory_space<vmem>>, vector<1280x128xf32>,
    return
  }
  func.func @transform_0(%arg0: i32) -> (i32, i32) {
    %c0_i32 = arith.constant 0 : i32
    %c0_i32_0 = arith.constant 0 : i32
    return %arg0, %c0_i32 : i32, i32
  }
  func.func @transform_1(%arg0: i32) -> (i32, i32) {
    %c0_i32 = arith.constant 0 : i32
    %c0_i32_0 = arith.constant 0 : i32
    return %arg0, %c0_i32 : i32, i32
  }
  func.func @transform_2(%arg0: i32) -> (i32, i32) {
    %c0_i32 = arith.constant 0 : i32
    %c0_i32_0 = arith.constant 0 : i32
    return %arg0, %c0_i32 : i32, i32
  }
  func.func @transform_3(%arg0: i32) -> (i32, i32) {
    %c0_i32 = arith.constant 0 : i32
    %c0_i32_0 = arith.constant 0 : i32
    %c0_i32_1 = arith.constant 0 : i32
    return %c0_i32, %c0_i32_0 : i32, i32
  }
  func.func @transform_4(%arg0: i32) -> (i32, i32) {
    %c0_i32 = arith.constant 0 : i32
    %c0_i32_0 = arith.constant 0 : i32
    %c0_i32_1 = arith.constant 0 : i32
    return %c0_i32, %c0_i32_0 : i32, i32
  }
  func.func @transform_5(%arg0: i32) -> (i32, i32) {
    %c0_i32 = arith.constant 0 : i32
    %c0_i32_0 = arith.constant 0 : i32
    return %arg0, %c0_i32 : i32, i32
  }
}

module attributes {stable_mosaic.version = 14 : i64} {
  func.func @_final_body(%arg0: memref<10240x128xf32, #tpu.memory_space<vmem>>, %arg1: memref<10240x128xf32, #tpu.memory_space<vmem>>, %arg2: memref<10240x2xf32, #tpu.memory_space<vmem>>, %arg3: memref<128x128xf32, #tpu.memory_space<vmem>>, %arg4: memref<1x128xf32, #tpu.memory_space<vmem>>, %arg5: memref<1x16xf32, #tpu.memory_space<vmem>>, %arg6: memref<144x256xf32, #tpu.memory_space<vmem>>, %arg7: memref<1x256xf32, #tpu.memory_space<vmem>>, %arg8: memref<256x128xf32, #tpu.memory_space<vmem>>, %arg9: memref<1x128xf32, #tpu.memory_space<vmem>>, %arg10: memref<128x1xf32, #tpu.memory_space<vmem>>, %arg11: memref<1x1xf32, #tpu.memory_space<vmem>>, %arg12: memref<1x1xf32, #tpu.memory_space<vmem>>) attributes {dimension_semantics = [], scalar_prefetch = 0 : i64, scratch_operands = 0 : i64, tpu.core_type = #tpu.core_type<tc>} {
    %get3A = arith.constant 0 : index
    %get3A_0 = arith.constant 0 : index
    %get3A_1 = vector.load %arg0[%get3A, %get3A_0] : memref<10240x128xf32, #tpu.memory_space<vmem>>, vector<10000x128xf32>
    %get3A_2 = arith.constant 0 : index
    %get3A_3 = arith.constant 0 : index
    %get3A_4 = vector.load %arg1[%get3A_2, %get3A_3] : memref<10240x128xf32, #tpu.memory_space<vmem>>, vector<10000x128xf32>
    %add3A = arith.addf %get3A_1, %get3A_4 : vector<10000x128xf32>
    %get3A_5 = arith.constant 0 : index
    %get3A_6 = arith.constant 0 : index
    %get3A_7 = vector.load %arg2[%get3A_5, %get3A_6] : memref<10240x2xf32, #tpu.memory_space<vmem>>, vector<10000x1xf32>
    %mul3A = vector.broadcast %get3A_7 : vector<10000x1xf32> to vector<10000x128xf32>
    %mul3A_8 = arith.mulf %add3A, %mul3A : vector<10000x128xf32>
    %get3A_9 = arith.constant 0 : index
    %get3A_10 = arith.constant 0 : index
    %get3A_11 = vector.load %arg3[%get3A_9, %get3A_10] : memref<128x128xf32, #tpu.memory_space<vmem>>, vector<128x128xf32>
    %dot_general3A = arith.constant dense<0.000000e+00> : vector<10000x128xf32>
    %dot_general3A_12 = tpu.matmul %mul3A_8, %get3A_11, %dot_general3A {dimension_numbers = #tpu.dot_dimension_numbers<[1], [0], [0], [1], [0, 0, 1, 1], [], []>, transpose_lhs_hint = false} : vector<10000x128xf32>, vector<128x128xf32>, vector<10000x128xf32> -> vector<10000x128xf32>
    %get3A_13 = arith.constant 0 : index
    %get3A_14 = arith.constant 0 : index
    %get3A_15 = vector.load %arg4[%get3A_13, %get3A_14] : memref<1x128xf32, #tpu.memory_space<vmem>>, vector<1x128xf32>
    %add3A_16 = vector.broadcast %get3A_15 : vector<1x128xf32> to vector<10000x128xf32>
    %add3A_17 = arith.addf %dot_general3A_12, %add3A_16 : vector<10000x128xf32>
    %reduce_sum3A = arith.constant dense<0.000000e+00> : vector<128xf32>
    %reduce_sum3A_18 = vector.multi_reduction <add>, %add3A_17, %reduce_sum3A [0] : vector<10000x128xf32> to vector<128xf32>
    %broadcast_in_dim3A = vector.shape_cast %reduce_sum3A_18 : vector<128xf32> to vector<1x128xf32>
    %div3A = arith.constant 1.000000e+04 : f32
    %div3A_19 = vector.broadcast %div3A : f32 to vector<1x128xf32>
    %div3A_20 = arith.divf %broadcast_in_dim3A, %div3A_19 : vector<1x128xf32>
    %get3A_21 = arith.constant 0 : index
    %get3A_22 = arith.constant 0 : index
    %get3A_23 = vector.load %arg6[%get3A_21, %get3A_22] : memref<144x256xf32, #tpu.memory_space<vmem>>, vector<128x256xf32>
    %dot_general3A_24 = arith.constant dense<0.000000e+00> : vector<1x256xf32>
    %dot_general3A_25 = tpu.matmul %div3A_20, %get3A_23, %dot_general3A_24 {dimension_numbers = #tpu.dot_dimension_numbers<[1], [0], [0], [1], [0, 0, 1, 1], [], []>, transpose_lhs_hint = false} : vector<1x128xf32>, vector<128x256xf32>, vector<1x256xf32> -> vector<1x256xf32>
    %get3A_26 = arith.constant 0 : index
    %get3A_27 = arith.constant 0 : index
    %get3A_28 = vector.load %arg5[%get3A_26, %get3A_27] : memref<1x16xf32, #tpu.memory_space<vmem>>, vector<1x16xf32>
    %get3A_29 = arith.constant 128 : index
    %get3A_30 = arith.constant 0 : index
    %get3A_31 = vector.load %arg6[%get3A_29, %get3A_30] : memref<144x256xf32, #tpu.memory_space<vmem>>, vector<16x256xf32>
    %dot_general3A_32 = arith.constant dense<0.000000e+00> : vector<1x256xf32>
    %dot_general3A_33 = tpu.matmul %get3A_28, %get3A_31, %dot_general3A_32 {dimension_numbers = #tpu.dot_dimension_numbers<[1], [0], [0], [1], [0, 0, 1, 1], [], []>, transpose_lhs_hint = false} : vector<1x16xf32>, vector<16x256xf32>, vector<1x256xf32> -> vector<1x256xf32>
    %add3A_34 = arith.addf %dot_general3A_25, %dot_general3A_33 : vector<1x256xf32>
    %get3A_35 = arith.constant 0 : index
    %get3A_36 = arith.constant 0 : index
    %get3A_37 = vector.load %arg7[%get3A_35, %get3A_36] : memref<1x256xf32, #tpu.memory_space<vmem>>, vector<1x256xf32>
    %add3A_38 = arith.addf %add3A_34, %get3A_37 : vector<1x256xf32>
    %gt3A = arith.constant 0.000000e+00 : f32
    %gt3A_39 = vector.broadcast %gt3A : f32 to vector<1x256xf32>
    %gt3A_40 = arith.cmpf ogt, %add3A_38, %gt3A_39 : vector<1x256xf32>
    %exp3A = math.exp %add3A_38 : vector<1x256xf32>
    %sub3A = arith.constant 1.000000e+00 : f32
    %sub3A_41 = vector.broadcast %sub3A : f32 to vector<1x256xf32>
    %sub3A_42 = arith.subf %exp3A, %sub3A_41 : vector<1x256xf32>
    %mul3A_43 = arith.constant 1.67326319 : f32
    %mul3A_44 = vector.broadcast %mul3A_43 : f32 to vector<1x256xf32>
    %mul3A_45 = arith.mulf %mul3A_44, %sub3A_42 : vector<1x256xf32>
    %select_n3A = arith.select %gt3A_40, %add3A_38, %mul3A_45 : vector<1x256xi1>, vector<1x256xf32>
    %mul3A_46 = arith.constant 1.05070102 : f32
    %mul3A_47 = vector.broadcast %mul3A_46 : f32 to vector<1x256xf32>
    %mul3A_48 = arith.mulf %mul3A_47, %select_n3A : vector<1x256xf32>
    %get3A_49 = arith.constant 0 : index
    %get3A_50 = arith.constant 0 : index
    %get3A_51 = vector.load %arg8[%get3A_49, %get3A_50] : memref<256x128xf32, #tpu.memory_space<vmem>>, vector<256x128xf32>
    %dot_general3A_52 = arith.constant dense<0.000000e+00> : vector<1x128xf32>
    %dot_general3A_53 = tpu.matmul %mul3A_48, %get3A_51, %dot_general3A_52 {dimension_numbers = #tpu.dot_dimension_numbers<[1], [0], [0], [1], [0, 0, 1, 1], [], []>, transpose_lhs_hint = false} : vector<1x256xf32>, vector<256x128xf32>, vector<1x128xf32> -> vector<1x128xf32>
    %get3A_54 = arith.constant 0 : index
    %get3A_55 = arith.constant 0 : index
    %get3A_56 = vector.load %arg9[%get3A_54, %get3A_55] : memref<1x128xf32, #tpu.memory_space<vmem>>, vector<1x128xf32>
    %add3A_57 = arith.addf %dot_general3A_53, %get3A_56 : vector<1x128xf32>
    %gt3A_58 = arith.constant 0.000000e+00 : f32
    %gt3A_59 = vector.broadcast %gt3A_58 : f32 to vector<1x128xf32>
    %gt3A_60 = arith.cmpf ogt, %add3A_57, %gt3A_59 : vector<1x128xf32>
    %exp3A_61 = math.exp %add3A_57 : vector<1x128xf32>
    %sub3A_62 = arith.constant 1.000000e+00 : f32
    %sub3A_63 = vector.broadcast %sub3A_62 : f32 to vector<1x128xf32>
    %sub3A_64 = arith.subf %exp3A_61, %sub3A_63 : vector<1x128xf32>
    %mul3A_65 = arith.constant 1.67326319 : f32
    %mul3A_66 = vector.broadcast %mul3A_65 : f32 to vector<1x128xf32>
    %mul3A_67 = arith.mulf %mul3A_66, %sub3A_64 : vector<1x128xf32>
    %select_n3A_68 = arith.select %gt3A_60, %add3A_57, %mul3A_67 : vector<1x128xi1>, vector<1x128xf32>
    %mul3A_69 = arith.constant 1.05070102 : f32
    %mul3A_70 = vector.broadcast %mul3A_69 : f32 to vector<1x128xf32>
    %mul3A_71 = arith.mulf %mul3A_70, %select_n3A_68 : vector<1x128xf32>
    %get3A_72 = arith.constant 0 : index
    %get3A_73 = arith.constant 0 : index
    %get3A_74 = vector.load %arg10[%get3A_72, %get3A_73] : memref<128x1xf32, #tpu.memory_space<vmem>>, vector<128x1xf32>
    %dot_general3A_75 = arith.constant dense<0.000000e+00> : vector<1x1xf32>
    %dot_general3A_76 = tpu.matmul %mul3A_71, %get3A_74, %dot_general3A_75 {dimension_numbers = #tpu.dot_dimension_numbers<[1], [0], [0], [1], [0, 0, 1, 1], [], []>, transpose_lhs_hint = false} : vector<1x128xf32>, vector<128x1xf32>, vector<1x1xf32> -> vector<1x1xf32>
    %get3A_77 = arith.constant 0 : index
    %get3A_78 = arith.constant 0 : index
    %get3A_79 = vector.load %arg11[%get3A_77, %get3A_78] : memref<1x1xf32, #tpu.memory_space<vmem>>, vector<1x1xf32>
    %add3A_80 = arith.addf %dot_general3A_76, %get3A_79 : vector<1x1xf32>
    %swap3A = arith.constant 0 : index
    %swap3A_81 = arith.constant 0 : index
    %swap3A_82 = vector.load %arg12[%swap3A, %swap3A_81] : memref<1x1xf32, #tpu.memory_space<vmem>>, vector<1x1xf32>
    tpu.vector_store %arg12[%swap3A, %swap3A_81], %add3A_80 {strides = array<i32>} : memref<1x1xf32, #tpu.memory_space<vmem>>, vector<1x1xf32>,
    return
  }
}

</mosaic_0001>

<sc_bundles>
// kernel: kernel.10.cloned.1.call-start
scs
__scs_entry_jumppad:
0x0: {  	(pc) =	sbr.rel $0x88, $3  }
0x1: {  	(tag) =	ssettag $0x0;
	lr =	simm.s32 $0x1  }
0x2: {  	[smem:$0x3F92] =	sst lr;
	_ =	strace $0xD0000000  }
0x3: {  	_ = 	snop  }
0x4: {  	_ = 	snop  }
0x5: {  	_ = 	snop  }
0x6: {  	_ = 	snop  }
0x7: {  	_ = 	snop  }
__scs_overlays_trampoline_lowered:
0x8: {  	[smem:$0x3FA1] =	sst s0  }
0x9: {  	[smem:$0x3FA2] =	sst s1  }
0xa: {  	[smem:$0x3FA3] =	sst s2  }
0xb: {  	[smem:$0x3FA4] =	sst s3  }
0xc: {  	[smem:$0x3FA5] =	sst s4  }
0xd: {  	[smem:$0x3FA6] =	sst s5  }
0xe: {  	[smem:$0x3FA7] =	sst s6  }
0xf: {  	[smem:$0x3FA8] =	sst s7  }
0x10: {  	[smem:$0x3FA9] =	sst s8  }
0x11: {  	[smem:$0x3FAA] =	sst s9;
	s0 =	simm.s32 @!p0 $0x0  }
0x12: {  	s1 =	sld [smem:$0x3F90];
	s0 =	simm.s32 @p0 $0x1  }
0x13: {  	[smem:$0x3FAB] =	sst s0;
	s0 =	simm.s32 @!p1 $0x0  }
0x14: {  	s2 =	sld [smem:$0x3F8F];
	s0 =	simm.s32 @p1 $0x1  }
0x15: {  	[smem:$0x3FAC] =	sst s0;
	s0 =	simm.s32 @!p2 $0x0  }
0x16: {  	s3 =	sld [smem:$0x3FDB];
	s0 =	simm.s32 @p2 $0x1  }
0x17: {  	s4 =	simm.s32 $0x1BF5;
	[smem:$0x3FAE] =	sst s0  }
0x18: {  	s0 =	sld [smem:$0x3F91];
	_ =	swait.ge [sflag:s4], $0x0  }
0x19: {  	s7 =	sld [smem:$0x3F92]  }
0x1a: {  	s8 =	sadd.s32 $0xFFFFE003, lr  }
0x1b: {  	s9 =	sadd.s32 $0xFFFFFEF7, lr;
	s5 =	simm.s32 $0xFFFFFFFF;
	p2 =	slt.u32 s8, $0xFFFFF086  }
0x1c: {  	p1 =	slt.u32 s9, $0xF7A;
	s5 =	simm.s32 @!p2 $0x0  }
0x1d: {  	s5 =	simm.s32 @p1 $0x1;
	p0 =	seq.s32 s7, s2  }
0x1e: {  	s7 =	smul.u32 @!p0 $0xF7A, s2;
	p2 =	seq.s32 @!p0 s5, $0x0  }
0x1f: {  	s9 =	smul.u32 $0xF7A, s1;
	s8 =	simm.s32 @!p0 $0x1BF5;
	p2 =	por !p2, p0  }
0x20: {  	[sflag:s8] =	ssyncset.s32 @!p0 $0xFFFFF086;
	s6 =	sadd.s32 @!p0 s3, s7;
	s7 =	simm.s32 @!p0 $0x108  }
0x21: {  	s3 =	sadd.s32 s3, s9;
	s6 =	sadd.s32 @!p0 $0x88, s6;
	s7 =	simm.s32 @p2 $0x1082  }
0x22: {  	[simem:s7], [sflag:s8] =	dma.local @!p0 [hbm:s6], $0xF7A  }
0x23: {  	s9 =	sor.u32 $0xD0000000, s2;
	s6 =	simm.s32 $0x108;
	_ =	swait.ge @!p0 [sflag:s8], $0x0  }
0x24: {  	s3 =	sadd.s32 $0x88, s3;
	s6 =	simm.s32 @!p1 $0x1082;
	[sflag:s4] =	ssyncset.s32 $0xFFFFF086  }
0x25: {  	[simem:s6], [sflag:s4] =	dma.local [hbm:s3], $0xF7A  }
0x26: {  	[smem:$0x3F92] =	sst s1;
	(tag) =	ssettag s2;
	_ =	strace s9  }
0x27: {  	s1 =	sld [smem:$0x3FA2]  }
0x28: {  	s2 =	sld [smem:$0x3FA3]  }
0x29: {  	s4 =	sld [smem:$0x3FA5]  }
0x2a: {  	p0 =	seq.s32 s5, $0x0;
	s5 =	sld [smem:$0x3FA6]  }
0x2b: {  	s6 =	sld [smem:$0x3FA7]  }
0x2c: {  	s7 =	sld [smem:$0x3FA8]  }
0x2d: {  	s3 =	simm.s32 $0x108;
	s8 =	sld [smem:$0x3FA9]  }
0x2e: {  	s3 =	simm.s32 @!p0 $0x1082;
	s9 =	sld [smem:$0x3FAA]  }
0x2f: {  	lr =	sadd.s32 s0, s3;
	s0 =	sld [smem:$0x3FA1]  }
0x30: {  	s3 =	sld [smem:$0x3FA4]  }
0x31: {  	[smem:$0x3FAD] =	sst s10  }
0x32: {  	s10 =	sld [smem:$0x3FAB];
	_ =	sdelay $0x3  }
0x33: {  	p0 =	seq.s32 s10, $0x1;
	s10 =	sld [smem:$0x3FAD];
	_ =	sdelay $0x3  }
0x34: {  	[smem:$0x3FAD] =	sst s10  }
0x35: {  	s10 =	sld [smem:$0x3FAC];
	_ =	sdelay $0x3  }
0x36: {  	p1 =	seq.s32 s10, $0x1;
	s10 =	sld [smem:$0x3FAD];
	_ =	sdelay $0x3  }
0x37: {  	[smem:$0x3FAD] =	sst s10  }
0x38: {  	s10 =	sld [smem:$0x3FAE]  }
0x39: {  	_ = 	snop;
	(pc) =	sbr.ind lr, $3  }
0x3a: {  	_ = 	snop  }
0x3b: {  	_ = 	snop  }
0x3c: {  	p2 =	seq.s32 s10, $0x1;
	s10 =	sld [smem:$0x3FAD]  }
0x3d: {  	_ =	shalt  }
0x3e: {  	_ =	shalt  }
0x3f: {  	_ =	shalt  }
0x40: {  	_ =	shalt  }
0x41: {  	_ =	shalt  }
0x42: {  	_ =	shalt  }
0x43: {  	_ =	shalt  }
0x44: {  	_ =	shalt  }
0x45: {  	_ =	shalt  }
0x46: {  	_ =	shalt  }
0x47: {  	_ =	shalt  }
0x48: {  	_ =	shalt  }
0x49: {  	_ =	shalt  }
0x4a: {  	_ =	shalt  }
0x4b: {  	_ =	shalt  }
0x4c: {  	_ =	shalt  }
0x4d: {  	_ =	shalt  }
0x4e: {  	_ =	shalt  }
0x4f: {  	_ =	shalt  }
0x50: {  	_ =	shalt  }
0x51: {  	_ =	shalt  }
0x52: {  	_ =	shalt  }
0x53: {  	_ =	shalt  }
0x54: {  	_ =	shalt  }
0x55: {  	_ =	shalt  }
0x56: {  	_ =	shalt  }
0x57: {  	_ =	shalt  }
0x58: {  	_ =	shalt  }
0x59: {  	_ =	shalt  }
0x5a: {  	_ =	shalt  }
0x5b: {  	_ =	shalt  }
0x5c: {  	_ =	shalt  }
0x5d: {  	_ =	shalt  }
0x5e: {  	_ =	shalt  }
0x5f: {  	_ =	shalt  }
0x60: {  	_ =	shalt  }
0x61: {  	_ =	shalt  }
0x62: {  	_ =	shalt  }
0x63: {  	_ =	shalt  }
0x64: {  	_ =	shalt  }
0x65: {  	_ =	shalt  }
0x66: {  	_ =	shalt  }
0x67: {  	_ =	shalt  }
0x68: {  	_ =	shalt  }
0x69: {  	_ =	shalt  }
0x6a: {  	_ =	shalt  }
0x6b: {  	_ =	shalt  }
0x6c: {  	_ =	shalt  }
0x6d: {  	_ =	shalt  }
0x6e: {  	_ =	shalt  }
0x6f: {  	_ =	shalt  }
0x70: {  	_ =	shalt  }
0x71: {  	_ =	shalt  }
0x72: {  	_ =	shalt  }
0x73: {  	_ =	shalt  }
0x74: {  	_ =	shalt  }
0x75: {  	_ =	shalt  }
0x76: {  	_ =	shalt  }
0x77: {  	_ =	shalt  }
0x78: {  	_ =	shalt  }
0x79: {  	_ =	shalt  }
0x7a: {  	_ =	shalt  }
0x7b: {  	_ =	shalt  }
0x7c: {  	_ =	shalt  }
0x7d: {  	_ =	shalt  }
0x7e: {  	_ =	shalt  }
0x7f: {  	_ =	shalt  }
0x80: {  	_ =	shalt  }
0x81: {  	_ =	shalt  }
0x82: {  	_ =	shalt  }
0x83: {  	_ =	shalt  }
0x84: {  	_ =	shalt  }
0x85: {  	_ =	shalt  }
0x86: {  	_ =	shalt  }
0x87: {  	_ =	shalt  }
.Lfunc_end0:
.L_simem_size_0:
called_computation_lowered:
.L_overlay_start_0:
0x88: {  	s2 =	sld [smem:$0x3FD9]  }
0x89: {  	s3 =	sld [smem:$0x3FFE];
	_ =	sdelay $0x1  }
0x8a: {  	s1 =	srdreg.scid  }
0x8b: {  	s0 =	sand.u32 $0x1, s1  }
0x8c: {  	s16 =	sshll.u32 s0, $0xA;
	s2 =	sadd.s32 s3, s2  }
0x8d: {  	s2 =	sadd.s32 s2, s16  }
0x8e: {  	[smem:$0x3FB9] =	sst s2  }
0x8f: {  	_ = 	snop  }
0x90: {  	(tm) =	ssettm $0x1  }
0x91: {  	s17 =	sld [smem:$0x3FFB];
	_ =	sdelay $0x3  }
0x92: {  	_ =	strace s17  }
0x93: {  	s2 =	sld [smem:$0x3FFC];
	_ =	sdelay $0x3  }
0x94: {  	_ =	strace s2  }
0x95: {  	s2 =	sld [smem:$0x3FFD];
	_ =	sdelay $0x3  }
0x96: {  	_ =	strace s2  }
0x97: {  	_ =	strace $0x8FFFFFFF  }
0x98: {  	s18 =	sld [smem:$0x3FDB];
	_ =	sdelay $0x1  }
0x99: {  	s19 =	simm.s32 $_scs_section_size  }
0x9a: {  	s4 =	simm.s32 $_size__tile_overlayer_lowered;
	s5 =	simm.s32 $_tile_overlayer_lowered  }
0x9b: {  	s22 =	simm.s32 $0x1BFF;
	s21 =	sshll.u32 s5, $0x1;
	s2 =	sadd.s32 s19, s18  }
0x9c: {  	s6 =	simm.s32 $0x0;
	s20 =	sshll.u32 s4, $0x1;
	s4 =	sadd.s32 s21, s2  }
0x9d: {  	[timem:s6], [sflag:s22] =	dma.local [hbm:s4], s20  }
0x9e: {  	_ =	swait.ge [sflag:s22], s20  }
0x9f: {  	s3 =	ssub.s32 $0x0, s20;
	[sflag:s22] =	ssyncset.done $0x0  }
0xa0: {  	[sflag:s22] =	ssyncadd.s32 s3;
	_ =	sdelay $0x1  }
0xa1: {  	s23 =	simm.s32 $0x1B8B  }
0xa2: {  	_ =	swait.ge [sflag:s23], $0x1  }
0xa3: {  	[sflag:s23] =	ssyncset.done $0x0  }
0xa4: {  	s25 =	simm.s32 $0x1B8E;
	s24 =	sld [smem:$0x3FFE];
	[sflag:s23] =	ssyncadd.s32 $0xFFFFFFFF  }
0xa5: {  	s26 =	simm.s32 $execute0_lowered;
	[smem:$0x3FD2] =	sst s25  }
0xa6: {  	s4 =	sshll.u32 s26, $0x1;
	_ =	strace $0x80000046;
	[dreg:$0x1] =	wrdreg $0xFFFFFFFF  }
0xa7: {  	s28 =	simm.s32 $_size_execute0_lowered;
	s2 =	sadd.s32 s2, s4;
	[dreg:$0x0] =	wrdreg $0x0  }
0xa8: {  	s4 =	sshll.u32 s28, $0x1;
	[dreg:$0x2] =	wrdreg s2  }
0xa9: {  	[dreg:$0x3] =	wrdreg s4  }
0xaa: {  	[dreg:$0x4] =	wrdreg $0xC0  }
0xab: {  	_ =	task [dreg:s6], $0x5FFFF  }
0xac: {  	[dreg:$0x1] =	wrdreg $0xFFFFFFFF  }
0xad: {  	[dreg:$0x0] =	wrdreg $0x60  }
0xae: {  	[dreg:$0x2] =	wrdreg s24  }
0xaf: {  	[dreg:$0x3] =	wrdreg $0x53000  }
0xb0: {  	[dreg:$0x4] =	wrdreg $0x55800  }
0xb1: {  	[dreg:$0x5] =	wrdreg $0x9  }
0xb2: {  	_ =	task.clear_ibuf [dreg:s6], $0x6FFFF;
	_ =	strace $0x90000046  }
0xb3: {  	s29 =	simm.s32 $0x9;
	_ =	strace $0x80000048  }
0xb4: {  	_ =	swait.ge [sflag:s29], $0x1  }
0xb5: {  	[sflag:s29] =	ssyncadd.s32 $0xFFFFFFFF  }
0xb6: {  	_ =	strace $0x90000048  }
0xb7: {  	_ =	sfence  }
0xb8: {  	s30 =	sld [smem:$0x0];
	_ =	sdelay $0x2  }
0xb9: {  	s31 =	sshll.u32 s1, $0xD;
	s1 =	sshrl.u32 s1, $0x2  }
0xba: {  	s3 =	sand.u32 $0x4000, s31;
	s1 =	sadd.s32 s1, s30  }
0xbb: {  	s0 =	sor.u32 s3, s0;
	s1 =	sshll.u32 s1, $0x11  }
0xbc: {  	s0 =	sor.u32 s1, s0  }
0xbd: {  	s0 =	sadd.s32 $0x8F2B, s0  }
0xbe: {  	[sflag:s0] =	ssyncadd.remote.s32 $0x1  }
0xbf: {  	_ =	sfence.sel $0xFFFF  }
0xc0: {  	[dreg:$0x0] =	wrdreg $0xFFFFFFFF;
	(pc) =	sbr.abs _section_cstart, $3  }
0xc1: {  	[dreg:$0x1] =	wrdreg $0xFFFFFFFF  }
0xc2: {  	_ =	task.clear_ibuf [dreg:s6], $0x2FFFF;
	_ =	strace $0x9FFFFFFF  }
0xc3: {  	(tm) =	ssettm $0x7FFFFFFF  }
tec
execute0_lowered:
.L_overlay_start_1:
0x0: {  	(tag) =	ssettag $0x1  }
0x1: {  	s6 =	rddreg [dreg:$0x0]  }
0x2: {  	s1 =	rddreg [dreg:$0x1]  }
0x3: {  	s2 =	rddreg [dreg:$0x2]  }
0x4: {  	s3 =	srdreg.scid;
	s0 =	rddreg [dreg:$0x3];
	s4 =	simm.s32 $0x0  }
0x5: {  	s11 =	simm.s32 $0x19A00;
	s14 =	simm.s32 $0x2800;
	s15 =	simm.s32 $0x80  }
0x6: {  	s16 =	simm.s32 $0x5000;
	s17 =	simm.s32 $0x1;
	s18 =	simm.s32 $0x2  }
0x7: {  	s22 =	simm.s32 $0x0;
	s5 =	sand.u32 $0x1, s3;
	s3 =	stileid.u32  }
0x8: {  	[smem:$0x7FF] =	sst s4;
	s7 =	sshll.u32 s5, $0x4;
	s8 =	ssub.s32 $0x2, s5  }
0x9: {  	_ =	strace $0x80000047;
	s10 =	smul.u32 $0x280, s3;
	p0 =	seq.s32 s5, $0x1  }
0xa: {  	s19 =	sshll.u32 s3, $0x6;
	s7 =	sor.u32 s3, s7;
	s9 =	sshrl.u32 s8, $0x1  }
0xb: {  	s11 =	simm.s32 @!p0 $0x19000;
	s19 =	sor.u32 $0x1C03, s19;
	s7 =	smul.u32 $0x500, s7  }
0xc: {  	s5 =	sadd.s32 s10, s1;
	s30 =	sshrl.u32 s10, $0x3;
	s31 =	sadd.s32 s11, s6  }
0xd: {  	s13 =	ssub.s32 s8, s9;
	s8 =	sadd.s32 s31, s30;
	s20 =	sshrl.u32 s5, $0x3  }
0xe: {  	s12 =	sadd.s32 s7, s6;
	s6 =	sadd.s32 s10, s2;
	s10 =	smax.u32 s13, $0x1  }
0xf: {  	s11 =	sadd.s32 $0x500, s8;
	s13 =	simm.s32 $0x3;
	s7 =	sadd.s32 $0xF000, s12  }
0x10: {  	v0 =	vimm.f32 $1.000000000e+00;
	v1 =	vimm.f32 $0.0e+00;
	s9 =	sadd.s32 $0x5000, s12;
	s12 =	simm.s32 $0x5080;
	s21 =	sshrl.u32 s6, $0x3  }
.LBB2_1:
0x11: {  	[tilespmem:$0x5000] =	vst v0  }
0x12: {  	[tilespmem:$0x5010] =	vst v0  }
0x13: {  	[tilespmem:$0x5020] =	vst v0  }
0x14: {  	[tilespmem:$0x5030] =	vst v0  }
0x15: {  	[tilespmem:$0x5040] =	vst v0  }
0x16: {  	[tilespmem:$0x5050] =	vst v0  }
0x17: {  	[tilespmem:$0x5060] =	vst v0  }
0x18: {  	[tilespmem:$0x5070] =	vst v0  }
0x19: {  	[tilespmem:$0x5080] =	vst v1  }
0x1a: {  	[tilespmem:$0x5090] =	vst v1  }
0x1b: {  	[tilespmem:$0x50A0] =	vst v1  }
0x1c: {  	[tilespmem:$0x50B0] =	vst v1  }
0x1d: {  	[tilespmem:$0x50C0] =	vst v1  }
0x1e: {  	[tilespmem:$0x50D0] =	vst v1  }
0x1f: {  	[tilespmem:$0x50E0] =	vst v1  }
0x20: {  	[tilespmem:$0x50F0] =	vst v1  }
0x21: {  	[tilespmem:$0x5100] =	vst v1  }
0x22: {  	[tilespmem:$0x5110] =	vst v1  }
0x23: {  	[tilespmem:$0x5120] =	vst v1  }
0x24: {  	[tilespmem:$0x5130] =	vst v1  }
0x25: {  	[tilespmem:$0x5140] =	vst v1  }
0x26: {  	[tilespmem:$0x5150] =	vst v1  }
0x27: {  	[tilespmem:$0x5160] =	vst v1  }
0x28: {  	[tilespmem:$0x5170] =	vst v1  }
0x29: {  	[tilespmem:$0x5180] =	vst v1  }
0x2a: {  	[tilespmem:$0x5190] =	vst v1  }
0x2b: {  	[tilespmem:$0x51A0] =	vst v1  }
0x2c: {  	[tilespmem:$0x51B0] =	vst v1  }
0x2d: {  	[tilespmem:$0x51C0] =	vst v1  }
0x2e: {  	[tilespmem:$0x51D0] =	vst v1  }
0x2f: {  	[tilespmem:$0x51E0] =	vst v1  }
0x30: {  	[tilespmem:$0x51F0] =	vst v1  }
0x31: {  	[tilespmem:$0x5200] =	vst v1  }
0x32: {  	[tilespmem:$0x5210] =	vst v1  }
0x33: {  	[tilespmem:$0x5220] =	vst v1  }
0x34: {  	[tilespmem:$0x5230] =	vst v1  }
0x35: {  	[tilespmem:$0x5240] =	vst v1  }
0x36: {  	[tilespmem:$0x5250] =	vst v1  }
0x37: {  	[tilespmem:$0x5260] =	vst v1  }
0x38: {  	[tilespmem:$0x5270] =	vst v1  }
0x39: {  	[tilespmem:$0x5280] =	vst v1  }
0x3a: {  	[tilespmem:$0x5290] =	vst v1  }
0x3b: {  	[tilespmem:$0x52A0] =	vst v1  }
0x3c: {  	[tilespmem:$0x52B0] =	vst v1  }
0x3d: {  	[tilespmem:$0x52C0] =	vst v1  }
0x3e: {  	[tilespmem:$0x52D0] =	vst v1  }
0x3f: {  	[tilespmem:$0x52E0] =	vst v1  }
0x40: {  	[tilespmem:$0x52F0] =	vst v1  }
0x41: {  	[spmem:s5] =	stream.linear.scatter [tilespmem:s12], [sflag:$0x3], $0x280, $0x38;
	[tilespmem:$0x5800] =	vst v63  }
0x42: {  	_ =	swait.ge [sflag:s13], $0x280  }
0x43: {  	[sflag:s13] =	ssyncset.done $0x0  }
0x44: {  	[sflag:s13] =	ssyncadd.s32 $0xFFFFFD80  }
0x45: {  	[spmem:s6] =	stream.linear.scatter [tilespmem:s12], [sflag:$0x3], $0x280, $0x38;
	[tilespmem:$0x5800] =	vst v63  }
0x46: {  	_ =	swait.ge [sflag:s13], $0x280  }
0x47: {  	[sflag:s13] =	ssyncset.done $0x0  }
0x48: {  	[sflag:s13] =	ssyncadd.s32 $0xFFFFFD80  }
0x49: {  	[tilespmem:s4], [sflag:$0x3] =	stream.linear.gather [hbm4b:s7+s4], $0x2800, $0x38;
	[tilespmem:$0x5800] =	vst v63  }
0x4a: {  	_ =	swait.ge [sflag:s13], $0x2800  }
0x4b: {  	[sflag:s13] =	ssyncset.done $0x0  }
0x4c: {  	[sflag:s13] =	ssyncadd.s32 $0xFFFFD800  }
0x4d: {  	[tilespmem:s14], [sflag:$0x3] =	stream.linear.gather [hbm4b:s9+s4], $0x2800, $0x38;
	[tilespmem:$0x5800] =	vst v63  }
0x4e: {  	_ =	swait.ge [sflag:s13], $0x2800  }
0x4f: {  	[sflag:s13] =	ssyncset.done $0x0  }
0x50: {  	[sflag:s13] =	ssyncadd.s32 $0xFFFFD800  }
0x51: {  	s23 =	simm.s32 $0x0;
	[bflag:$0x0] =	sbarrier.arrive $0xFFFF  }
0x52: {  	[spmem:s1] =	stream.indirect.scatter.add.f32 [tilespmem:s16], [sflag:$0x1], $0x1, s23, s15, $0xb8;
	[tilespmem:$0x5800] =	vst v63  }
0x53: {  	s31 =	simm.s32 $0x2800  }
0x54: {  	[spmem:s2] =	stream.indirect.scatter.add.f32 [tilespmem:s16], [sflag:$0x2], $0x1, s31, s15, $0xb8;
	[tilespmem:$0x5800] =	vst v63  }
0x55: {  	_ =	swait.ge [sflag:s17], $0x80  }
0x56: {  	[sflag:s17] =	ssyncset.done $0x0  }
0x57: {  	[sflag:s17] =	ssyncadd.s32 $0xFFFFFF80  }
0x58: {  	_ =	swait.ge [sflag:s18], $0x80  }
0x59: {  	s24 =	simm.s32 $0x400;
	s23 =	simm.s32 $0x200;
	[sflag:s18] =	ssyncset.done $0x0  }
.LBB2_2:
0x5a: {  	s25 =	sshra.s32 s23, $0x2  }
0x5b: {  	[sflag:s18] =	ssyncadd.s32 $0xFFFFFF80;
	s23 =	smov.u32 s24;
	s26 =	sadd.s32 $0x200, s24  }
0x5c: {  	[spmem:s1] =	stream.indirect.scatter.add.f32 [tilespmem:s16], [sflag:$0x1], $0x1, s25, s15, $0xb8;
	[tilespmem:$0x5800] =	vst v63  }
0x5d: {  	p0 =	sne.s32 s24, $0x9E00;
	s24 =	sadd.s32 $0x2800, s25  }
0x5e: {  	[spmem:s2] =	stream.indirect.scatter.add.f32 [tilespmem:s16], [sflag:$0x2], $0x1, s24, s15, $0xb8;
	[tilespmem:$0x5800] =	vst v63  }
.Ltmp0:
0x5f: {  	_ =	swait.ge [sflag:s17], $0x80;
	(pc) =	sbr.rel @p0 .LBB2_2-.Ltmp0, $4  }
0x60: {  	[sflag:s17] =	ssyncset.done $0x0  }
0x61: {  	[sflag:s17] =	ssyncadd.s32 $0xFFFFFF80  }
0x62: {  	_ =	swait.ge [sflag:s18], $0x80  }
0x63: {  	s24 =	smov.u32 s26;
	[sflag:s18] =	ssyncset.done $0x0  }
0x64: {  	s23 =	sshra.s32 s23, $0x2;
	[sflag:s18] =	ssyncadd.s32 $0xFFFFFF80  }
0x65: {  	[spmem:s1] =	stream.indirect.scatter.add.f32 [tilespmem:s16], [sflag:$0x1], $0x1, s23, s15, $0xb8;
	[tilespmem:$0x5800] =	vst v63  }
0x66: {  	s23 =	sadd.s32 $0x2800, s23  }
0x67: {  	[spmem:s2] =	stream.indirect.scatter.add.f32 [tilespmem:s16], [sflag:$0x2], $0x1, s23, s15, $0xb8;
	[tilespmem:$0x5800] =	vst v63  }
0x68: {  	_ =	swait.ge [sflag:s17], $0x80  }
0x69: {  	[sflag:s17] =	ssyncset.done $0x0  }
0x6a: {  	[sflag:s17] =	ssyncadd.s32 $0xFFFFFF80  }
0x6b: {  	_ =	swait.ge [sflag:s18], $0x80  }
0x6c: {  	[sflag:s18] =	ssyncset.done $0x0  }
0x6d: {  	[sflag:s18] =	ssyncadd.s32 $0xFFFFFF80  }
0x6e: {  	[bflag:$0x0] =	sbarrier.arrive $0xFFFF  }
0x6f: {  	[hbm:s8], [sflag:s19] =	dma.local [spmem:s20], $0x50  }
0x70: {  	s22 =	sadd.s32 $0x1, s22;
	_ =	swait.ge [sflag:s13], $0x50  }
0x71: {  	p0 =	sne.s32 s22, s10;
	[sflag:s13] =	ssyncset.done $0x0  }
.Ltmp1:
0x72: {  	[sflag:s13] =	ssyncadd.s32 $0xFFFFFFB0;
	(pc) =	sbr.rel @p0 .LBB2_1-.Ltmp1, $4  }
0x73: {  	[hbm:s11], [sflag:s19] =	dma.local [spmem:s21], $0x50  }
0x74: {  	_ =	swait.ge [sflag:s13], $0x50  }
0x75: {  	[sflag:s13] =	ssyncset.done $0x0  }
0x76: {  	[sflag:s13] =	ssyncadd.s32 $0xFFFFFFB0  }
0x77: {  	_ =	sfence.sel $0x180000  }
0x78: {  	[bflag:$0x0] =	sbarrier.arrive $0xFFFF  }
0x79: {  	p0 =	sne.s32 s3, $0x0;
	_ =	strace $0x90000047  }
0x7a: {  	s0 =	sadd.s32 @!p0 $0x100000, s0;
	[bflag:$0x2] =	sbarrier.arrive $0xFFFF  }
0x7b: {  	[sflag:s0] =	ssyncadd.tile.s32 @!p0 $0x1;
	_ =	shalt  }
.Lfunc_end2:
_tile_overlayer_lowered:
.L_overlay_start_2:
0x7c: {  	(tag) =	ssettag $0x2  }
0x7d: {  	s0 =	rddreg [dreg:$0x0];
	s2 =	stileid.u32  }
0x7e: {  	s1 =	rddreg [dreg:$0x1];
	p0 =	sne.s32 s2, $0x0  }
0x7f: {  	s3 =	rddreg [dreg:$0x2];
	[bflag:$0x3] =	sbarrier.arrive $0xFFFF;
	s2 =	simm.s32 @!p0 $0x1C03  }
0x80: {  	[timem:s3], [sflag:s2] =	dma.local @!p0 [hbm:s0], s1  }
0x81: {  	s0 =	simm.s32 @!p0 $0x3  }
0x82: {  	_ =	swait.ge @!p0 [sflag:s0], s1  }
0x83: {  	s1 =	ssub.s32 @!p0 $0x0, s1;
	[sflag:s0] =	ssyncset.done @!p0 $0x0  }
0x84: {  	[sflag:s0] =	ssyncadd.s32 @!p0 s1  }
0x85: {  	[bflag:$0x3] =	sbarrier.arrive $0xFFFF  }
0x86: {  	_ =	shalt  }

// kernel: kernel.13.cloned.1.call-start
scs
__scs_entry_jumppad:
0x0: {  	(pc) =	sbr.rel $0x88, $3  }
0x1: {  	(tag) =	ssettag $0x0;
	lr =	simm.s32 $0x1  }
0x2: {  	[smem:$0x3F92] =	sst lr;
	_ =	strace $0xD0000000  }
0x3: {  	_ = 	snop  }
0x4: {  	_ = 	snop  }
0x5: {  	_ = 	snop  }
0x6: {  	_ = 	snop  }
0x7: {  	_ = 	snop  }
__scs_overlays_trampoline_lowered:
0x8: {  	[smem:$0x3FA1] =	sst s0  }
0x9: {  	[smem:$0x3FA2] =	sst s1  }
0xa: {  	[smem:$0x3FA3] =	sst s2  }
0xb: {  	[smem:$0x3FA4] =	sst s3  }
0xc: {  	[smem:$0x3FA5] =	sst s4  }
0xd: {  	[smem:$0x3FA6] =	sst s5  }
0xe: {  	[smem:$0x3FA7] =	sst s6  }
0xf: {  	[smem:$0x3FA8] =	sst s7  }
0x10: {  	[smem:$0x3FA9] =	sst s8  }
0x11: {  	[smem:$0x3FAA] =	sst s9;
	s0 =	simm.s32 @!p0 $0x0  }
0x12: {  	s1 =	sld [smem:$0x3F90];
	s0 =	simm.s32 @p0 $0x1  }
0x13: {  	[smem:$0x3FAB] =	sst s0;
	s0 =	simm.s32 @!p1 $0x0  }
0x14: {  	s2 =	sld [smem:$0x3F8F];
	s0 =	simm.s32 @p1 $0x1  }
0x15: {  	[smem:$0x3FAC] =	sst s0;
	s0 =	simm.s32 @!p2 $0x0  }
0x16: {  	s3 =	sld [smem:$0x3FDB];
	s0 =	simm.s32 @p2 $0x1  }
0x17: {  	s4 =	simm.s32 $0x1BF5;
	[smem:$0x3FAE] =	sst s0  }
0x18: {  	s0 =	sld [smem:$0x3F91];
	_ =	swait.ge [sflag:s4], $0x0  }
0x19: {  	s7 =	sld [smem:$0x3F92]  }
0x1a: {  	s8 =	sadd.s32 $0xFFFFE003, lr  }
0x1b: {  	s9 =	sadd.s32 $0xFFFFFEF7, lr;
	s5 =	simm.s32 $0xFFFFFFFF;
	p2 =	slt.u32 s8, $0xFFFFF086  }
0x1c: {  	p1 =	slt.u32 s9, $0xF7A;
	s5 =	simm.s32 @!p2 $0x0  }
0x1d: {  	s5 =	simm.s32 @p1 $0x1;
	p0 =	seq.s32 s7, s2  }
0x1e: {  	s7 =	smul.u32 @!p0 $0xF7A, s2;
	p2 =	seq.s32 @!p0 s5, $0x0  }
0x1f: {  	s9 =	smul.u32 $0xF7A, s1;
	s8 =	simm.s32 @!p0 $0x1BF5;
	p2 =	por !p2, p0  }
0x20: {  	[sflag:s8] =	ssyncset.s32 @!p0 $0xFFFFF086;
	s6 =	sadd.s32 @!p0 s3, s7;
	s7 =	simm.s32 @!p0 $0x108  }
0x21: {  	s3 =	sadd.s32 s3, s9;
	s6 =	sadd.s32 @!p0 $0x88, s6;
	s7 =	simm.s32 @p2 $0x1082  }
0x22: {  	[simem:s7], [sflag:s8] =	dma.local @!p0 [hbm:s6], $0xF7A  }
0x23: {  	s9 =	sor.u32 $0xD0000000, s2;
	s6 =	simm.s32 $0x108;
	_ =	swait.ge @!p0 [sflag:s8], $0x0  }
0x24: {  	s3 =	sadd.s32 $0x88, s3;
	s6 =	simm.s32 @!p1 $0x1082;
	[sflag:s4] =	ssyncset.s32 $0xFFFFF086  }
0x25: {  	[simem:s6], [sflag:s4] =	dma.local [hbm:s3], $0xF7A  }
0x26: {  	[smem:$0x3F92] =	sst s1;
	(tag) =	ssettag s2;
	_ =	strace s9  }
0x27: {  	s1 =	sld [smem:$0x3FA2]  }
0x28: {  	s2 =	sld [smem:$0x3FA3]  }
0x29: {  	s4 =	sld [smem:$0x3FA5]  }
0x2a: {  	p0 =	seq.s32 s5, $0x0;
	s5 =	sld [smem:$0x3FA6]  }
0x2b: {  	s6 =	sld [smem:$0x3FA7]  }
0x2c: {  	s7 =	sld [smem:$0x3FA8]  }
0x2d: {  	s3 =	simm.s32 $0x108;
	s8 =	sld [smem:$0x3FA9]  }
0x2e: {  	s3 =	simm.s32 @!p0 $0x1082;
	s9 =	sld [smem:$0x3FAA]  }
0x2f: {  	lr =	sadd.s32 s0, s3;
	s0 =	sld [smem:$0x3FA1]  }
0x30: {  	s3 =	sld [smem:$0x3FA4]  }
0x31: {  	[smem:$0x3FAD] =	sst s10  }
0x32: {  	s10 =	sld [smem:$0x3FAB];
	_ =	sdelay $0x3  }
0x33: {  	p0 =	seq.s32 s10, $0x1;
	s10 =	sld [smem:$0x3FAD];
	_ =	sdelay $0x3  }
0x34: {  	[smem:$0x3FAD] =	sst s10  }
0x35: {  	s10 =	sld [smem:$0x3FAC];
	_ =	sdelay $0x3  }
0x36: {  	p1 =	seq.s32 s10, $0x1;
	s10 =	sld [smem:$0x3FAD];
	_ =	sdelay $0x3  }
0x37: {  	[smem:$0x3FAD] =	sst s10  }
0x38: {  	s10 =	sld [smem:$0x3FAE]  }
0x39: {  	_ = 	snop;
	(pc) =	sbr.ind lr, $3  }
0x3a: {  	_ = 	snop  }
0x3b: {  	_ = 	snop  }
0x3c: {  	p2 =	seq.s32 s10, $0x1;
	s10 =	sld [smem:$0x3FAD]  }
0x3d: {  	_ =	shalt  }
0x3e: {  	_ =	shalt  }
0x3f: {  	_ =	shalt  }
0x40: {  	_ =	shalt  }
0x41: {  	_ =	shalt  }
0x42: {  	_ =	shalt  }
0x43: {  	_ =	shalt  }
0x44: {  	_ =	shalt  }
0x45: {  	_ =	shalt  }
0x46: {  	_ =	shalt  }
0x47: {  	_ =	shalt  }
0x48: {  	_ =	shalt  }
0x49: {  	_ =	shalt  }
0x4a: {  	_ =	shalt  }
0x4b: {  	_ =	shalt  }
0x4c: {  	_ =	shalt  }
0x4d: {  	_ =	shalt  }
0x4e: {  	_ =	shalt  }
0x4f: {  	_ =	shalt  }
0x50: {  	_ =	shalt  }
0x51: {  	_ =	shalt  }
0x52: {  	_ =	shalt  }
0x53: {  	_ =	shalt  }
0x54: {  	_ =	shalt  }
0x55: {  	_ =	shalt  }
0x56: {  	_ =	shalt  }
0x57: {  	_ =	shalt  }
0x58: {  	_ =	shalt  }
0x59: {  	_ =	shalt  }
0x5a: {  	_ =	shalt  }
0x5b: {  	_ =	shalt  }
0x5c: {  	_ =	shalt  }
0x5d: {  	_ =	shalt  }
0x5e: {  	_ =	shalt  }
0x5f: {  	_ =	shalt  }
0x60: {  	_ =	shalt  }
0x61: {  	_ =	shalt  }
0x62: {  	_ =	shalt  }
0x63: {  	_ =	shalt  }
0x64: {  	_ =	shalt  }
0x65: {  	_ =	shalt  }
0x66: {  	_ =	shalt  }
0x67: {  	_ =	shalt  }
0x68: {  	_ =	shalt  }
0x69: {  	_ =	shalt  }
0x6a: {  	_ =	shalt  }
0x6b: {  	_ =	shalt  }
0x6c: {  	_ =	shalt  }
0x6d: {  	_ =	shalt  }
0x6e: {  	_ =	shalt  }
0x6f: {  	_ =	shalt  }
0x70: {  	_ =	shalt  }
0x71: {  	_ =	shalt  }
0x72: {  	_ =	shalt  }
0x73: {  	_ =	shalt  }
0x74: {  	_ =	shalt  }
0x75: {  	_ =	shalt  }
0x76: {  	_ =	shalt  }
0x77: {  	_ =	shalt  }
0x78: {  	_ =	shalt  }
0x79: {  	_ =	shalt  }
0x7a: {  	_ =	shalt  }
0x7b: {  	_ =	shalt  }
0x7c: {  	_ =	shalt  }
0x7d: {  	_ =	shalt  }
0x7e: {  	_ =	shalt  }
0x7f: {  	_ =	shalt  }
0x80: {  	_ =	shalt  }
0x81: {  	_ =	shalt  }
0x82: {  	_ =	shalt  }
0x83: {  	_ =	shalt  }
0x84: {  	_ =	shalt  }
0x85: {  	_ =	shalt  }
0x86: {  	_ =	shalt  }
0x87: {  	_ =	shalt  }
.Lfunc_end0:
.L_simem_size_0:
called_computation.1_lowered:
.L_overlay_start_0:
0x88: {  	s2 =	sld [smem:$0x3FD9]  }
0x89: {  	s3 =	sld [smem:$0x3FFE];
	_ =	sdelay $0x1  }
0x8a: {  	s1 =	srdreg.scid  }
0x8b: {  	s0 =	sand.u32 $0x1, s1  }
0x8c: {  	s16 =	sshll.u32 s0, $0xA;
	s2 =	sadd.s32 s3, s2  }
0x8d: {  	s2 =	sadd.s32 s2, s16  }
0x8e: {  	[smem:$0x3FB9] =	sst s2  }
0x8f: {  	_ = 	snop  }
0x90: {  	(tm) =	ssettm $0x1  }
0x91: {  	s17 =	sld [smem:$0x3FFB];
	_ =	sdelay $0x3  }
0x92: {  	_ =	strace s17  }
0x93: {  	s2 =	sld [smem:$0x3FFC];
	_ =	sdelay $0x3  }
0x94: {  	_ =	strace s2  }
0x95: {  	s2 =	sld [smem:$0x3FFD];
	_ =	sdelay $0x3  }
0x96: {  	_ =	strace s2  }
0x97: {  	_ =	strace $0x8FFFFFFF  }
0x98: {  	s18 =	sld [smem:$0x3FDB];
	_ =	sdelay $0x1  }
0x99: {  	s19 =	simm.s32 $_scs_section_size  }
0x9a: {  	s4 =	simm.s32 $_size__tile_overlayer_lowered;
	s5 =	simm.s32 $_tile_overlayer_lowered  }
0x9b: {  	s22 =	simm.s32 $0x1BFF;
	s21 =	sshll.u32 s5, $0x1;
	s2 =	sadd.s32 s19, s18  }
0x9c: {  	s6 =	simm.s32 $0x0;
	s20 =	sshll.u32 s4, $0x1;
	s4 =	sadd.s32 s21, s2  }
0x9d: {  	[timem:s6], [sflag:s22] =	dma.local [hbm:s4], s20  }
0x9e: {  	_ =	swait.ge [sflag:s22], s20  }
0x9f: {  	s3 =	ssub.s32 $0x0, s20;
	[sflag:s22] =	ssyncset.done $0x0  }
0xa0: {  	[sflag:s22] =	ssyncadd.s32 s3;
	_ =	sdelay $0x1  }
0xa1: {  	s23 =	simm.s32 $0x1B8B  }
0xa2: {  	_ =	swait.ge [sflag:s23], $0x1  }
0xa3: {  	[sflag:s23] =	ssyncset.done $0x0  }
0xa4: {  	s25 =	simm.s32 $0x1B8E;
	s24 =	sld [smem:$0x3FFE];
	[sflag:s23] =	ssyncadd.s32 $0xFFFFFFFF  }
0xa5: {  	s26 =	simm.s32 $execute0_lowered;
	[smem:$0x3FD2] =	sst s25  }
0xa6: {  	s4 =	sshll.u32 s26, $0x1;
	_ =	strace $0x80000049;
	[dreg:$0x1] =	wrdreg $0xFFFFFFFF  }
0xa7: {  	s28 =	simm.s32 $_size_execute0_lowered;
	s2 =	sadd.s32 s2, s4;
	[dreg:$0x0] =	wrdreg $0x0  }
0xa8: {  	s4 =	sshll.u32 s28, $0x1;
	[dreg:$0x2] =	wrdreg s2  }
0xa9: {  	[dreg:$0x3] =	wrdreg s4  }
0xaa: {  	[dreg:$0x4] =	wrdreg $0xC0  }
0xab: {  	_ =	task [dreg:s6], $0x5FFFF  }
0xac: {  	[dreg:$0x1] =	wrdreg $0xFFFFFFFF  }
0xad: {  	[dreg:$0x0] =	wrdreg $0x60  }
0xae: {  	[dreg:$0x2] =	wrdreg s24  }
0xaf: {  	[dreg:$0x3] =	wrdreg $0xA8000  }
0xb0: {  	[dreg:$0x4] =	wrdreg $0x9  }
0xb1: {  	_ =	task.clear_ibuf [dreg:s6], $0x5FFFF;
	_ =	strace $0x90000049  }
0xb2: {  	s29 =	simm.s32 $0x9;
	_ =	strace $0x8000004B  }
0xb3: {  	_ =	swait.ge [sflag:s29], $0x1  }
0xb4: {  	[sflag:s29] =	ssyncadd.s32 $0xFFFFFFFF  }
0xb5: {  	_ =	strace $0x9000004B  }
0xb6: {  	_ =	sfence  }
0xb7: {  	s30 =	sld [smem:$0x0];
	_ =	sdelay $0x2  }
0xb8: {  	s31 =	sshll.u32 s1, $0xD;
	s1 =	sshrl.u32 s1, $0x2  }
0xb9: {  	s3 =	sand.u32 $0x4000, s31;
	s1 =	sadd.s32 s1, s30  }
0xba: {  	s0 =	sor.u32 s3, s0;
	s1 =	sshll.u32 s1, $0x11  }
0xbb: {  	s0 =	sor.u32 s1, s0  }
0xbc: {  	s0 =	sadd.s32 $0x8F2B, s0  }
0xbd: {  	[sflag:s0] =	ssyncadd.remote.s32 $0x1  }
0xbe: {  	_ =	sfence.sel $0xFFFF  }
0xbf: {  	[dreg:$0x0] =	wrdreg $0xFFFFFFFF;
	(pc) =	sbr.abs _section_cstart, $3  }
0xc0: {  	[dreg:$0x1] =	wrdreg $0xFFFFFFFF  }
0xc1: {  	_ =	task.clear_ibuf [dreg:s6], $0x2FFFF;
	_ =	strace $0x9FFFFFFF  }
0xc2: {  	(tm) =	ssettm $0x7FFFFFFF  }
0xc3: {  	_ =	shalt  }
tec
execute0_lowered:
.L_overlay_start_1:
0x0: {  	(tag) =	ssettag $0x1  }
0x1: {  	s5 =	rddreg [dreg:$0x0]  }
0x2: {  	s1 =	rddreg [dreg:$0x1]  }
0x3: {  	s2 =	srdreg.scid;
	s0 =	rddreg [dreg:$0x2];
	s3 =	simm.s32 $0x0  }
0x4: {  	s18 =	simm.s32 $0x6800;
	s19 =	simm.s32 $0x1;
	s20 =	simm.s32 $0x2  }
0x5: {  	s21 =	simm.s32 $0x1380;
	s22 =	simm.s32 $0x2700;
	s23 =	simm.s32 $0x2780  }
0x6: {  	s24 =	simm.s32 $0x0;
	s9 =	sand.u32 $0x1, s2;
	s2 =	stileid.u32  }
0x7: {  	[smem:$0x7FF] =	sst s3;
	s8 =	sadd.s32 $0xF000, s5;
	s11 =	sadd.s32 $0x5000, s5  }
0x8: {  	s4 =	sshll.u32 s9, $0x4;
	s6 =	smul.u32 $0x2800, s2;
	_ =	strace $0x8000004A  }
0x9: {  	s12 =	ssub.s32 $0x2, s9;
	s13 =	smul.u32 $0x50000, s2;
	p0 =	seq.s32 s9, $0x1  }
0xa: {  	s16 =	sshll.u32 s2, $0x6;
	s7 =	sor.u32 s2, s4;
	s4 =	sadd.s32 $0x19000, s5  }
0xb: {  	s14 =	sshrl.u32 s12, $0x1;
	s16 =	sor.u32 $0x1C03, s16;
	s10 =	smul.u32 $0x500, s7  }
0xc: {  	s7 =	smul.u32 $0x2800, s7;
	s15 =	sadd.s32 s6, s5;
	s12 =	ssub.s32 s12, s14  }
0xd: {  	s29 =	sshrl.u32 s13, $0x2;
	s13 =	simm.s32 $0x91000;
	s14 =	simm.s32 $0x80  }
0xe: {  	s17 =	sadd.s32 s29, s1;
	s13 =	simm.s32 @!p0 $0x69000;
	s5 =	sadd.s32 s8, s10  }
0xf: {  	s6 =	sadd.s32 s11, s10;
	s30 =	sshrl.u32 s7, $0x3;
	s7 =	sadd.s32 $0x41000, s15  }
0x10: {  	s10 =	smax.u32 s12, $0x1;
	s12 =	simm.s32 $0x3;
	s31 =	sadd.s32 $0x280, s30  }
0x11: {  	s17 =	sshrl.u32 s17, $0x3;
	s8 =	sadd.s32 s8, s31;
	s9 =	sadd.s32 s11, s31  }
0x12: {  	s11 =	sadd.s32 s13, s15;
	s13 =	simm.s32 $0x1400;
	s15 =	simm.s32 $0x2800  }
.LBB2_1:
0x13: {  	[tilespmem:s3], [sflag:$0x3] =	stream.linear.gather [hbm4b:s5+s3], $0x1400, $0x38;
	[tilespmem:$0x1E800] =	vst v63  }
0x14: {  	_ =	swait.ge [sflag:s12], $0x1400  }
0x15: {  	[sflag:s12] =	ssyncset.done $0x0  }
0x16: {  	[sflag:s12] =	ssyncadd.s32 $0xFFFFEC00  }
0x17: {  	[tilespmem:s13], [sflag:$0x3] =	stream.linear.gather [hbm4b:s6+s3], $0x1400, $0x38;
	[tilespmem:$0x1E800] =	vst v63  }
0x18: {  	_ =	swait.ge [sflag:s12], $0x1400  }
0x19: {  	[sflag:s12] =	ssyncset.done $0x0  }
0x1a: {  	[sflag:s12] =	ssyncadd.s32 $0xFFFFEC00  }
0x1b: {  	[tilespmem:s15], [sflag:$0x1] =	stream.indirect.gather [hbm4b:s4+s14], $0x80, s3, s14, $0xb8;
	[tilespmem:$0x1E800] =	vst v63  }
0x1c: {  	[spmem:s17], [sflag:s16] =	dma.local [hbm:s7], $0x2800  }
0x1d: {  	_ =	swait.ge [sflag:s12], $0x2800  }
0x1e: {  	[sflag:s12] =	ssyncset.done $0x0  }
0x1f: {  	[sflag:s12] =	ssyncadd.s32 $0xFFFFD800  }
0x20: {  	s25 =	simm.s32 $0x80;
	[bflag:$0x0] =	sbarrier.arrive $0xFFFF  }
0x21: {  	[tilespmem:s18], [sflag:$0x2] =	stream.indirect.gather [hbm4b:s4+s14], $0x80, s25, s14, $0xb8;
	[tilespmem:$0x1E800] =	vst v63  }
0x22: {  	_ =	swait.ge [sflag:s19], $0x4000  }
0x23: {  	[sflag:s19] =	ssyncset.done $0x0  }
0x24: {  	s29 =	simm.s32 $0x1400;
	[sflag:s19] =	ssyncadd.s32 $0xFFFFC000  }
0x25: {  	[spmem:s1] =	stream.indirect.scatter.add.f32 [tilespmem:s15], [sflag:$0x3], $0x80, s29, s14, $0xb8;
	[tilespmem:$0x1E800] =	vst v63  }
0x26: {  	_ =	swait.ge [sflag:s12], $0x4000  }
0x27: {  	[sflag:s12] =	ssyncset.done $0x0  }
0x28: {  	s30 =	simm.s32 $0x100;
	[sflag:s12] =	ssyncadd.s32 $0xFFFFC000  }
0x29: {  	[tilespmem:s15], [sflag:$0x1] =	stream.indirect.gather [hbm4b:s4+s14], $0x80, s30, s14, $0xb8;
	[tilespmem:$0x1E800] =	vst v63  }
0x2a: {  	_ =	swait.ge [sflag:s20], $0x4000  }
0x2b: {  	[sflag:s20] =	ssyncset.done $0x0  }
0x2c: {  	s31 =	simm.s32 $0x1480;
	[sflag:s20] =	ssyncadd.s32 $0xFFFFC000  }
0x2d: {  	[spmem:s1] =	stream.indirect.scatter.add.f32 [tilespmem:s18], [sflag:$0x3], $0x80, s31, s14, $0xb8;
	[tilespmem:$0x1E800] =	vst v63  }
0x2e: {  	_ =	swait.ge [sflag:s12], $0x4000  }
0x2f: {  	s26 =	simm.s32 $0x800;
	s25 =	simm.s32 $0x100;
	[sflag:s12] =	ssyncset.done $0x0  }
.LBB2_2:
0x30: {  	s28 =	sadd.s32 $0x80, s25  }
0x31: {  	[sflag:s12] =	ssyncadd.s32 $0xFFFFC000;
	s29 =	smov.u32 s26;
	s30 =	sadd.s32 $0x400, s26  }
0x32: {  	[tilespmem:s18], [sflag:$0x2] =	stream.indirect.gather [hbm4b:s4+s14], $0x80, s28, s14, $0xb8;
	[tilespmem:$0x1E800] =	vst v63  }
0x33: {  	p0 =	sne.s32 s26, $0x4800;
	_ =	swait.ge [sflag:s19], $0x4000  }
0x34: {  	[sflag:s19] =	ssyncset.done $0x0  }
0x35: {  	s26 =	sadd.s32 $0x1400, s25;
	[sflag:s19] =	ssyncadd.s32 $0xFFFFC000  }
0x36: {  	[spmem:s1] =	stream.indirect.scatter.add.f32 [tilespmem:s15], [sflag:$0x3], $0x80, s26, s14, $0xb8;
	[tilespmem:$0x1E800] =	vst v63  }
0x37: {  	_ =	swait.ge [sflag:s12], $0x4000  }
0x38: {  	[sflag:s12] =	ssyncset.done $0x0  }
0x39: {  	s26 =	sadd.s32 $0x100, s25;
	[sflag:s12] =	ssyncadd.s32 $0xFFFFC000  }
0x3a: {  	[tilespmem:s15], [sflag:$0x1] =	stream.indirect.gather [hbm4b:s4+s14], $0x80, s26, s14, $0xb8;
	[tilespmem:$0x1E800] =	vst v63  }
0x3b: {  	_ =	swait.ge [sflag:s20], $0x4000  }
.Ltmp0:
0x3c: {  	[sflag:s20] =	ssyncset.done $0x0;
	(pc) =	sbr.rel @p0 .LBB2_2-.Ltmp0, $4  }
0x3d: {  	s25 =	sadd.s32 $0x1480, s25;
	[sflag:s20] =	ssyncadd.s32 $0xFFFFC000  }
0x3e: {  	[spmem:s1] =	stream.indirect.scatter.add.f32 [tilespmem:s18], [sflag:$0x3], $0x80, s25, s14, $0xb8;
	[tilespmem:$0x1E800] =	vst v63  }
0x3f: {  	_ =	swait.ge [sflag:s12], $0x4000  }
0x40: {  	s26 =	smov.u32 s30;
	s25 =	sshra.s32 s29, $0x2;
	[sflag:s12] =	ssyncset.done $0x0  }
0x41: {  	s26 =	sadd.s32 $0x80, s25;
	[sflag:s12] =	ssyncadd.s32 $0xFFFFC000  }
0x42: {  	[tilespmem:s18], [sflag:$0x2] =	stream.indirect.gather [hbm4b:s4+s14], $0x80, s26, s14, $0xb8;
	[tilespmem:$0x1E800] =	vst v63  }
0x43: {  	_ =	swait.ge [sflag:s19], $0x4000  }
0x44: {  	[sflag:s19] =	ssyncset.done $0x0  }
0x45: {  	s29 =	sadd.s32 $0x1400, s25;
	[sflag:s19] =	ssyncadd.s32 $0xFFFFC000  }
0x46: {  	[spmem:s1] =	stream.indirect.scatter.add.f32 [tilespmem:s15], [sflag:$0x3], $0x80, s29, s14, $0xb8;
	[tilespmem:$0x1E800] =	vst v63  }
0x47: {  	_ =	swait.ge [sflag:s12], $0x4000  }
0x48: {  	[sflag:s12] =	ssyncset.done $0x0  }
0x49: {  	s30 =	sadd.s32 $0x100, s25;
	[sflag:s12] =	ssyncadd.s32 $0xFFFFC000  }
0x4a: {  	[tilespmem:s15], [sflag:$0x1] =	stream.indirect.gather [hbm4b:s4+s14], $0x80, s30, s14, $0xb8;
	[tilespmem:$0x1E800] =	vst v63  }
0x4b: {  	_ =	swait.ge [sflag:s20], $0x4000  }
0x4c: {  	[sflag:s20] =	ssyncset.done $0x0  }
0x4d: {  	s31 =	sadd.s32 $0x1480, s25;
	[sflag:s20] =	ssyncadd.s32 $0xFFFFC000  }
0x4e: {  	[spmem:s1] =	stream.indirect.scatter.add.f32 [tilespmem:s18], [sflag:$0x3], $0x80, s31, s14, $0xb8;
	[tilespmem:$0x1E800] =	vst v63  }
0x4f: {  	_ =	swait.ge [sflag:s12], $0x4000  }
0x50: {  	[sflag:s12] =	ssyncset.done $0x0  }
0x51: {  	[sflag:s12] =	ssyncadd.s32 $0xFFFFC000  }
0x52: {  	[tilespmem:s18], [sflag:$0x2] =	stream.indirect.gather [hbm4b:s4+s14], $0x80, s21, s14, $0xb8;
	[tilespmem:$0x1E800] =	vst v63  }
0x53: {  	_ =	swait.ge [sflag:s19], $0x4000  }
0x54: {  	[sflag:s19] =	ssyncset.done $0x0  }
0x55: {  	[sflag:s19] =	ssyncadd.s32 $0xFFFFC000  }
0x56: {  	[spmem:s1] =	stream.indirect.scatter.add.f32 [tilespmem:s15], [sflag:$0x3], $0x80, s22, s14, $0xb8;
	[tilespmem:$0x1E800] =	vst v63  }
0x57: {  	_ =	swait.ge [sflag:s12], $0x4000  }
0x58: {  	[sflag:s12] =	ssyncset.done $0x0  }
0x59: {  	[sflag:s12] =	ssyncadd.s32 $0xFFFFC000  }
0x5a: {  	_ =	swait.ge [sflag:s20], $0x4000  }
0x5b: {  	[sflag:s20] =	ssyncset.done $0x0  }
0x5c: {  	[sflag:s20] =	ssyncadd.s32 $0xFFFFC000  }
0x5d: {  	[spmem:s1] =	stream.indirect.scatter.add.f32 [tilespmem:s18], [sflag:$0x3], $0x80, s23, s14, $0xb8;
	[tilespmem:$0x1E800] =	vst v63  }
0x5e: {  	_ =	swait.ge [sflag:s12], $0x4000  }
0x5f: {  	[sflag:s12] =	ssyncset.done $0x0  }
0x60: {  	s26 =	simm.s32 $0x0;
	[sflag:s12] =	ssyncadd.s32 $0xFFFFC000  }
0x61: {  	[tilespmem:s26], [sflag:$0x3] =	stream.linear.gather [hbm4b:s8+s26], $0x1400, $0x38;
	[tilespmem:$0x1E800] =	vst v63  }
0x62: {  	_ =	swait.ge [sflag:s12], $0x1400  }
0x63: {  	[sflag:s12] =	ssyncset.done $0x0  }
0x64: {  	[sflag:s12] =	ssyncadd.s32 $0xFFFFEC00  }
0x65: {  	[tilespmem:s13], [sflag:$0x3] =	stream.linear.gather [hbm4b:s9+s26], $0x1400, $0x38;
	[tilespmem:$0x1E800] =	vst v63  }
0x66: {  	_ =	swait.ge [sflag:s12], $0x1400  }
0x67: {  	[sflag:s12] =	ssyncset.done $0x0  }
0x68: {  	[sflag:s12] =	ssyncadd.s32 $0xFFFFEC00  }
0x69: {  	[tilespmem:s15], [sflag:$0x1] =	stream.indirect.gather [hbm4b:s4+s14], $0x80, s26, s14, $0xb8;
	[tilespmem:$0x1E800] =	vst v63  }
0x6a: {  	s28 =	simm.s32 $0x80  }
0x6b: {  	[tilespmem:s18], [sflag:$0x2] =	stream.indirect.gather [hbm4b:s4+s14], $0x80, s28, s14, $0xb8;
	[tilespmem:$0x1E800] =	vst v63  }
0x6c: {  	_ =	swait.ge [sflag:s19], $0x4000  }
0x6d: {  	[sflag:s19] =	ssyncset.done $0x0  }
0x6e: {  	s29 =	simm.s32 $0x1400;
	[sflag:s19] =	ssyncadd.s32 $0xFFFFC000  }
0x6f: {  	[spmem:s1] =	stream.indirect.scatter.add.f32 [tilespmem:s15], [sflag:$0x3], $0x80, s29, s14, $0xb8;
	[tilespmem:$0x1E800] =	vst v63  }
0x70: {  	_ =	swait.ge [sflag:s12], $0x4000  }
0x71: {  	[sflag:s12] =	ssyncset.done $0x0  }
0x72: {  	s30 =	simm.s32 $0x100;
	[sflag:s12] =	ssyncadd.s32 $0xFFFFC000  }
0x73: {  	[tilespmem:s15], [sflag:$0x1] =	stream.indirect.gather [hbm4b:s4+s14], $0x80, s30, s14, $0xb8;
	[tilespmem:$0x1E800] =	vst v63  }
0x74: {  	_ =	swait.ge [sflag:s20], $0x4000  }
0x75: {  	[sflag:s20] =	ssyncset.done $0x0  }
0x76: {  	s31 =	simm.s32 $0x1480;
	[sflag:s20] =	ssyncadd.s32 $0xFFFFC000  }
0x77: {  	[spmem:s1] =	stream.indirect.scatter.add.f32 [tilespmem:s18], [sflag:$0x3], $0x80, s31, s14, $0xb8;
	[tilespmem:$0x1E800] =	vst v63  }
0x78: {  	_ =	swait.ge [sflag:s12], $0x4000  }
0x79: {  	s25 =	simm.s32 $0x100;
	s26 =	simm.s32 $0x800;
	[sflag:s12] =	ssyncset.done $0x0  }
.LBB2_4:
0x7a: {  	s28 =	sadd.s32 $0x80, s25  }
0x7b: {  	[sflag:s12] =	ssyncadd.s32 $0xFFFFC000;
	s29 =	smov.u32 s26;
	s30 =	sadd.s32 $0x400, s26  }
0x7c: {  	[tilespmem:s18], [sflag:$0x2] =	stream.indirect.gather [hbm4b:s4+s14], $0x80, s28, s14, $0xb8;
	[tilespmem:$0x1E800] =	vst v63  }
0x7d: {  	p0 =	sne.s32 s26, $0x4800;
	_ =	swait.ge [sflag:s19], $0x4000  }
0x7e: {  	[sflag:s19] =	ssyncset.done $0x0  }
0x7f: {  	s26 =	sadd.s32 $0x1400, s25;
	[sflag:s19] =	ssyncadd.s32 $0xFFFFC000  }
0x80: {  	[spmem:s1] =	stream.indirect.scatter.add.f32 [tilespmem:s15], [sflag:$0x3], $0x80, s26, s14, $0xb8;
	[tilespmem:$0x1E800] =	vst v63  }
0x81: {  	_ =	swait.ge [sflag:s12], $0x4000  }
0x82: {  	[sflag:s12] =	ssyncset.done $0x0  }
0x83: {  	s26 =	sadd.s32 $0x100, s25;
	[sflag:s12] =	ssyncadd.s32 $0xFFFFC000  }
0x84: {  	[tilespmem:s15], [sflag:$0x1] =	stream.indirect.gather [hbm4b:s4+s14], $0x80, s26, s14, $0xb8;
	[tilespmem:$0x1E800] =	vst v63  }
0x85: {  	_ =	swait.ge [sflag:s20], $0x4000  }
.Ltmp1:
0x86: {  	[sflag:s20] =	ssyncset.done $0x0;
	(pc) =	sbr.rel @p0 .LBB2_4-.Ltmp1, $4  }
0x87: {  	s25 =	sadd.s32 $0x1480, s25;
	[sflag:s20] =	ssyncadd.s32 $0xFFFFC000  }
0x88: {  	[spmem:s1] =	stream.indirect.scatter.add.f32 [tilespmem:s18], [sflag:$0x3], $0x80, s25, s14, $0xb8;
	[tilespmem:$0x1E800] =	vst v63  }
0x89: {  	_ =	swait.ge [sflag:s12], $0x4000  }
0x8a: {  	s26 =	smov.u32 s30;
	s25 =	sshra.s32 s29, $0x2;
	[sflag:s12] =	ssyncset.done $0x0  }
0x8b: {  	s26 =	sadd.s32 $0x80, s25;
	[sflag:s12] =	ssyncadd.s32 $0xFFFFC000  }
0x8c: {  	[tilespmem:s18], [sflag:$0x2] =	stream.indirect.gather [hbm4b:s4+s14], $0x80, s26, s14, $0xb8;
	[tilespmem:$0x1E800] =	vst v63  }
0x8d: {  	_ =	swait.ge [sflag:s19], $0x4000  }
0x8e: {  	[sflag:s19] =	ssyncset.done $0x0  }
0x8f: {  	s29 =	sadd.s32 $0x1400, s25;
	[sflag:s19] =	ssyncadd.s32 $0xFFFFC000  }
0x90: {  	[spmem:s1] =	stream.indirect.scatter.add.f32 [tilespmem:s15], [sflag:$0x3], $0x80, s29, s14, $0xb8;
	[tilespmem:$0x1E800] =	vst v63  }
0x91: {  	_ =	swait.ge [sflag:s12], $0x4000  }
0x92: {  	[sflag:s12] =	ssyncset.done $0x0  }
0x93: {  	s30 =	sadd.s32 $0x100, s25;
	[sflag:s12] =	ssyncadd.s32 $0xFFFFC000  }
0x94: {  	[tilespmem:s15], [sflag:$0x1] =	stream.indirect.gather [hbm4b:s4+s14], $0x80, s30, s14, $0xb8;
	[tilespmem:$0x1E800] =	vst v63  }
0x95: {  	_ =	swait.ge [sflag:s20], $0x4000  }
0x96: {  	[sflag:s20] =	ssyncset.done $0x0  }
0x97: {  	s31 =	sadd.s32 $0x1480, s25;
	[sflag:s20] =	ssyncadd.s32 $0xFFFFC000  }
0x98: {  	[spmem:s1] =	stream.indirect.scatter.add.f32 [tilespmem:s18], [sflag:$0x3], $0x80, s31, s14, $0xb8;
	[tilespmem:$0x1E800] =	vst v63  }
0x99: {  	_ =	swait.ge [sflag:s12], $0x4000  }
0x9a: {  	[sflag:s12] =	ssyncset.done $0x0  }
0x9b: {  	[sflag:s12] =	ssyncadd.s32 $0xFFFFC000  }
0x9c: {  	[tilespmem:s18], [sflag:$0x2] =	stream.indirect.gather [hbm4b:s4+s14], $0x80, s21, s14, $0xb8;
	[tilespmem:$0x1E800] =	vst v63  }
0x9d: {  	_ =	swait.ge [sflag:s19], $0x4000  }
0x9e: {  	[sflag:s19] =	ssyncset.done $0x0  }
0x9f: {  	[sflag:s19] =	ssyncadd.s32 $0xFFFFC000  }
0xa0: {  	[spmem:s1] =	stream.indirect.scatter.add.f32 [tilespmem:s15], [sflag:$0x3], $0x80, s22, s14, $0xb8;
	[tilespmem:$0x1E800] =	vst v63  }
0xa1: {  	_ =	swait.ge [sflag:s12], $0x4000  }
0xa2: {  	[sflag:s12] =	ssyncset.done $0x0  }
0xa3: {  	[sflag:s12] =	ssyncadd.s32 $0xFFFFC000  }
0xa4: {  	_ =	swait.ge [sflag:s20], $0x4000  }
0xa5: {  	[sflag:s20] =	ssyncset.done $0x0  }
0xa6: {  	[sflag:s20] =	ssyncadd.s32 $0xFFFFC000  }
0xa7: {  	[spmem:s1] =	stream.indirect.scatter.add.f32 [tilespmem:s18], [sflag:$0x3], $0x80, s23, s14, $0xb8;
	[tilespmem:$0x1E800] =	vst v63  }
0xa8: {  	_ =	swait.ge [sflag:s12], $0x4000  }
0xa9: {  	s24 =	sadd.s32 $0x1, s24;
	[sflag:s12] =	ssyncset.done $0x0  }
0xaa: {  	p0 =	sne.s32 s24, s10;
	[sflag:s12] =	ssyncadd.s32 $0xFFFFC000  }
.Ltmp2:
0xab: {  	[bflag:$0x0] =	sbarrier.arrive $0xFFFF;
	(pc) =	sbr.rel @p0 .LBB2_1-.Ltmp2, $4  }
0xac: {  	[hbm:s11], [sflag:s16] =	dma.local [spmem:s17], $0x2800  }
0xad: {  	_ =	swait.ge [sflag:s12], $0x2800  }
0xae: {  	[sflag:s12] =	ssyncset.done $0x0  }
0xaf: {  	[sflag:s12] =	ssyncadd.s32 $0xFFFFD800  }
0xb0: {  	_ =	sfence.sel $0x180000  }
0xb1: {  	[bflag:$0x0] =	sbarrier.arrive $0xFFFF  }
0xb2: {  	p0 =	sne.s32 s2, $0x0;
	_ =	strace $0x9000004A  }
0xb3: {  	s0 =	sadd.s32 @!p0 $0x100000, s0;
	[bflag:$0x2] =	sbarrier.arrive $0xFFFF  }
0xb4: {  	[sflag:s0] =	ssyncadd.tile.s32 @!p0 $0x1;
	_ =	shalt  }
.Lfunc_end2:
_tile_overlayer_lowered:
.L_overlay_start_2:
0xb5: {  	(tag) =	ssettag $0x2  }
0xb6: {  	s0 =	rddreg [dreg:$0x0];
	s2 =	stileid.u32  }
0xb7: {  	s1 =	rddreg [dreg:$0x1];
	p0 =	sne.s32 s2, $0x0  }
0xb8: {  	s3 =	rddreg [dreg:$0x2];
	[bflag:$0x3] =	sbarrier.arrive $0xFFFF;
	s2 =	simm.s32 @!p0 $0x1C03  }
0xb9: {  	[timem:s3], [sflag:s2] =	dma.local @!p0 [hbm:s0], s1  }
0xba: {  	s0 =	simm.s32 @!p0 $0x3  }
0xbb: {  	_ =	swait.ge @!p0 [sflag:s0], s1  }
0xbc: {  	s1 =	ssub.s32 @!p0 $0x0, s1;
	[sflag:s0] =	ssyncset.done @!p0 $0x0  }
0xbd: {  	[sflag:s0] =	ssyncadd.s32 @!p0 s1  }
0xbe: {  	[bflag:$0x3] =	sbarrier.arrive $0xFFFF  }
0xbf: {  	_ =	shalt  }

// kernel: kernel.16.cloned.1.call-start
scs
__scs_entry_jumppad:
0x0: {  	(pc) =	sbr.rel $0x88, $3  }
0x1: {  	(tag) =	ssettag $0x0;
	lr =	simm.s32 $0x1  }
0x2: {  	[smem:$0x3F92] =	sst lr;
	_ =	strace $0xD0000000  }
0x3: {  	_ = 	snop  }
0x4: {  	_ = 	snop  }
0x5: {  	_ = 	snop  }
0x6: {  	_ = 	snop  }
0x7: {  	_ = 	snop  }
__scs_overlays_trampoline_lowered:
0x8: {  	[smem:$0x3FA1] =	sst s0  }
0x9: {  	[smem:$0x3FA2] =	sst s1  }
0xa: {  	[smem:$0x3FA3] =	sst s2  }
0xb: {  	[smem:$0x3FA4] =	sst s3  }
0xc: {  	[smem:$0x3FA5] =	sst s4  }
0xd: {  	[smem:$0x3FA6] =	sst s5  }
0xe: {  	[smem:$0x3FA7] =	sst s6  }
0xf: {  	[smem:$0x3FA8] =	sst s7  }
0x10: {  	[smem:$0x3FA9] =	sst s8  }
0x11: {  	[smem:$0x3FAA] =	sst s9;
	s0 =	simm.s32 @!p0 $0x0  }
0x12: {  	s1 =	sld [smem:$0x3F90];
	s0 =	simm.s32 @p0 $0x1  }
0x13: {  	[smem:$0x3FAB] =	sst s0;
	s0 =	simm.s32 @!p1 $0x0  }
0x14: {  	s2 =	sld [smem:$0x3F8F];
	s0 =	simm.s32 @p1 $0x1  }
0x15: {  	[smem:$0x3FAC] =	sst s0;
	s0 =	simm.s32 @!p2 $0x0  }
0x16: {  	s3 =	sld [smem:$0x3FDB];
	s0 =	simm.s32 @p2 $0x1  }
0x17: {  	s4 =	simm.s32 $0x1BF5;
	[smem:$0x3FAE] =	sst s0  }
0x18: {  	s0 =	sld [smem:$0x3F91];
	_ =	swait.ge [sflag:s4], $0x0  }
0x19: {  	s7 =	sld [smem:$0x3F92]  }
0x1a: {  	s8 =	sadd.s32 $0xFFFFE003, lr  }
0x1b: {  	s9 =	sadd.s32 $0xFFFFFEF7, lr;
	s5 =	simm.s32 $0xFFFFFFFF;
	p2 =	slt.u32 s8, $0xFFFFF086  }
0x1c: {  	p1 =	slt.u32 s9, $0xF7A;
	s5 =	simm.s32 @!p2 $0x0  }
0x1d: {  	s5 =	simm.s32 @p1 $0x1;
	p0 =	seq.s32 s7, s2  }
0x1e: {  	s7 =	smul.u32 @!p0 $0xF7A, s2;
	p2 =	seq.s32 @!p0 s5, $0x0  }
0x1f: {  	s9 =	smul.u32 $0xF7A, s1;
	s8 =	simm.s32 @!p0 $0x1BF5;
	p2 =	por !p2, p0  }
0x20: {  	[sflag:s8] =	ssyncset.s32 @!p0 $0xFFFFF086;
	s6 =	sadd.s32 @!p0 s3, s7;
	s7 =	simm.s32 @!p0 $0x108  }
0x21: {  	s3 =	sadd.s32 s3, s9;
	s6 =	sadd.s32 @!p0 $0x88, s6;
	s7 =	simm.s32 @p2 $0x1082  }
0x22: {  	[simem:s7], [sflag:s8] =	dma.local @!p0 [hbm:s6], $0xF7A  }
0x23: {  	s9 =	sor.u32 $0xD0000000, s2;
	s6 =	simm.s32 $0x108;
	_ =	swait.ge @!p0 [sflag:s8], $0x0  }
0x24: {  	s3 =	sadd.s32 $0x88, s3;
	s6 =	simm.s32 @!p1 $0x1082;
	[sflag:s4] =	ssyncset.s32 $0xFFFFF086  }
0x25: {  	[simem:s6], [sflag:s4] =	dma.local [hbm:s3], $0xF7A  }
0x26: {  	[smem:$0x3F92] =	sst s1;
	(tag) =	ssettag s2;
	_ =	strace s9  }
0x27: {  	s1 =	sld [smem:$0x3FA2]  }
0x28: {  	s2 =	sld [smem:$0x3FA3]  }
0x29: {  	s4 =	sld [smem:$0x3FA5]  }
0x2a: {  	p0 =	seq.s32 s5, $0x0;
	s5 =	sld [smem:$0x3FA6]  }
0x2b: {  	s6 =	sld [smem:$0x3FA7]  }
0x2c: {  	s7 =	sld [smem:$0x3FA8]  }
0x2d: {  	s3 =	simm.s32 $0x108;
	s8 =	sld [smem:$0x3FA9]  }
0x2e: {  	s3 =	simm.s32 @!p0 $0x1082;
	s9 =	sld [smem:$0x3FAA]  }
0x2f: {  	lr =	sadd.s32 s0, s3;
	s0 =	sld [smem:$0x3FA1]  }
0x30: {  	s3 =	sld [smem:$0x3FA4]  }
0x31: {  	[smem:$0x3FAD] =	sst s10  }
0x32: {  	s10 =	sld [smem:$0x3FAB];
	_ =	sdelay $0x3  }
0x33: {  	p0 =	seq.s32 s10, $0x1;
	s10 =	sld [smem:$0x3FAD];
	_ =	sdelay $0x3  }
0x34: {  	[smem:$0x3FAD] =	sst s10  }
0x35: {  	s10 =	sld [smem:$0x3FAC];
	_ =	sdelay $0x3  }
0x36: {  	p1 =	seq.s32 s10, $0x1;
	s10 =	sld [smem:$0x3FAD];
	_ =	sdelay $0x3  }
0x37: {  	[smem:$0x3FAD] =	sst s10  }
0x38: {  	s10 =	sld [smem:$0x3FAE]  }
0x39: {  	_ = 	snop;
	(pc) =	sbr.ind lr, $3  }
0x3a: {  	_ = 	snop  }
0x3b: {  	_ = 	snop  }
0x3c: {  	p2 =	seq.s32 s10, $0x1;
	s10 =	sld [smem:$0x3FAD]  }
0x3d: {  	_ =	shalt  }
0x3e: {  	_ =	shalt  }
0x3f: {  	_ =	shalt  }
0x40: {  	_ =	shalt  }
0x41: {  	_ =	shalt  }
0x42: {  	_ =	shalt  }
0x43: {  	_ =	shalt  }
0x44: {  	_ =	shalt  }
0x45: {  	_ =	shalt  }
0x46: {  	_ =	shalt  }
0x47: {  	_ =	shalt  }
0x48: {  	_ =	shalt  }
0x49: {  	_ =	shalt  }
0x4a: {  	_ =	shalt  }
0x4b: {  	_ =	shalt  }
0x4c: {  	_ =	shalt  }
0x4d: {  	_ =	shalt  }
0x4e: {  	_ =	shalt  }
0x4f: {  	_ =	shalt  }
0x50: {  	_ =	shalt  }
0x51: {  	_ =	shalt  }
0x52: {  	_ =	shalt  }
0x53: {  	_ =	shalt  }
0x54: {  	_ =	shalt  }
0x55: {  	_ =	shalt  }
0x56: {  	_ =	shalt  }
0x57: {  	_ =	shalt  }
0x58: {  	_ =	shalt  }
0x59: {  	_ =	shalt  }
0x5a: {  	_ =	shalt  }
0x5b: {  	_ =	shalt  }
0x5c: {  	_ =	shalt  }
0x5d: {  	_ =	shalt  }
0x5e: {  	_ =	shalt  }
0x5f: {  	_ =	shalt  }
0x60: {  	_ =	shalt  }
0x61: {  	_ =	shalt  }
0x62: {  	_ =	shalt  }
0x63: {  	_ =	shalt  }
0x64: {  	_ =	shalt  }
0x65: {  	_ =	shalt  }
0x66: {  	_ =	shalt  }
0x67: {  	_ =	shalt  }
0x68: {  	_ =	shalt  }
0x69: {  	_ =	shalt  }
0x6a: {  	_ =	shalt  }
0x6b: {  	_ =	shalt  }
0x6c: {  	_ =	shalt  }
0x6d: {  	_ =	shalt  }
0x6e: {  	_ =	shalt  }
0x6f: {  	_ =	shalt  }
0x70: {  	_ =	shalt  }
0x71: {  	_ =	shalt  }
0x72: {  	_ =	shalt  }
0x73: {  	_ =	shalt  }
0x74: {  	_ =	shalt  }
0x75: {  	_ =	shalt  }
0x76: {  	_ =	shalt  }
0x77: {  	_ =	shalt  }
0x78: {  	_ =	shalt  }
0x79: {  	_ =	shalt  }
0x7a: {  	_ =	shalt  }
0x7b: {  	_ =	shalt  }
0x7c: {  	_ =	shalt  }
0x7d: {  	_ =	shalt  }
0x7e: {  	_ =	shalt  }
0x7f: {  	_ =	shalt  }
0x80: {  	_ =	shalt  }
0x81: {  	_ =	shalt  }
0x82: {  	_ =	shalt  }
0x83: {  	_ =	shalt  }
0x84: {  	_ =	shalt  }
0x85: {  	_ =	shalt  }
0x86: {  	_ =	shalt  }
0x87: {  	_ =	shalt  }
.Lfunc_end0:
.L_simem_size_0:
called_computation.2_lowered:
.L_overlay_start_0:
0x88: {  	s2 =	sld [smem:$0x3FD9]  }
0x89: {  	s3 =	sld [smem:$0x3FFE];
	_ =	sdelay $0x1  }
0x8a: {  	s1 =	srdreg.scid  }
0x8b: {  	s0 =	sand.u32 $0x1, s1  }
0x8c: {  	s16 =	sshll.u32 s0, $0xA;
	s2 =	sadd.s32 s3, s2  }
0x8d: {  	s2 =	sadd.s32 s2, s16  }
0x8e: {  	[smem:$0x3FB9] =	sst s2  }
0x8f: {  	_ = 	snop  }
0x90: {  	(tm) =	ssettm $0x1  }
0x91: {  	s17 =	sld [smem:$0x3FFB];
	_ =	sdelay $0x3  }
0x92: {  	_ =	strace s17  }
0x93: {  	s2 =	sld [smem:$0x3FFC];
	_ =	sdelay $0x3  }
0x94: {  	_ =	strace s2  }
0x95: {  	s2 =	sld [smem:$0x3FFD];
	_ =	sdelay $0x3  }
0x96: {  	_ =	strace s2  }
0x97: {  	_ =	strace $0x8FFFFFFF  }
0x98: {  	s18 =	sld [smem:$0x3FDB];
	_ =	sdelay $0x1  }
0x99: {  	s19 =	simm.s32 $_scs_section_size  }
0x9a: {  	s4 =	simm.s32 $_size__tile_overlayer_lowered;
	s5 =	simm.s32 $_tile_overlayer_lowered  }
0x9b: {  	s22 =	simm.s32 $0x1BFF;
	s21 =	sshll.u32 s5, $0x1;
	s2 =	sadd.s32 s19, s18  }
0x9c: {  	s6 =	simm.s32 $0x0;
	s20 =	sshll.u32 s4, $0x1;
	s4 =	sadd.s32 s21, s2  }
0x9d: {  	[timem:s6], [sflag:s22] =	dma.local [hbm:s4], s20  }
0x9e: {  	_ =	swait.ge [sflag:s22], s20  }
0x9f: {  	s3 =	ssub.s32 $0x0, s20;
	[sflag:s22] =	ssyncset.done $0x0  }
0xa0: {  	[sflag:s22] =	ssyncadd.s32 s3;
	_ =	sdelay $0x1  }
0xa1: {  	s23 =	simm.s32 $0x1B8B  }
0xa2: {  	_ =	swait.ge [sflag:s23], $0x1  }
0xa3: {  	[sflag:s23] =	ssyncset.done $0x0  }
0xa4: {  	s25 =	simm.s32 $0x1B8E;
	s24 =	sld [smem:$0x3FFE];
	[sflag:s23] =	ssyncadd.s32 $0xFFFFFFFF  }
0xa5: {  	s26 =	simm.s32 $execute0_lowered;
	[smem:$0x3FD2] =	sst s25  }
0xa6: {  	s4 =	sshll.u32 s26, $0x1;
	_ =	strace $0x8000004C;
	[dreg:$0x1] =	wrdreg $0xFFFFFFFF  }
0xa7: {  	s28 =	simm.s32 $_size_execute0_lowered;
	s2 =	sadd.s32 s2, s4;
	[dreg:$0x0] =	wrdreg $0x0  }
0xa8: {  	s4 =	sshll.u32 s28, $0x1;
	[dreg:$0x2] =	wrdreg s2  }
0xa9: {  	[dreg:$0x3] =	wrdreg s4  }
0xaa: {  	[dreg:$0x4] =	wrdreg $0xC0  }
0xab: {  	_ =	task [dreg:s6], $0x5FFFF  }
0xac: {  	[dreg:$0x1] =	wrdreg $0xFFFFFFFF  }
0xad: {  	[dreg:$0x0] =	wrdreg $0x60  }
0xae: {  	[dreg:$0x2] =	wrdreg s24  }
0xaf: {  	[dreg:$0x3] =	wrdreg $0xA8000  }
0xb0: {  	[dreg:$0x4] =	wrdreg $0x9  }
0xb1: {  	_ =	task.clear_ibuf [dreg:s6], $0x5FFFF;
	_ =	strace $0x9000004C  }
0xb2: {  	s29 =	simm.s32 $0x9;
	_ =	strace $0x8000004E  }
0xb3: {  	_ =	swait.ge [sflag:s29], $0x1  }
0xb4: {  	[sflag:s29] =	ssyncadd.s32 $0xFFFFFFFF  }
0xb5: {  	_ =	strace $0x9000004E  }
0xb6: {  	_ =	sfence  }
0xb7: {  	s30 =	sld [smem:$0x0];
	_ =	sdelay $0x2  }
0xb8: {  	s31 =	sshll.u32 s1, $0xD;
	s1 =	sshrl.u32 s1, $0x2  }
0xb9: {  	s3 =	sand.u32 $0x4000, s31;
	s1 =	sadd.s32 s1, s30  }
0xba: {  	s0 =	sor.u32 s3, s0;
	s1 =	sshll.u32 s1, $0x11  }
0xbb: {  	s0 =	sor.u32 s1, s0  }
0xbc: {  	s0 =	sadd.s32 $0x8F2B, s0  }
0xbd: {  	[sflag:s0] =	ssyncadd.remote.s32 $0x1  }
0xbe: {  	_ =	sfence.sel $0xFFFF  }
0xbf: {  	[dreg:$0x0] =	wrdreg $0xFFFFFFFF;
	(pc) =	sbr.abs _section_cstart, $3  }
0xc0: {  	[dreg:$0x1] =	wrdreg $0xFFFFFFFF  }
0xc1: {  	_ =	task.clear_ibuf [dreg:s6], $0x2FFFF;
	_ =	strace $0x9FFFFFFF  }
0xc2: {  	(tm) =	ssettm $0x7FFFFFFF  }
0xc3: {  	_ =	shalt  }
tec
execute0_lowered:
.L_overlay_start_1:
0x0: {  	(tag) =	ssettag $0x1  }
0x1: {  	s5 =	rddreg [dreg:$0x0]  }
0x2: {  	s1 =	rddreg [dreg:$0x1]  }
0x3: {  	s2 =	srdreg.scid;
	s0 =	rddreg [dreg:$0x2];
	s3 =	simm.s32 $0x0  }
0x4: {  	s18 =	simm.s32 $0x6800;
	s19 =	simm.s32 $0x1;
	s20 =	simm.s32 $0x2  }
0x5: {  	s21 =	simm.s32 $0x1380;
	s22 =	simm.s32 $0x2700;
	s23 =	simm.s32 $0x2780  }
0x6: {  	s24 =	simm.s32 $0x0;
	s9 =	sand.u32 $0x1, s2;
	s2 =	stileid.u32  }
0x7: {  	[smem:$0x7FF] =	sst s3;
	s8 =	sadd.s32 $0xF000, s5;
	s11 =	sadd.s32 $0x5000, s5  }
0x8: {  	s4 =	sshll.u32 s9, $0x4;
	s6 =	smul.u32 $0x2800, s2;
	_ =	strace $0x8000004D  }
0x9: {  	s12 =	ssub.s32 $0x2, s9;
	s13 =	smul.u32 $0x50000, s2;
	p0 =	seq.s32 s9, $0x1  }
0xa: {  	s16 =	sshll.u32 s2, $0x6;
	s7 =	sor.u32 s2, s4;
	s4 =	sadd.s32 $0x19000, s5  }
0xb: {  	s14 =	sshrl.u32 s12, $0x1;
	s16 =	sor.u32 $0x1C03, s16;
	s10 =	smul.u32 $0x500, s7  }
0xc: {  	s7 =	smul.u32 $0x2800, s7;
	s15 =	sadd.s32 s6, s5;
	s12 =	ssub.s32 s12, s14  }
0xd: {  	s29 =	sshrl.u32 s13, $0x2;
	s13 =	simm.s32 $0x91000;
	s14 =	simm.s32 $0x80  }
0xe: {  	s17 =	sadd.s32 s29, s1;
	s13 =	simm.s32 @!p0 $0x69000;
	s5 =	sadd.s32 s8, s10  }
0xf: {  	s6 =	sadd.s32 s11, s10;
	s30 =	sshrl.u32 s7, $0x3;
	s7 =	sadd.s32 $0x41000, s15  }
0x10: {  	s10 =	smax.u32 s12, $0x1;
	s12 =	simm.s32 $0x3;
	s31 =	sadd.s32 $0x280, s30  }
0x11: {  	s17 =	sshrl.u32 s17, $0x3;
	s8 =	sadd.s32 s8, s31;
	s9 =	sadd.s32 s11, s31  }
0x12: {  	s11 =	sadd.s32 s13, s15;
	s13 =	simm.s32 $0x1400;
	s15 =	simm.s32 $0x2800  }
.LBB2_1:
0x13: {  	[tilespmem:s3], [sflag:$0x3] =	stream.linear.gather [hbm4b:s5+s3], $0x1400, $0x38;
	[tilespmem:$0x1E800] =	vst v63  }
0x14: {  	_ =	swait.ge [sflag:s12], $0x1400  }
0x15: {  	[sflag:s12] =	ssyncset.done $0x0  }
0x16: {  	[sflag:s12] =	ssyncadd.s32 $0xFFFFEC00  }
0x17: {  	[tilespmem:s13], [sflag:$0x3] =	stream.linear.gather [hbm4b:s6+s3], $0x1400, $0x38;
	[tilespmem:$0x1E800] =	vst v63  }
0x18: {  	_ =	swait.ge [sflag:s12], $0x1400  }
0x19: {  	[sflag:s12] =	ssyncset.done $0x0  }
0x1a: {  	[sflag:s12] =	ssyncadd.s32 $0xFFFFEC00  }
0x1b: {  	[tilespmem:s15], [sflag:$0x1] =	stream.indirect.gather [hbm4b:s4+s14], $0x80, s3, s14, $0xb8;
	[tilespmem:$0x1E800] =	vst v63  }
0x1c: {  	[spmem:s17], [sflag:s16] =	dma.local [hbm:s7], $0x2800  }
0x1d: {  	_ =	swait.ge [sflag:s12], $0x2800  }
0x1e: {  	[sflag:s12] =	ssyncset.done $0x0  }
0x1f: {  	[sflag:s12] =	ssyncadd.s32 $0xFFFFD800  }
0x20: {  	s25 =	simm.s32 $0x80;
	[bflag:$0x0] =	sbarrier.arrive $0xFFFF  }
0x21: {  	[tilespmem:s18], [sflag:$0x2] =	stream.indirect.gather [hbm4b:s4+s14], $0x80, s25, s14, $0xb8;
	[tilespmem:$0x1E800] =	vst v63  }
0x22: {  	_ =	swait.ge [sflag:s19], $0x4000  }
0x23: {  	[sflag:s19] =	ssyncset.done $0x0  }
0x24: {  	s29 =	simm.s32 $0x1400;
	[sflag:s19] =	ssyncadd.s32 $0xFFFFC000  }
0x25: {  	[spmem:s1] =	stream.indirect.scatter.add.f32 [tilespmem:s15], [sflag:$0x3], $0x80, s29, s14, $0xb8;
	[tilespmem:$0x1E800] =	vst v63  }
0x26: {  	_ =	swait.ge [sflag:s12], $0x4000  }
0x27: {  	[sflag:s12] =	ssyncset.done $0x0  }
0x28: {  	s30 =	simm.s32 $0x100;
	[sflag:s12] =	ssyncadd.s32 $0xFFFFC000  }
0x29: {  	[tilespmem:s15], [sflag:$0x1] =	stream.indirect.gather [hbm4b:s4+s14], $0x80, s30, s14, $0xb8;
	[tilespmem:$0x1E800] =	vst v63  }
0x2a: {  	_ =	swait.ge [sflag:s20], $0x4000  }
0x2b: {  	[sflag:s20] =	ssyncset.done $0x0  }
0x2c: {  	s31 =	simm.s32 $0x1480;
	[sflag:s20] =	ssyncadd.s32 $0xFFFFC000  }
0x2d: {  	[spmem:s1] =	stream.indirect.scatter.add.f32 [tilespmem:s18], [sflag:$0x3], $0x80, s31, s14, $0xb8;
	[tilespmem:$0x1E800] =	vst v63  }
0x2e: {  	_ =	swait.ge [sflag:s12], $0x4000  }
0x2f: {  	s26 =	simm.s32 $0x800;
	s25 =	simm.s32 $0x100;
	[sflag:s12] =	ssyncset.done $0x0  }
.LBB2_2:
0x30: {  	s28 =	sadd.s32 $0x80, s25  }
0x31: {  	[sflag:s12] =	ssyncadd.s32 $0xFFFFC000;
	s29 =	smov.u32 s26;
	s30 =	sadd.s32 $0x400, s26  }
0x32: {  	[tilespmem:s18], [sflag:$0x2] =	stream.indirect.gather [hbm4b:s4+s14], $0x80, s28, s14, $0xb8;
	[tilespmem:$0x1E800] =	vst v63  }
0x33: {  	p0 =	sne.s32 s26, $0x4800;
	_ =	swait.ge [sflag:s19], $0x4000  }
0x34: {  	[sflag:s19] =	ssyncset.done $0x0  }
0x35: {  	s26 =	sadd.s32 $0x1400, s25;
	[sflag:s19] =	ssyncadd.s32 $0xFFFFC000  }
0x36: {  	[spmem:s1] =	stream.indirect.scatter.add.f32 [tilespmem:s15], [sflag:$0x3], $0x80, s26, s14, $0xb8;
	[tilespmem:$0x1E800] =	vst v63  }
0x37: {  	_ =	swait.ge [sflag:s12], $0x4000  }
0x38: {  	[sflag:s12] =	ssyncset.done $0x0  }
0x39: {  	s26 =	sadd.s32 $0x100, s25;
	[sflag:s12] =	ssyncadd.s32 $0xFFFFC000  }
0x3a: {  	[tilespmem:s15], [sflag:$0x1] =	stream.indirect.gather [hbm4b:s4+s14], $0x80, s26, s14, $0xb8;
	[tilespmem:$0x1E800] =	vst v63  }
0x3b: {  	_ =	swait.ge [sflag:s20], $0x4000  }
.Ltmp0:
0x3c: {  	[sflag:s20] =	ssyncset.done $0x0;
	(pc) =	sbr.rel @p0 .LBB2_2-.Ltmp0, $4  }
0x3d: {  	s25 =	sadd.s32 $0x1480, s25;
	[sflag:s20] =	ssyncadd.s32 $0xFFFFC000  }
0x3e: {  	[spmem:s1] =	stream.indirect.scatter.add.f32 [tilespmem:s18], [sflag:$0x3], $0x80, s25, s14, $0xb8;
	[tilespmem:$0x1E800] =	vst v63  }
0x3f: {  	_ =	swait.ge [sflag:s12], $0x4000  }
0x40: {  	s26 =	smov.u32 s30;
	s25 =	sshra.s32 s29, $0x2;
	[sflag:s12] =	ssyncset.done $0x0  }
0x41: {  	s26 =	sadd.s32 $0x80, s25;
	[sflag:s12] =	ssyncadd.s32 $0xFFFFC000  }
0x42: {  	[tilespmem:s18], [sflag:$0x2] =	stream.indirect.gather [hbm4b:s4+s14], $0x80, s26, s14, $0xb8;
	[tilespmem:$0x1E800] =	vst v63  }
0x43: {  	_ =	swait.ge [sflag:s19], $0x4000  }
0x44: {  	[sflag:s19] =	ssyncset.done $0x0  }
0x45: {  	s29 =	sadd.s32 $0x1400, s25;
	[sflag:s19] =	ssyncadd.s32 $0xFFFFC000  }
0x46: {  	[spmem:s1] =	stream.indirect.scatter.add.f32 [tilespmem:s15], [sflag:$0x3], $0x80, s29, s14, $0xb8;
	[tilespmem:$0x1E800] =	vst v63  }
0x47: {  	_ =	swait.ge [sflag:s12], $0x4000  }
0x48: {  	[sflag:s12] =	ssyncset.done $0x0  }
0x49: {  	s30 =	sadd.s32 $0x100, s25;
	[sflag:s12] =	ssyncadd.s32 $0xFFFFC000  }
0x4a: {  	[tilespmem:s15], [sflag:$0x1] =	stream.indirect.gather [hbm4b:s4+s14], $0x80, s30, s14, $0xb8;
	[tilespmem:$0x1E800] =	vst v63  }
0x4b: {  	_ =	swait.ge [sflag:s20], $0x4000  }
0x4c: {  	[sflag:s20] =	ssyncset.done $0x0  }
0x4d: {  	s31 =	sadd.s32 $0x1480, s25;
	[sflag:s20] =	ssyncadd.s32 $0xFFFFC000  }
0x4e: {  	[spmem:s1] =	stream.indirect.scatter.add.f32 [tilespmem:s18], [sflag:$0x3], $0x80, s31, s14, $0xb8;
	[tilespmem:$0x1E800] =	vst v63  }
0x4f: {  	_ =	swait.ge [sflag:s12], $0x4000  }
0x50: {  	[sflag:s12] =	ssyncset.done $0x0  }
0x51: {  	[sflag:s12] =	ssyncadd.s32 $0xFFFFC000  }
0x52: {  	[tilespmem:s18], [sflag:$0x2] =	stream.indirect.gather [hbm4b:s4+s14], $0x80, s21, s14, $0xb8;
	[tilespmem:$0x1E800] =	vst v63  }
0x53: {  	_ =	swait.ge [sflag:s19], $0x4000  }
0x54: {  	[sflag:s19] =	ssyncset.done $0x0  }
0x55: {  	[sflag:s19] =	ssyncadd.s32 $0xFFFFC000  }
0x56: {  	[spmem:s1] =	stream.indirect.scatter.add.f32 [tilespmem:s15], [sflag:$0x3], $0x80, s22, s14, $0xb8;
	[tilespmem:$0x1E800] =	vst v63  }
0x57: {  	_ =	swait.ge [sflag:s12], $0x4000  }
0x58: {  	[sflag:s12] =	ssyncset.done $0x0  }
0x59: {  	[sflag:s12] =	ssyncadd.s32 $0xFFFFC000  }
0x5a: {  	_ =	swait.ge [sflag:s20], $0x4000  }
0x5b: {  	[sflag:s20] =	ssyncset.done $0x0  }
0x5c: {  	[sflag:s20] =	ssyncadd.s32 $0xFFFFC000  }
0x5d: {  	[spmem:s1] =	stream.indirect.scatter.add.f32 [tilespmem:s18], [sflag:$0x3], $0x80, s23, s14, $0xb8;
	[tilespmem:$0x1E800] =	vst v63  }
0x5e: {  	_ =	swait.ge [sflag:s12], $0x4000  }
0x5f: {  	[sflag:s12] =	ssyncset.done $0x0  }
0x60: {  	s26 =	simm.s32 $0x0;
	[sflag:s12] =	ssyncadd.s32 $0xFFFFC000  }
0x61: {  	[tilespmem:s26], [sflag:$0x3] =	stream.linear.gather [hbm4b:s8+s26], $0x1400, $0x38;
	[tilespmem:$0x1E800] =	vst v63  }
0x62: {  	_ =	swait.ge [sflag:s12], $0x1400  }
0x63: {  	[sflag:s12] =	ssyncset.done $0x0  }
0x64: {  	[sflag:s12] =	ssyncadd.s32 $0xFFFFEC00  }
0x65: {  	[tilespmem:s13], [sflag:$0x3] =	stream.linear.gather [hbm4b:s9+s26], $0x1400, $0x38;
	[tilespmem:$0x1E800] =	vst v63  }
0x66: {  	_ =	swait.ge [sflag:s12], $0x1400  }
0x67: {  	[sflag:s12] =	ssyncset.done $0x0  }
0x68: {  	[sflag:s12] =	ssyncadd.s32 $0xFFFFEC00  }
0x69: {  	[tilespmem:s15], [sflag:$0x1] =	stream.indirect.gather [hbm4b:s4+s14], $0x80, s26, s14, $0xb8;
	[tilespmem:$0x1E800] =	vst v63  }
0x6a: {  	s28 =	simm.s32 $0x80  }
0x6b: {  	[tilespmem:s18], [sflag:$0x2] =	stream.indirect.gather [hbm4b:s4+s14], $0x80, s28, s14, $0xb8;
	[tilespmem:$0x1E800] =	vst v63  }
0x6c: {  	_ =	swait.ge [sflag:s19], $0x4000  }
0x6d: {  	[sflag:s19] =	ssyncset.done $0x0  }
0x6e: {  	s29 =	simm.s32 $0x1400;
	[sflag:s19] =	ssyncadd.s32 $0xFFFFC000  }
0x6f: {  	[spmem:s1] =	stream.indirect.scatter.add.f32 [tilespmem:s15], [sflag:$0x3], $0x80, s29, s14, $0xb8;
	[tilespmem:$0x1E800] =	vst v63  }
0x70: {  	_ =	swait.ge [sflag:s12], $0x4000  }
0x71: {  	[sflag:s12] =	ssyncset.done $0x0  }
0x72: {  	s30 =	simm.s32 $0x100;
	[sflag:s12] =	ssyncadd.s32 $0xFFFFC000  }
0x73: {  	[tilespmem:s15], [sflag:$0x1] =	stream.indirect.gather [hbm4b:s4+s14], $0x80, s30, s14, $0xb8;
	[tilespmem:$0x1E800] =	vst v63  }
0x74: {  	_ =	swait.ge [sflag:s20], $0x4000  }
0x75: {  	[sflag:s20] =	ssyncset.done $0x0  }
0x76: {  	s31 =	simm.s32 $0x1480;
	[sflag:s20] =	ssyncadd.s32 $0xFFFFC000  }
0x77: {  	[spmem:s1] =	stream.indirect.scatter.add.f32 [tilespmem:s18], [sflag:$0x3], $0x80, s31, s14, $0xb8;
	[tilespmem:$0x1E800] =	vst v63  }
0x78: {  	_ =	swait.ge [sflag:s12], $0x4000  }
0x79: {  	s25 =	simm.s32 $0x100;
	s26 =	simm.s32 $0x800;
	[sflag:s12] =	ssyncset.done $0x0  }
.LBB2_4:
0x7a: {  	s28 =	sadd.s32 $0x80, s25  }
0x7b: {  	[sflag:s12] =	ssyncadd.s32 $0xFFFFC000;
	s29 =	smov.u32 s26;
	s30 =	sadd.s32 $0x400, s26  }
0x7c: {  	[tilespmem:s18], [sflag:$0x2] =	stream.indirect.gather [hbm4b:s4+s14], $0x80, s28, s14, $0xb8;
	[tilespmem:$0x1E800] =	vst v63  }
0x7d: {  	p0 =	sne.s32 s26, $0x4800;
	_ =	swait.ge [sflag:s19], $0x4000  }
0x7e: {  	[sflag:s19] =	ssyncset.done $0x0  }
0x7f: {  	s26 =	sadd.s32 $0x1400, s25;
	[sflag:s19] =	ssyncadd.s32 $0xFFFFC000  }
0x80: {  	[spmem:s1] =	stream.indirect.scatter.add.f32 [tilespmem:s15], [sflag:$0x3], $0x80, s26, s14, $0xb8;
	[tilespmem:$0x1E800] =	vst v63  }
0x81: {  	_ =	swait.ge [sflag:s12], $0x4000  }
0x82: {  	[sflag:s12] =	ssyncset.done $0x0  }
0x83: {  	s26 =	sadd.s32 $0x100, s25;
	[sflag:s12] =	ssyncadd.s32 $0xFFFFC000  }
0x84: {  	[tilespmem:s15], [sflag:$0x1] =	stream.indirect.gather [hbm4b:s4+s14], $0x80, s26, s14, $0xb8;
	[tilespmem:$0x1E800] =	vst v63  }
0x85: {  	_ =	swait.ge [sflag:s20], $0x4000  }
.Ltmp1:
0x86: {  	[sflag:s20] =	ssyncset.done $0x0;
	(pc) =	sbr.rel @p0 .LBB2_4-.Ltmp1, $4  }
0x87: {  	s25 =	sadd.s32 $0x1480, s25;
	[sflag:s20] =	ssyncadd.s32 $0xFFFFC000  }
0x88: {  	[spmem:s1] =	stream.indirect.scatter.add.f32 [tilespmem:s18], [sflag:$0x3], $0x80, s25, s14, $0xb8;
	[tilespmem:$0x1E800] =	vst v63  }
0x89: {  	_ =	swait.ge [sflag:s12], $0x4000  }
0x8a: {  	s26 =	smov.u32 s30;
	s25 =	sshra.s32 s29, $0x2;
	[sflag:s12] =	ssyncset.done $0x0  }
0x8b: {  	s26 =	sadd.s32 $0x80, s25;
	[sflag:s12] =	ssyncadd.s32 $0xFFFFC000  }
0x8c: {  	[tilespmem:s18], [sflag:$0x2] =	stream.indirect.gather [hbm4b:s4+s14], $0x80, s26, s14, $0xb8;
	[tilespmem:$0x1E800] =	vst v63  }
0x8d: {  	_ =	swait.ge [sflag:s19], $0x4000  }
0x8e: {  	[sflag:s19] =	ssyncset.done $0x0  }
0x8f: {  	s29 =	sadd.s32 $0x1400, s25;
	[sflag:s19] =	ssyncadd.s32 $0xFFFFC000  }
0x90: {  	[spmem:s1] =	stream.indirect.scatter.add.f32 [tilespmem:s15], [sflag:$0x3], $0x80, s29, s14, $0xb8;
	[tilespmem:$0x1E800] =	vst v63  }
0x91: {  	_ =	swait.ge [sflag:s12], $0x4000  }
0x92: {  	[sflag:s12] =	ssyncset.done $0x0  }
0x93: {  	s30 =	sadd.s32 $0x100, s25;
	[sflag:s12] =	ssyncadd.s32 $0xFFFFC000  }
0x94: {  	[tilespmem:s15], [sflag:$0x1] =	stream.indirect.gather [hbm4b:s4+s14], $0x80, s30, s14, $0xb8;
	[tilespmem:$0x1E800] =	vst v63  }
0x95: {  	_ =	swait.ge [sflag:s20], $0x4000  }
0x96: {  	[sflag:s20] =	ssyncset.done $0x0  }
0x97: {  	s31 =	sadd.s32 $0x1480, s25;
	[sflag:s20] =	ssyncadd.s32 $0xFFFFC000  }
0x98: {  	[spmem:s1] =	stream.indirect.scatter.add.f32 [tilespmem:s18], [sflag:$0x3], $0x80, s31, s14, $0xb8;
	[tilespmem:$0x1E800] =	vst v63  }
0x99: {  	_ =	swait.ge [sflag:s12], $0x4000  }
0x9a: {  	[sflag:s12] =	ssyncset.done $0x0  }
0x9b: {  	[sflag:s12] =	ssyncadd.s32 $0xFFFFC000  }
0x9c: {  	[tilespmem:s18], [sflag:$0x2] =	stream.indirect.gather [hbm4b:s4+s14], $0x80, s21, s14, $0xb8;
	[tilespmem:$0x1E800] =	vst v63  }
0x9d: {  	_ =	swait.ge [sflag:s19], $0x4000  }
0x9e: {  	[sflag:s19] =	ssyncset.done $0x0  }
0x9f: {  	[sflag:s19] =	ssyncadd.s32 $0xFFFFC000  }
0xa0: {  	[spmem:s1] =	stream.indirect.scatter.add.f32 [tilespmem:s15], [sflag:$0x3], $0x80, s22, s14, $0xb8;
	[tilespmem:$0x1E800] =	vst v63  }
0xa1: {  	_ =	swait.ge [sflag:s12], $0x4000  }
0xa2: {  	[sflag:s12] =	ssyncset.done $0x0  }
0xa3: {  	[sflag:s12] =	ssyncadd.s32 $0xFFFFC000  }
0xa4: {  	_ =	swait.ge [sflag:s20], $0x4000  }
0xa5: {  	[sflag:s20] =	ssyncset.done $0x0  }
0xa6: {  	[sflag:s20] =	ssyncadd.s32 $0xFFFFC000  }
0xa7: {  	[spmem:s1] =	stream.indirect.scatter.add.f32 [tilespmem:s18], [sflag:$0x3], $0x80, s23, s14, $0xb8;
	[tilespmem:$0x1E800] =	vst v63  }
0xa8: {  	_ =	swait.ge [sflag:s12], $0x4000  }
0xa9: {  	s24 =	sadd.s32 $0x1, s24;
	[sflag:s12] =	ssyncset.done $0x0  }
0xaa: {  	p0 =	sne.s32 s24, s10;
	[sflag:s12] =	ssyncadd.s32 $0xFFFFC000  }
.Ltmp2:
0xab: {  	[bflag:$0x0] =	sbarrier.arrive $0xFFFF;
	(pc) =	sbr.rel @p0 .LBB2_1-.Ltmp2, $4  }
0xac: {  	[hbm:s11], [sflag:s16] =	dma.local [spmem:s17], $0x2800  }
0xad: {  	_ =	swait.ge [sflag:s12], $0x2800  }
0xae: {  	[sflag:s12] =	ssyncset.done $0x0  }
0xaf: {  	[sflag:s12] =	ssyncadd.s32 $0xFFFFD800  }
0xb0: {  	_ =	sfence.sel $0x180000  }
0xb1: {  	[bflag:$0x0] =	sbarrier.arrive $0xFFFF  }
0xb2: {  	p0 =	sne.s32 s2, $0x0;
	_ =	strace $0x9000004D  }
0xb3: {  	s0 =	sadd.s32 @!p0 $0x100000, s0;
	[bflag:$0x2] =	sbarrier.arrive $0xFFFF  }
0xb4: {  	[sflag:s0] =	ssyncadd.tile.s32 @!p0 $0x1;
	_ =	shalt  }
.Lfunc_end2:
_tile_overlayer_lowered:
.L_overlay_start_2:
0xb5: {  	(tag) =	ssettag $0x2  }
0xb6: {  	s0 =	rddreg [dreg:$0x0];
	s2 =	stileid.u32  }
0xb7: {  	s1 =	rddreg [dreg:$0x1];
	p0 =	sne.s32 s2, $0x0  }
0xb8: {  	s3 =	rddreg [dreg:$0x2];
	[bflag:$0x3] =	sbarrier.arrive $0xFFFF;
	s2 =	simm.s32 @!p0 $0x1C03  }
0xb9: {  	[timem:s3], [sflag:s2] =	dma.local @!p0 [hbm:s0], s1  }
0xba: {  	s0 =	simm.s32 @!p0 $0x3  }
0xbb: {  	_ =	swait.ge @!p0 [sflag:s0], s1  }
0xbc: {  	s1 =	ssub.s32 @!p0 $0x0, s1;
	[sflag:s0] =	ssyncset.done @!p0 $0x0  }
0xbd: {  	[sflag:s0] =	ssyncadd.s32 @!p0 s1  }
0xbe: {  	[bflag:$0x3] =	sbarrier.arrive $0xFFFF  }
0xbf: {  	_ =	shalt  }

// kernel: kernel.19.cloned.1.call-start
scs
__scs_entry_jumppad:
0x0: {  	(pc) =	sbr.rel $0x88, $3  }
0x1: {  	(tag) =	ssettag $0x0;
	lr =	simm.s32 $0x1  }
0x2: {  	[smem:$0x3F92] =	sst lr;
	_ =	strace $0xD0000000  }
0x3: {  	_ = 	snop  }
0x4: {  	_ = 	snop  }
0x5: {  	_ = 	snop  }
0x6: {  	_ = 	snop  }
0x7: {  	_ = 	snop  }
__scs_overlays_trampoline_lowered:
0x8: {  	[smem:$0x3FA1] =	sst s0  }
0x9: {  	[smem:$0x3FA2] =	sst s1  }
0xa: {  	[smem:$0x3FA3] =	sst s2  }
0xb: {  	[smem:$0x3FA4] =	sst s3  }
0xc: {  	[smem:$0x3FA5] =	sst s4  }
0xd: {  	[smem:$0x3FA6] =	sst s5  }
0xe: {  	[smem:$0x3FA7] =	sst s6  }
0xf: {  	[smem:$0x3FA8] =	sst s7  }
0x10: {  	[smem:$0x3FA9] =	sst s8  }
0x11: {  	[smem:$0x3FAA] =	sst s9;
	s0 =	simm.s32 @!p0 $0x0  }
0x12: {  	s1 =	sld [smem:$0x3F90];
	s0 =	simm.s32 @p0 $0x1  }
0x13: {  	[smem:$0x3FAB] =	sst s0;
	s0 =	simm.s32 @!p1 $0x0  }
0x14: {  	s2 =	sld [smem:$0x3F8F];
	s0 =	simm.s32 @p1 $0x1  }
0x15: {  	[smem:$0x3FAC] =	sst s0;
	s0 =	simm.s32 @!p2 $0x0  }
0x16: {  	s3 =	sld [smem:$0x3FDB];
	s0 =	simm.s32 @p2 $0x1  }
0x17: {  	s4 =	simm.s32 $0x1BF5;
	[smem:$0x3FAE] =	sst s0  }
0x18: {  	s0 =	sld [smem:$0x3F91];
	_ =	swait.ge [sflag:s4], $0x0  }
0x19: {  	s7 =	sld [smem:$0x3F92]  }
0x1a: {  	s8 =	sadd.s32 $0xFFFFE003, lr  }
0x1b: {  	s9 =	sadd.s32 $0xFFFFFEF7, lr;
	s5 =	simm.s32 $0xFFFFFFFF;
	p2 =	slt.u32 s8, $0xFFFFF086  }
0x1c: {  	p1 =	slt.u32 s9, $0xF7A;
	s5 =	simm.s32 @!p2 $0x0  }
0x1d: {  	s5 =	simm.s32 @p1 $0x1;
	p0 =	seq.s32 s7, s2  }
0x1e: {  	s7 =	smul.u32 @!p0 $0xF7A, s2;
	p2 =	seq.s32 @!p0 s5, $0x0  }
0x1f: {  	s9 =	smul.u32 $0xF7A, s1;
	s8 =	simm.s32 @!p0 $0x1BF5;
	p2 =	por !p2, p0  }
0x20: {  	[sflag:s8] =	ssyncset.s32 @!p0 $0xFFFFF086;
	s6 =	sadd.s32 @!p0 s3, s7;
	s7 =	simm.s32 @!p0 $0x108  }
0x21: {  	s3 =	sadd.s32 s3, s9;
	s6 =	sadd.s32 @!p0 $0x88, s6;
	s7 =	simm.s32 @p2 $0x1082  }
0x22: {  	[simem:s7], [sflag:s8] =	dma.local @!p0 [hbm:s6], $0xF7A  }
0x23: {  	s9 =	sor.u32 $0xD0000000, s2;
	s6 =	simm.s32 $0x108;
	_ =	swait.ge @!p0 [sflag:s8], $0x0  }
0x24: {  	s3 =	sadd.s32 $0x88, s3;
	s6 =	simm.s32 @!p1 $0x1082;
	[sflag:s4] =	ssyncset.s32 $0xFFFFF086  }
0x25: {  	[simem:s6], [sflag:s4] =	dma.local [hbm:s3], $0xF7A  }
0x26: {  	[smem:$0x3F92] =	sst s1;
	(tag) =	ssettag s2;
	_ =	strace s9  }
0x27: {  	s1 =	sld [smem:$0x3FA2]  }
0x28: {  	s2 =	sld [smem:$0x3FA3]  }
0x29: {  	s4 =	sld [smem:$0x3FA5]  }
0x2a: {  	p0 =	seq.s32 s5, $0x0;
	s5 =	sld [smem:$0x3FA6]  }
0x2b: {  	s6 =	sld [smem:$0x3FA7]  }
0x2c: {  	s7 =	sld [smem:$0x3FA8]  }
0x2d: {  	s3 =	simm.s32 $0x108;
	s8 =	sld [smem:$0x3FA9]  }
0x2e: {  	s3 =	simm.s32 @!p0 $0x1082;
	s9 =	sld [smem:$0x3FAA]  }
0x2f: {  	lr =	sadd.s32 s0, s3;
	s0 =	sld [smem:$0x3FA1]  }
0x30: {  	s3 =	sld [smem:$0x3FA4]  }
0x31: {  	[smem:$0x3FAD] =	sst s10  }
0x32: {  	s10 =	sld [smem:$0x3FAB];
	_ =	sdelay $0x3  }
0x33: {  	p0 =	seq.s32 s10, $0x1;
	s10 =	sld [smem:$0x3FAD];
	_ =	sdelay $0x3  }
0x34: {  	[smem:$0x3FAD] =	sst s10  }
0x35: {  	s10 =	sld [smem:$0x3FAC];
	_ =	sdelay $0x3  }
0x36: {  	p1 =	seq.s32 s10, $0x1;
	s10 =	sld [smem:$0x3FAD];
	_ =	sdelay $0x3  }
0x37: {  	[smem:$0x3FAD] =	sst s10  }
0x38: {  	s10 =	sld [smem:$0x3FAE]  }
0x39: {  	_ = 	snop;
	(pc) =	sbr.ind lr, $3  }
0x3a: {  	_ = 	snop  }
0x3b: {  	_ = 	snop  }
0x3c: {  	p2 =	seq.s32 s10, $0x1;
	s10 =	sld [smem:$0x3FAD]  }
0x3d: {  	_ =	shalt  }
0x3e: {  	_ =	shalt  }
0x3f: {  	_ =	shalt  }
0x40: {  	_ =	shalt  }
0x41: {  	_ =	shalt  }
0x42: {  	_ =	shalt  }
0x43: {  	_ =	shalt  }
0x44: {  	_ =	shalt  }
0x45: {  	_ =	shalt  }
0x46: {  	_ =	shalt  }
0x47: {  	_ =	shalt  }
0x48: {  	_ =	shalt  }
0x49: {  	_ =	shalt  }
0x4a: {  	_ =	shalt  }
0x4b: {  	_ =	shalt  }
0x4c: {  	_ =	shalt  }
0x4d: {  	_ =	shalt  }
0x4e: {  	_ =	shalt  }
0x4f: {  	_ =	shalt  }
0x50: {  	_ =	shalt  }
0x51: {  	_ =	shalt  }
0x52: {  	_ =	shalt  }
0x53: {  	_ =	shalt  }
0x54: {  	_ =	shalt  }
0x55: {  	_ =	shalt  }
0x56: {  	_ =	shalt  }
0x57: {  	_ =	shalt  }
0x58: {  	_ =	shalt  }
0x59: {  	_ =	shalt  }
0x5a: {  	_ =	shalt  }
0x5b: {  	_ =	shalt  }
0x5c: {  	_ =	shalt  }
0x5d: {  	_ =	shalt  }
0x5e: {  	_ =	shalt  }
0x5f: {  	_ =	shalt  }
0x60: {  	_ =	shalt  }
0x61: {  	_ =	shalt  }
0x62: {  	_ =	shalt  }
0x63: {  	_ =	shalt  }
0x64: {  	_ =	shalt  }
0x65: {  	_ =	shalt  }
0x66: {  	_ =	shalt  }
0x67: {  	_ =	shalt  }
0x68: {  	_ =	shalt  }
0x69: {  	_ =	shalt  }
0x6a: {  	_ =	shalt  }
0x6b: {  	_ =	shalt  }
0x6c: {  	_ =	shalt  }
0x6d: {  	_ =	shalt  }
0x6e: {  	_ =	shalt  }
0x6f: {  	_ =	shalt  }
0x70: {  	_ =	shalt  }
0x71: {  	_ =	shalt  }
0x72: {  	_ =	shalt  }
0x73: {  	_ =	shalt  }
0x74: {  	_ =	shalt  }
0x75: {  	_ =	shalt  }
0x76: {  	_ =	shalt  }
0x77: {  	_ =	shalt  }
0x78: {  	_ =	shalt  }
0x79: {  	_ =	shalt  }
0x7a: {  	_ =	shalt  }
0x7b: {  	_ =	shalt  }
0x7c: {  	_ =	shalt  }
0x7d: {  	_ =	shalt  }
0x7e: {  	_ =	shalt  }
0x7f: {  	_ =	shalt  }
0x80: {  	_ =	shalt  }
0x81: {  	_ =	shalt  }
0x82: {  	_ =	shalt  }
0x83: {  	_ =	shalt  }
0x84: {  	_ =	shalt  }
0x85: {  	_ =	shalt  }
0x86: {  	_ =	shalt  }
0x87: {  	_ =	shalt  }
.Lfunc_end0:
.L_simem_size_0:
called_computation.3_lowered:
.L_overlay_start_0:
0x88: {  	s2 =	sld [smem:$0x3FD9]  }
0x89: {  	s3 =	sld [smem:$0x3FFE];
	_ =	sdelay $0x1  }
0x8a: {  	s1 =	srdreg.scid  }
0x8b: {  	s0 =	sand.u32 $0x1, s1  }
0x8c: {  	s16 =	sshll.u32 s0, $0xA;
	s2 =	sadd.s32 s3, s2  }
0x8d: {  	s2 =	sadd.s32 s2, s16  }
0x8e: {  	[smem:$0x3FB9] =	sst s2  }
0x8f: {  	_ = 	snop  }
0x90: {  	(tm) =	ssettm $0x1  }
0x91: {  	s17 =	sld [smem:$0x3FFB];
	_ =	sdelay $0x3  }
0x92: {  	_ =	strace s17  }
0x93: {  	s2 =	sld [smem:$0x3FFC];
	_ =	sdelay $0x3  }
0x94: {  	_ =	strace s2  }
0x95: {  	s2 =	sld [smem:$0x3FFD];
	_ =	sdelay $0x3  }
0x96: {  	_ =	strace s2  }
0x97: {  	_ =	strace $0x8FFFFFFF  }
0x98: {  	s18 =	sld [smem:$0x3FDB];
	_ =	sdelay $0x1  }
0x99: {  	s19 =	simm.s32 $_scs_section_size  }
0x9a: {  	s4 =	simm.s32 $_size__tile_overlayer_lowered;
	s5 =	simm.s32 $_tile_overlayer_lowered  }
0x9b: {  	s22 =	simm.s32 $0x1BFF;
	s21 =	sshll.u32 s5, $0x1;
	s2 =	sadd.s32 s19, s18  }
0x9c: {  	s6 =	simm.s32 $0x0;
	s20 =	sshll.u32 s4, $0x1;
	s4 =	sadd.s32 s21, s2  }
0x9d: {  	[timem:s6], [sflag:s22] =	dma.local [hbm:s4], s20  }
0x9e: {  	_ =	swait.ge [sflag:s22], s20  }
0x9f: {  	s3 =	ssub.s32 $0x0, s20;
	[sflag:s22] =	ssyncset.done $0x0  }
0xa0: {  	[sflag:s22] =	ssyncadd.s32 s3;
	_ =	sdelay $0x1  }
0xa1: {  	s23 =	simm.s32 $0x1B8B  }
0xa2: {  	_ =	swait.ge [sflag:s23], $0x1  }
0xa3: {  	[sflag:s23] =	ssyncset.done $0x0  }
0xa4: {  	s25 =	simm.s32 $0x1B8E;
	s24 =	sld [smem:$0x3FFE];
	[sflag:s23] =	ssyncadd.s32 $0xFFFFFFFF  }
0xa5: {  	s26 =	simm.s32 $execute0_lowered;
	[smem:$0x3FD2] =	sst s25  }
0xa6: {  	s4 =	sshll.u32 s26, $0x1;
	_ =	strace $0x8000004F;
	[dreg:$0x1] =	wrdreg $0xFFFFFFFF  }
0xa7: {  	s28 =	simm.s32 $_size_execute0_lowered;
	s2 =	sadd.s32 s2, s4;
	[dreg:$0x0] =	wrdreg $0x0  }
0xa8: {  	s4 =	sshll.u32 s28, $0x1;
	[dreg:$0x2] =	wrdreg s2  }
0xa9: {  	[dreg:$0x3] =	wrdreg s4  }
0xaa: {  	[dreg:$0x4] =	wrdreg $0xC0  }
0xab: {  	_ =	task [dreg:s6], $0x5FFFF  }
0xac: {  	[dreg:$0x1] =	wrdreg $0xFFFFFFFF  }
0xad: {  	[dreg:$0x0] =	wrdreg $0x60  }
0xae: {  	[dreg:$0x2] =	wrdreg s24  }
0xaf: {  	[dreg:$0x3] =	wrdreg $0xA8000  }
0xb0: {  	[dreg:$0x4] =	wrdreg $0x9  }
0xb1: {  	_ =	task.clear_ibuf [dreg:s6], $0x5FFFF;
	_ =	strace $0x9000004F  }
0xb2: {  	s29 =	simm.s32 $0x9;
	_ =	strace $0x80000051  }
0xb3: {  	_ =	swait.ge [sflag:s29], $0x1  }
0xb4: {  	[sflag:s29] =	ssyncadd.s32 $0xFFFFFFFF  }
0xb5: {  	_ =	strace $0x90000051  }
0xb6: {  	_ =	sfence  }
0xb7: {  	s30 =	sld [smem:$0x0];
	_ =	sdelay $0x2  }
0xb8: {  	s31 =	sshll.u32 s1, $0xD;
	s1 =	sshrl.u32 s1, $0x2  }
0xb9: {  	s3 =	sand.u32 $0x4000, s31;
	s1 =	sadd.s32 s1, s30  }
0xba: {  	s0 =	sor.u32 s3, s0;
	s1 =	sshll.u32 s1, $0x11  }
0xbb: {  	s0 =	sor.u32 s1, s0  }
0xbc: {  	s0 =	sadd.s32 $0x8F2B, s0  }
0xbd: {  	[sflag:s0] =	ssyncadd.remote.s32 $0x1  }
0xbe: {  	_ =	sfence.sel $0xFFFF  }
0xbf: {  	[dreg:$0x0] =	wrdreg $0xFFFFFFFF;
	(pc) =	sbr.abs _section_cstart, $3  }
0xc0: {  	[dreg:$0x1] =	wrdreg $0xFFFFFFFF  }
0xc1: {  	_ =	task.clear_ibuf [dreg:s6], $0x2FFFF;
	_ =	strace $0x9FFFFFFF  }
0xc2: {  	(tm) =	ssettm $0x7FFFFFFF  }
0xc3: {  	_ =	shalt  }
tec
execute0_lowered:
.L_overlay_start_1:
0x0: {  	(tag) =	ssettag $0x1  }
0x1: {  	s5 =	rddreg [dreg:$0x0]  }
0x2: {  	s1 =	rddreg [dreg:$0x1]  }
0x3: {  	s2 =	srdreg.scid;
	s0 =	rddreg [dreg:$0x2];
	s3 =	simm.s32 $0x0  }
0x4: {  	s18 =	simm.s32 $0x6800;
	s19 =	simm.s32 $0x1;
	s20 =	simm.s32 $0x2  }
0x5: {  	s21 =	simm.s32 $0x1380;
	s22 =	simm.s32 $0x2700;
	s23 =	simm.s32 $0x2780  }
0x6: {  	s24 =	simm.s32 $0x0;
	s9 =	sand.u32 $0x1, s2;
	s2 =	stileid.u32  }
0x7: {  	[smem:$0x7FF] =	sst s3;
	s8 =	sadd.s32 $0xF000, s5;
	s11 =	sadd.s32 $0x5000, s5  }
0x8: {  	s4 =	sshll.u32 s9, $0x4;
	s6 =	smul.u32 $0x2800, s2;
	_ =	strace $0x80000050  }
0x9: {  	s12 =	ssub.s32 $0x2, s9;
	s13 =	smul.u32 $0x50000, s2;
	p0 =	seq.s32 s9, $0x1  }
0xa: {  	s16 =	sshll.u32 s2, $0x6;
	s7 =	sor.u32 s2, s4;
	s4 =	sadd.s32 $0x19000, s5  }
0xb: {  	s14 =	sshrl.u32 s12, $0x1;
	s16 =	sor.u32 $0x1C03, s16;
	s10 =	smul.u32 $0x500, s7  }
0xc: {  	s7 =	smul.u32 $0x2800, s7;
	s15 =	sadd.s32 s6, s5;
	s12 =	ssub.s32 s12, s14  }
0xd: {  	s29 =	sshrl.u32 s13, $0x2;
	s13 =	simm.s32 $0x91000;
	s14 =	simm.s32 $0x80  }
0xe: {  	s17 =	sadd.s32 s29, s1;
	s13 =	simm.s32 @!p0 $0x69000;
	s5 =	sadd.s32 s8, s10  }
0xf: {  	s6 =	sadd.s32 s11, s10;
	s30 =	sshrl.u32 s7, $0x3;
	s7 =	sadd.s32 $0x41000, s15  }
0x10: {  	s10 =	smax.u32 s12, $0x1;
	s12 =	simm.s32 $0x3;
	s31 =	sadd.s32 $0x280, s30  }
0x11: {  	s17 =	sshrl.u32 s17, $0x3;
	s8 =	sadd.s32 s8, s31;
	s9 =	sadd.s32 s11, s31  }
0x12: {  	s11 =	sadd.s32 s13, s15;
	s13 =	simm.s32 $0x1400;
	s15 =	simm.s32 $0x2800  }
.LBB2_1:
0x13: {  	[tilespmem:s3], [sflag:$0x3] =	stream.linear.gather [hbm4b:s5+s3], $0x1400, $0x38;
	[tilespmem:$0x1E800] =	vst v63  }
0x14: {  	_ =	swait.ge [sflag:s12], $0x1400  }
0x15: {  	[sflag:s12] =	ssyncset.done $0x0  }
0x16: {  	[sflag:s12] =	ssyncadd.s32 $0xFFFFEC00  }
0x17: {  	[tilespmem:s13], [sflag:$0x3] =	stream.linear.gather [hbm4b:s6+s3], $0x1400, $0x38;
	[tilespmem:$0x1E800] =	vst v63  }
0x18: {  	_ =	swait.ge [sflag:s12], $0x1400  }
0x19: {  	[sflag:s12] =	ssyncset.done $0x0  }
0x1a: {  	[sflag:s12] =	ssyncadd.s32 $0xFFFFEC00  }
0x1b: {  	[tilespmem:s15], [sflag:$0x1] =	stream.indirect.gather [hbm4b:s4+s14], $0x80, s3, s14, $0xb8;
	[tilespmem:$0x1E800] =	vst v63  }
0x1c: {  	[spmem:s17], [sflag:s16] =	dma.local [hbm:s7], $0x2800  }
0x1d: {  	_ =	swait.ge [sflag:s12], $0x2800  }
0x1e: {  	[sflag:s12] =	ssyncset.done $0x0  }
0x1f: {  	[sflag:s12] =	ssyncadd.s32 $0xFFFFD800  }
0x20: {  	s25 =	simm.s32 $0x80;
	[bflag:$0x0] =	sbarrier.arrive $0xFFFF  }
0x21: {  	[tilespmem:s18], [sflag:$0x2] =	stream.indirect.gather [hbm4b:s4+s14], $0x80, s25, s14, $0xb8;
	[tilespmem:$0x1E800] =	vst v63  }
0x22: {  	_ =	swait.ge [sflag:s19], $0x4000  }
0x23: {  	[sflag:s19] =	ssyncset.done $0x0  }
0x24: {  	s29 =	simm.s32 $0x1400;
	[sflag:s19] =	ssyncadd.s32 $0xFFFFC000  }
0x25: {  	[spmem:s1] =	stream.indirect.scatter.add.f32 [tilespmem:s15], [sflag:$0x3], $0x80, s29, s14, $0xb8;
	[tilespmem:$0x1E800] =	vst v63  }
0x26: {  	_ =	swait.ge [sflag:s12], $0x4000  }
0x27: {  	[sflag:s12] =	ssyncset.done $0x0  }
0x28: {  	s30 =	simm.s32 $0x100;
	[sflag:s12] =	ssyncadd.s32 $0xFFFFC000  }
0x29: {  	[tilespmem:s15], [sflag:$0x1] =	stream.indirect.gather [hbm4b:s4+s14], $0x80, s30, s14, $0xb8;
	[tilespmem:$0x1E800] =	vst v63  }
0x2a: {  	_ =	swait.ge [sflag:s20], $0x4000  }
0x2b: {  	[sflag:s20] =	ssyncset.done $0x0  }
0x2c: {  	s31 =	simm.s32 $0x1480;
	[sflag:s20] =	ssyncadd.s32 $0xFFFFC000  }
0x2d: {  	[spmem:s1] =	stream.indirect.scatter.add.f32 [tilespmem:s18], [sflag:$0x3], $0x80, s31, s14, $0xb8;
	[tilespmem:$0x1E800] =	vst v63  }
0x2e: {  	_ =	swait.ge [sflag:s12], $0x4000  }
0x2f: {  	s26 =	simm.s32 $0x800;
	s25 =	simm.s32 $0x100;
	[sflag:s12] =	ssyncset.done $0x0  }
.LBB2_2:
0x30: {  	s28 =	sadd.s32 $0x80, s25  }
0x31: {  	[sflag:s12] =	ssyncadd.s32 $0xFFFFC000;
	s29 =	smov.u32 s26;
	s30 =	sadd.s32 $0x400, s26  }
0x32: {  	[tilespmem:s18], [sflag:$0x2] =	stream.indirect.gather [hbm4b:s4+s14], $0x80, s28, s14, $0xb8;
	[tilespmem:$0x1E800] =	vst v63  }
0x33: {  	p0 =	sne.s32 s26, $0x4800;
	_ =	swait.ge [sflag:s19], $0x4000  }
0x34: {  	[sflag:s19] =	ssyncset.done $0x0  }
0x35: {  	s26 =	sadd.s32 $0x1400, s25;
	[sflag:s19] =	ssyncadd.s32 $0xFFFFC000  }
0x36: {  	[spmem:s1] =	stream.indirect.scatter.add.f32 [tilespmem:s15], [sflag:$0x3], $0x80, s26, s14, $0xb8;
	[tilespmem:$0x1E800] =	vst v63  }
0x37: {  	_ =	swait.ge [sflag:s12], $0x4000  }
0x38: {  	[sflag:s12] =	ssyncset.done $0x0  }
0x39: {  	s26 =	sadd.s32 $0x100, s25;
	[sflag:s12] =	ssyncadd.s32 $0xFFFFC000  }
0x3a: {  	[tilespmem:s15], [sflag:$0x1] =	stream.indirect.gather [hbm4b:s4+s14], $0x80, s26, s14, $0xb8;
	[tilespmem:$0x1E800] =	vst v63  }
0x3b: {  	_ =	swait.ge [sflag:s20], $0x4000  }
.Ltmp0:
0x3c: {  	[sflag:s20] =	ssyncset.done $0x0;
	(pc) =	sbr.rel @p0 .LBB2_2-.Ltmp0, $4  }
0x3d: {  	s25 =	sadd.s32 $0x1480, s25;
	[sflag:s20] =	ssyncadd.s32 $0xFFFFC000  }
0x3e: {  	[spmem:s1] =	stream.indirect.scatter.add.f32 [tilespmem:s18], [sflag:$0x3], $0x80, s25, s14, $0xb8;
	[tilespmem:$0x1E800] =	vst v63  }
0x3f: {  	_ =	swait.ge [sflag:s12], $0x4000  }
0x40: {  	s26 =	smov.u32 s30;
	s25 =	sshra.s32 s29, $0x2;
	[sflag:s12] =	ssyncset.done $0x0  }
0x41: {  	s26 =	sadd.s32 $0x80, s25;
	[sflag:s12] =	ssyncadd.s32 $0xFFFFC000  }
0x42: {  	[tilespmem:s18], [sflag:$0x2] =	stream.indirect.gather [hbm4b:s4+s14], $0x80, s26, s14, $0xb8;
	[tilespmem:$0x1E800] =	vst v63  }
0x43: {  	_ =	swait.ge [sflag:s19], $0x4000  }
0x44: {  	[sflag:s19] =	ssyncset.done $0x0  }
0x45: {  	s29 =	sadd.s32 $0x1400, s25;
	[sflag:s19] =	ssyncadd.s32 $0xFFFFC000  }
0x46: {  	[spmem:s1] =	stream.indirect.scatter.add.f32 [tilespmem:s15], [sflag:$0x3], $0x80, s29, s14, $0xb8;
	[tilespmem:$0x1E800] =	vst v63  }
0x47: {  	_ =	swait.ge [sflag:s12], $0x4000  }
0x48: {  	[sflag:s12] =	ssyncset.done $0x0  }
0x49: {  	s30 =	sadd.s32 $0x100, s25;
	[sflag:s12] =	ssyncadd.s32 $0xFFFFC000  }
0x4a: {  	[tilespmem:s15], [sflag:$0x1] =	stream.indirect.gather [hbm4b:s4+s14], $0x80, s30, s14, $0xb8;
	[tilespmem:$0x1E800] =	vst v63  }
0x4b: {  	_ =	swait.ge [sflag:s20], $0x4000  }
0x4c: {  	[sflag:s20] =	ssyncset.done $0x0  }
0x4d: {  	s31 =	sadd.s32 $0x1480, s25;
	[sflag:s20] =	ssyncadd.s32 $0xFFFFC000  }
0x4e: {  	[spmem:s1] =	stream.indirect.scatter.add.f32 [tilespmem:s18], [sflag:$0x3], $0x80, s31, s14, $0xb8;
	[tilespmem:$0x1E800] =	vst v63  }
0x4f: {  	_ =	swait.ge [sflag:s12], $0x4000  }
0x50: {  	[sflag:s12] =	ssyncset.done $0x0  }
0x51: {  	[sflag:s12] =	ssyncadd.s32 $0xFFFFC000  }
0x52: {  	[tilespmem:s18], [sflag:$0x2] =	stream.indirect.gather [hbm4b:s4+s14], $0x80, s21, s14, $0xb8;
	[tilespmem:$0x1E800] =	vst v63  }
0x53: {  	_ =	swait.ge [sflag:s19], $0x4000  }
0x54: {  	[sflag:s19] =	ssyncset.done $0x0  }
0x55: {  	[sflag:s19] =	ssyncadd.s32 $0xFFFFC000  }
0x56: {  	[spmem:s1] =	stream.indirect.scatter.add.f32 [tilespmem:s15], [sflag:$0x3], $0x80, s22, s14, $0xb8;
	[tilespmem:$0x1E800] =	vst v63  }
0x57: {  	_ =	swait.ge [sflag:s12], $0x4000  }
0x58: {  	[sflag:s12] =	ssyncset.done $0x0  }
0x59: {  	[sflag:s12] =	ssyncadd.s32 $0xFFFFC000  }
0x5a: {  	_ =	swait.ge [sflag:s20], $0x4000  }
0x5b: {  	[sflag:s20] =	ssyncset.done $0x0  }
0x5c: {  	[sflag:s20] =	ssyncadd.s32 $0xFFFFC000  }
0x5d: {  	[spmem:s1] =	stream.indirect.scatter.add.f32 [tilespmem:s18], [sflag:$0x3], $0x80, s23, s14, $0xb8;
	[tilespmem:$0x1E800] =	vst v63  }
0x5e: {  	_ =	swait.ge [sflag:s12], $0x4000  }
0x5f: {  	[sflag:s12] =	ssyncset.done $0x0  }
0x60: {  	s26 =	simm.s32 $0x0;
	[sflag:s12] =	ssyncadd.s32 $0xFFFFC000  }
0x61: {  	[tilespmem:s26], [sflag:$0x3] =	stream.linear.gather [hbm4b:s8+s26], $0x1400, $0x38;
	[tilespmem:$0x1E800] =	vst v63  }
0x62: {  	_ =	swait.ge [sflag:s12], $0x1400  }
0x63: {  	[sflag:s12] =	ssyncset.done $0x0  }
0x64: {  	[sflag:s12] =	ssyncadd.s32 $0xFFFFEC00  }
0x65: {  	[tilespmem:s13], [sflag:$0x3] =	stream.linear.gather [hbm4b:s9+s26], $0x1400, $0x38;
	[tilespmem:$0x1E800] =	vst v63  }
0x66: {  	_ =	swait.ge [sflag:s12], $0x1400  }
0x67: {  	[sflag:s12] =	ssyncset.done $0x0  }
0x68: {  	[sflag:s12] =	ssyncadd.s32 $0xFFFFEC00  }
0x69: {  	[tilespmem:s15], [sflag:$0x1] =	stream.indirect.gather [hbm4b:s4+s14], $0x80, s26, s14, $0xb8;
	[tilespmem:$0x1E800] =	vst v63  }
0x6a: {  	s28 =	simm.s32 $0x80  }
0x6b: {  	[tilespmem:s18], [sflag:$0x2] =	stream.indirect.gather [hbm4b:s4+s14], $0x80, s28, s14, $0xb8;
	[tilespmem:$0x1E800] =	vst v63  }
0x6c: {  	_ =	swait.ge [sflag:s19], $0x4000  }
0x6d: {  	[sflag:s19] =	ssyncset.done $0x0  }
0x6e: {  	s29 =	simm.s32 $0x1400;
	[sflag:s19] =	ssyncadd.s32 $0xFFFFC000  }
0x6f: {  	[spmem:s1] =	stream.indirect.scatter.add.f32 [tilespmem:s15], [sflag:$0x3], $0x80, s29, s14, $0xb8;
	[tilespmem:$0x1E800] =	vst v63  }
0x70: {  	_ =	swait.ge [sflag:s12], $0x4000  }
0x71: {  	[sflag:s12] =	ssyncset.done $0x0  }
0x72: {  	s30 =	simm.s32 $0x100;
	[sflag:s12] =	ssyncadd.s32 $0xFFFFC000  }
0x73: {  	[tilespmem:s15], [sflag:$0x1] =	stream.indirect.gather [hbm4b:s4+s14], $0x80, s30, s14, $0xb8;
	[tilespmem:$0x1E800] =	vst v63  }
0x74: {  	_ =	swait.ge [sflag:s20], $0x4000  }
0x75: {  	[sflag:s20] =	ssyncset.done $0x0  }
0x76: {  	s31 =	simm.s32 $0x1480;
	[sflag:s20] =	ssyncadd.s32 $0xFFFFC000  }
0x77: {  	[spmem:s1] =	stream.indirect.scatter.add.f32 [tilespmem:s18], [sflag:$0x3], $0x80, s31, s14, $0xb8;
	[tilespmem:$0x1E800] =	vst v63  }
0x78: {  	_ =	swait.ge [sflag:s12], $0x4000  }
0x79: {  	s25 =	simm.s32 $0x100;
	s26 =	simm.s32 $0x800;
	[sflag:s12] =	ssyncset.done $0x0  }
.LBB2_4:
0x7a: {  	s28 =	sadd.s32 $0x80, s25  }
0x7b: {  	[sflag:s12] =	ssyncadd.s32 $0xFFFFC000;
	s29 =	smov.u32 s26;
	s30 =	sadd.s32 $0x400, s26  }
0x7c: {  	[tilespmem:s18], [sflag:$0x2] =	stream.indirect.gather [hbm4b:s4+s14], $0x80, s28, s14, $0xb8;
	[tilespmem:$0x1E800] =	vst v63  }
0x7d: {  	p0 =	sne.s32 s26, $0x4800;
	_ =	swait.ge [sflag:s19], $0x4000  }
0x7e: {  	[sflag:s19] =	ssyncset.done $0x0  }
0x7f: {  	s26 =	sadd.s32 $0x1400, s25;
	[sflag:s19] =	ssyncadd.s32 $0xFFFFC000  }
0x80: {  	[spmem:s1] =	stream.indirect.scatter.add.f32 [tilespmem:s15], [sflag:$0x3], $0x80, s26, s14, $0xb8;
	[tilespmem:$0x1E800] =	vst v63  }
0x81: {  	_ =	swait.ge [sflag:s12], $0x4000  }
0x82: {  	[sflag:s12] =	ssyncset.done $0x0  }
0x83: {  	s26 =	sadd.s32 $0x100, s25;
	[sflag:s12] =	ssyncadd.s32 $0xFFFFC000  }
0x84: {  	[tilespmem:s15], [sflag:$0x1] =	stream.indirect.gather [hbm4b:s4+s14], $0x80, s26, s14, $0xb8;
	[tilespmem:$0x1E800] =	vst v63  }
0x85: {  	_ =	swait.ge [sflag:s20], $0x4000  }
.Ltmp1:
0x86: {  	[sflag:s20] =	ssyncset.done $0x0;
	(pc) =	sbr.rel @p0 .LBB2_4-.Ltmp1, $4  }
0x87: {  	s25 =	sadd.s32 $0x1480, s25;
	[sflag:s20] =	ssyncadd.s32 $0xFFFFC000  }
0x88: {  	[spmem:s1] =	stream.indirect.scatter.add.f32 [tilespmem:s18], [sflag:$0x3], $0x80, s25, s14, $0xb8;
	[tilespmem:$0x1E800] =	vst v63  }
0x89: {  	_ =	swait.ge [sflag:s12], $0x4000  }
0x8a: {  	s26 =	smov.u32 s30;
	s25 =	sshra.s32 s29, $0x2;
	[sflag:s12] =	ssyncset.done $0x0  }
0x8b: {  	s26 =	sadd.s32 $0x80, s25;
	[sflag:s12] =	ssyncadd.s32 $0xFFFFC000  }
0x8c: {  	[tilespmem:s18], [sflag:$0x2] =	stream.indirect.gather [hbm4b:s4+s14], $0x80, s26, s14, $0xb8;
	[tilespmem:$0x1E800] =	vst v63  }
0x8d: {  	_ =	swait.ge [sflag:s19], $0x4000  }
0x8e: {  	[sflag:s19] =	ssyncset.done $0x0  }
0x8f: {  	s29 =	sadd.s32 $0x1400, s25;
	[sflag:s19] =	ssyncadd.s32 $0xFFFFC000  }
0x90: {  	[spmem:s1] =	stream.indirect.scatter.add.f32 [tilespmem:s15], [sflag:$0x3], $0x80, s29, s14, $0xb8;
	[tilespmem:$0x1E800] =	vst v63  }
0x91: {  	_ =	swait.ge [sflag:s12], $0x4000  }
0x92: {  	[sflag:s12] =	ssyncset.done $0x0  }
0x93: {  	s30 =	sadd.s32 $0x100, s25;
	[sflag:s12] =	ssyncadd.s32 $0xFFFFC000  }
0x94: {  	[tilespmem:s15], [sflag:$0x1] =	stream.indirect.gather [hbm4b:s4+s14], $0x80, s30, s14, $0xb8;
	[tilespmem:$0x1E800] =	vst v63  }
0x95: {  	_ =	swait.ge [sflag:s20], $0x4000  }
0x96: {  	[sflag:s20] =	ssyncset.done $0x0  }
0x97: {  	s31 =	sadd.s32 $0x1480, s25;
	[sflag:s20] =	ssyncadd.s32 $0xFFFFC000  }
0x98: {  	[spmem:s1] =	stream.indirect.scatter.add.f32 [tilespmem:s18], [sflag:$0x3], $0x80, s31, s14, $0xb8;
	[tilespmem:$0x1E800] =	vst v63  }
0x99: {  	_ =	swait.ge [sflag:s12], $0x4000  }
0x9a: {  	[sflag:s12] =	ssyncset.done $0x0  }
0x9b: {  	[sflag:s12] =	ssyncadd.s32 $0xFFFFC000  }
0x9c: {  	[tilespmem:s18], [sflag:$0x2] =	stream.indirect.gather [hbm4b:s4+s14], $0x80, s21, s14, $0xb8;
	[tilespmem:$0x1E800] =	vst v63  }
0x9d: {  	_ =	swait.ge [sflag:s19], $0x4000  }
0x9e: {  	[sflag:s19] =	ssyncset.done $0x0  }
0x9f: {  	[sflag:s19] =	ssyncadd.s32 $0xFFFFC000  }
0xa0: {  	[spmem:s1] =	stream.indirect.scatter.add.f32 [tilespmem:s15], [sflag:$0x3], $0x80, s22, s14, $0xb8;
	[tilespmem:$0x1E800] =	vst v63  }
0xa1: {  	_ =	swait.ge [sflag:s12], $0x4000  }
0xa2: {  	[sflag:s12] =	ssyncset.done $0x0  }
0xa3: {  	[sflag:s12] =	ssyncadd.s32 $0xFFFFC000  }
0xa4: {  	_ =	swait.ge [sflag:s20], $0x4000  }
0xa5: {  	[sflag:s20] =	ssyncset.done $0x0  }
0xa6: {  	[sflag:s20] =	ssyncadd.s32 $0xFFFFC000  }
0xa7: {  	[spmem:s1] =	stream.indirect.scatter.add.f32 [tilespmem:s18], [sflag:$0x3], $0x80, s23, s14, $0xb8;
	[tilespmem:$0x1E800] =	vst v63  }
0xa8: {  	_ =	swait.ge [sflag:s12], $0x4000  }
0xa9: {  	s24 =	sadd.s32 $0x1, s24;
	[sflag:s12] =	ssyncset.done $0x0  }
0xaa: {  	p0 =	sne.s32 s24, s10;
	[sflag:s12] =	ssyncadd.s32 $0xFFFFC000  }
.Ltmp2:
0xab: {  	[bflag:$0x0] =	sbarrier.arrive $0xFFFF;
	(pc) =	sbr.rel @p0 .LBB2_1-.Ltmp2, $4  }
0xac: {  	[hbm:s11], [sflag:s16] =	dma.local [spmem:s17], $0x2800  }
0xad: {  	_ =	swait.ge [sflag:s12], $0x2800  }
0xae: {  	[sflag:s12] =	ssyncset.done $0x0  }
0xaf: {  	[sflag:s12] =	ssyncadd.s32 $0xFFFFD800  }
0xb0: {  	_ =	sfence.sel $0x180000  }
0xb1: {  	[bflag:$0x0] =	sbarrier.arrive $0xFFFF  }
0xb2: {  	p0 =	sne.s32 s2, $0x0;
	_ =	strace $0x90000050  }
0xb3: {  	s0 =	sadd.s32 @!p0 $0x100000, s0;
	[bflag:$0x2] =	sbarrier.arrive $0xFFFF  }
0xb4: {  	[sflag:s0] =	ssyncadd.tile.s32 @!p0 $0x1;
	_ =	shalt  }
.Lfunc_end2:
_tile_overlayer_lowered:
.L_overlay_start_2:
0xb5: {  	(tag) =	ssettag $0x2  }
0xb6: {  	s0 =	rddreg [dreg:$0x0];
	s2 =	stileid.u32  }
0xb7: {  	s1 =	rddreg [dreg:$0x1];
	p0 =	sne.s32 s2, $0x0  }
0xb8: {  	s3 =	rddreg [dreg:$0x2];
	[bflag:$0x3] =	sbarrier.arrive $0xFFFF;
	s2 =	simm.s32 @!p0 $0x1C03  }
0xb9: {  	[timem:s3], [sflag:s2] =	dma.local @!p0 [hbm:s0], s1  }
0xba: {  	s0 =	simm.s32 @!p0 $0x3  }
0xbb: {  	_ =	swait.ge @!p0 [sflag:s0], s1  }
0xbc: {  	s1 =	ssub.s32 @!p0 $0x0, s1;
	[sflag:s0] =	ssyncset.done @!p0 $0x0  }
0xbd: {  	[sflag:s0] =	ssyncadd.s32 @!p0 s1  }
0xbe: {  	[bflag:$0x3] =	sbarrier.arrive $0xFFFF  }
0xbf: {  	_ =	shalt  }

</sc_bundles>
